<compile_context>
chip_gen: v7x
topology: tpu7x:2x2x1
jax: 0.10.2.dev20260603
libtpu: 0.0.44.dev20260713+nightly
codegen_flags: <defaults>
</compile_context>

<pallas_src>
import jax
import jax.numpy as jnp
from jax import lax
from jax.experimental import pallas as pl
from jax.experimental.pallas import tpu as pltpu
from jax.experimental.pallas import tpu_sc as plsc

N = 10000
D = 128
E = 320000
NC, NS = 2, 16
NW = NC * NS
C = 128
NCHUNK = 80
NBUF = 2
NGRP = NCHUNK // NBUF
EPT = NCHUNK * C
E_PAD = EPT * NW
ROWS_PT = 624
TAIL_BASE = ROWS_PT * NS
TAIL_N = N - TAIL_BASE
PAD_ROW = N
SH_ROWS = N + 8
TAIL_Z = SH_ROWS - TAIL_BASE
R = 1000
G = N // R


SH_ROWS_DG = 10016
TAIL_Z_DG = SH_ROWS_DG - TAIL_BASE


def _sc_degree(dst2, zdg, ones_rows):
  scratch = [
      [pltpu.VMEM((C,), jnp.int32) for _ in range(NBUF)],
      pltpu.VMEM((C, D), jnp.float32),
      pltpu.VMEM_SHARED((SH_ROWS_DG, D), jnp.float32),
      pltpu.SemaphoreType.DMA((NBUF,)),
      pltpu.SemaphoreType.DMA((NBUF,)),
  ]
  mesh = plsc.VectorSubcoreMesh(core_axis_name="c", subcore_axis_name="s")

  def body(dst_hbm, zdg_hbm, ones_hbm, deg_out, idst, ones_v, sh_dg,
           isem, ssem):
    c = lax.axis_index("c")
    s = lax.axis_index("s")
    base = (c * NS + s) * NCHUNK
    pltpu.sync_copy(ones_hbm, ones_v)
    pltpu.sync_copy(zdg_hbm, sh_dg.at[pl.ds(s * ROWS_PT, ROWS_PT)])

    @pl.when(s == 0)
    def _():
      pltpu.sync_copy(zdg_hbm.at[pl.ds(0, TAIL_Z_DG)],
                      sh_dg.at[pl.ds(TAIL_BASE, TAIL_Z_DG)])
    plsc.subcore_barrier()

    def fire_idx(j, b):
      pltpu.async_copy(dst_hbm.at[base + j], idst[b], isem.at[b])

    def wait_idx(j, b):
      pltpu.make_async_copy(dst_hbm.at[base + j], idst[b], isem.at[b]).wait()

    for b in range(NBUF):
      fire_idx(b, b)

    def group(g, last):
      descs = []
      for b in range(NBUF):
        wait_idx(g * NBUF + b, b)
        descs.append(pltpu.async_copy(ones_v, sh_dg.at[idst[b]],
                                      ssem.at[b], add=True))
      for b in range(NBUF):
        descs[b].wait()
        if not last:
          fire_idx(g * NBUF + b + NBUF, b)

    @pl.loop(0, NGRP - 1)
    def _(g):
      group(g, last=False)

    group(NGRP - 1, last=True)
    plsc.subcore_barrier()

    pltpu.sync_copy(sh_dg.at[pl.ds(s * ROWS_PT, ROWS_PT)],
                    deg_out.at[c, pl.ds(s * ROWS_PT, ROWS_PT)])

    @pl.when(s == 0)
    def _():
      pltpu.sync_copy(sh_dg.at[pl.ds(TAIL_BASE, TAIL_N)],
                      deg_out.at[c, pl.ds(TAIL_BASE, TAIL_N)])

  fn = pl.kernel(body,
                 out_type=[jax.ShapeDtypeStruct((NC, N, D), jnp.float32)],
                 mesh=mesh, scratch_types=scratch)
  return fn(dst2, zdg, ones_rows)


def _sc_aggregate(h, src2, dst2, z128):
  scratch = [
      pltpu.VMEM((NCHUNK, C), jnp.int32),
      [pltpu.VMEM((C,), jnp.int32) for _ in range(NBUF)],
      pltpu.VMEM((NBUF, C, D), jnp.float32),
      pltpu.VMEM_SHARED((SH_ROWS, D), jnp.float32),
      pltpu.SemaphoreType.DMA((NBUF,)),
      pltpu.SemaphoreType.DMA((NBUF,)),
      pltpu.SemaphoreType.DMA((NBUF,)),
  ]
  mesh = plsc.VectorSubcoreMesh(core_axis_name="c", subcore_axis_name="s")

  def body(h_hbm, src_hbm, dst_hbm, z128_hbm, p_out,
           isrc, idst, rows, sh_p, isem, gsem, ssem):
    c = lax.axis_index("c")
    s = lax.axis_index("s")
    w = c * NS + s
    base = w * NCHUNK

    pltpu.sync_copy(src_hbm.at[pl.ds(base, NCHUNK)], isrc)
    pltpu.sync_copy(z128_hbm, sh_p.at[pl.ds(s * ROWS_PT, ROWS_PT)])

    @pl.when(s == 0)
    def _():
      pltpu.sync_copy(z128_hbm.at[pl.ds(0, TAIL_Z)],
                      sh_p.at[pl.ds(TAIL_BASE, TAIL_Z)])
    plsc.subcore_barrier()

    def fire_idx(j, b):
      pltpu.async_copy(dst_hbm.at[base + j], idst[b], isem.at[b])

    def wait_idx(j, b):
      pltpu.make_async_copy(dst_hbm.at[base + j], idst[b], isem.at[b]).wait()

    def fire_gather(j, b):
      pltpu.async_copy(h_hbm.at[isrc.at[j]], rows.at[b], gsem.at[b])

    def wait_gather(j, b):
      pltpu.make_async_copy(h_hbm.at[isrc.at[j]], rows.at[b],
                            gsem.at[b]).wait()

    def fire_scatter(b):
      return pltpu.async_copy(rows.at[b], sh_p.at[idst[b]],
                              ssem.at[b], add=True)

    for b in range(NBUF):
      fire_idx(b, b)
      fire_gather(b, b)

    def group(g, last):
      descs = []
      for b in range(NBUF):
        j = g * NBUF + b
        wait_gather(j, b)
        wait_idx(j, b)
        descs.append(fire_scatter(b))
      for b in range(NBUF):
        descs[b].wait()
        if not last:
          jn = g * NBUF + b + NBUF
          fire_idx(jn, b)
          fire_gather(jn, b)

    @pl.loop(0, NGRP - 1)
    def _(g):
      group(g, last=False)

    group(NGRP - 1, last=True)
    plsc.subcore_barrier()

    pltpu.sync_copy(sh_p.at[pl.ds(s * ROWS_PT, ROWS_PT)],
                    p_out.at[c, pl.ds(s * ROWS_PT, ROWS_PT)])

    @pl.when(s == 0)
    def _():
      pltpu.sync_copy(sh_p.at[pl.ds(TAIL_BASE, TAIL_N)],
                      p_out.at[c, pl.ds(TAIL_BASE, TAIL_N)])

  fn = pl.kernel(body,
                 out_type=[jax.ShapeDtypeStruct((NC, N, D), jnp.float32)],
                 mesh=mesh, scratch_types=scratch)
  return fn(h, src2, dst2, z128)


def _combine0(h, p0, p1, d0, d1, ws, wn, bias2):
  def body(h_r, p0_r, p1_r, d0_r, d1_r, ws_r, wn_r, b_r, out_r, inv_r):
    deg = (d0_r[...][:, 0:1].astype(jnp.float32)
           + d1_r[...][:, 0:1].astype(jnp.float32))
    inv = 1.0 / jnp.maximum(deg, 1.0)
    inv_r[...] = inv
    mean = (p0_r[...] + p1_r[...]) * inv
    acc = jnp.dot(h_r[...], ws_r[...], preferred_element_type=jnp.float32)
    acc = acc + jnp.dot(mean, wn_r[...], preferred_element_type=jnp.float32)
    acc = acc + b_r[...]
    out_r[...] = jnp.maximum(acc, 0.0)

  return pl.pallas_call(
      body,
      grid=(G,),
      in_specs=[
          pl.BlockSpec((R, D), lambda i: (i, 0)),
          pl.BlockSpec((R, D), lambda i: (i, 0)),
          pl.BlockSpec((R, D), lambda i: (i, 0)),
          pl.BlockSpec((R, D), lambda i: (i, 0)),
          pl.BlockSpec((R, D), lambda i: (i, 0)),
          pl.BlockSpec((D, D), lambda i: (0, 0)),
          pl.BlockSpec((D, D), lambda i: (0, 0)),
          pl.BlockSpec((1, D), lambda i: (0, 0)),
      ],
      out_specs=[
          pl.BlockSpec((R, D), lambda i: (i, 0)),
          pl.BlockSpec((R, 1), lambda i: (i, 0)),
      ],
      out_shape=[
          jax.ShapeDtypeStruct((N, D), jnp.float32),
          jax.ShapeDtypeStruct((N, 1), jnp.float32),
      ],
  )(h, p0, p1, d0, d1, ws, wn, bias2)


def _combine(h, p0, p1, inv, ws, wn, bias2, relu):
  def body(h_r, p0_r, p1_r, inv_r, ws_r, wn_r, b_r, out_r):
    mean = (p0_r[...] + p1_r[...]) * inv_r[...]
    acc = jnp.dot(h_r[...], ws_r[...], preferred_element_type=jnp.float32)
    acc = acc + jnp.dot(mean, wn_r[...], preferred_element_type=jnp.float32)
    acc = acc + b_r[...]
    out_r[...] = jnp.maximum(acc, 0.0) if relu else acc

  return pl.pallas_call(
      body,
      grid=(G,),
      in_specs=[
          pl.BlockSpec((R, D), lambda i: (i, 0)),
          pl.BlockSpec((R, D), lambda i: (i, 0)),
          pl.BlockSpec((R, D), lambda i: (i, 0)),
          pl.BlockSpec((R, 1), lambda i: (i, 0)),
          pl.BlockSpec((D, D), lambda i: (0, 0)),
          pl.BlockSpec((D, D), lambda i: (0, 0)),
          pl.BlockSpec((1, D), lambda i: (0, 0)),
      ],
      out_specs=pl.BlockSpec((R, D), lambda i: (i, 0)),
      out_shape=jax.ShapeDtypeStruct((N, D), jnp.float32),
  )(h, p0, p1, inv, ws, wn, bias2)


def kernel(x, edge_index, W_self0, W_neigh0, b0, W_self1, W_neigh1, b1,
           W_self2, W_neigh2, b2):
  src = edge_index[0].astype(jnp.int32)
  dst = edge_index[1].astype(jnp.int32)
  src2 = jnp.concatenate(
      [src, jnp.zeros((E_PAD - E,), jnp.int32)]).reshape(E_PAD // C, C)
  dst2 = jnp.concatenate(
      [dst, jnp.full((E_PAD - E,), PAD_ROW, jnp.int32)]).reshape(E_PAD // C, C)
  z128 = jnp.zeros((ROWS_PT, D), jnp.float32)
  zdg = jnp.zeros((ROWS_PT, D), jnp.float32)
  ones_rows = jnp.ones((C, D), jnp.float32)

  (deg,) = _sc_degree(dst2, zdg, ones_rows)
  (p,) = _sc_aggregate(x, src2, dst2, z128)
  h1, inv = _combine0(x, p[0], p[1], deg[0], deg[1], W_self0, W_neigh0,
                      b0.reshape(1, D))
  (p,) = _sc_aggregate(h1, src2, dst2, z128)
  h2 = _combine(h1, p[0], p[1], inv, W_self1, W_neigh1, b1.reshape(1, D),
                relu=True)
  (p,) = _sc_aggregate(h2, src2, dst2, z128)
  h3 = _combine(h2, p[0], p[1], inv, W_self2, W_neigh2, b2.reshape(1, D),
                relu=False)
  return h3

# --- scband reference (transcript-rebuilt; emitter-appended) ---
"""Pipeline reference for scband-sage-25151328485677 (READ-ONLY COPY).

The authoritative reference and input builder live on the scoring server;
editing this copy changes nothing except your own understanding.
"""

import jax, jax.numpy as jnp
import numpy as np

N_NODES = 10000
N_EDGES = 320000
D_IN = 128
D_HID = 128
D_OUT = 128


def setup_inputs(seed: int = 0) -> dict:
    key = jax.random.key(seed)
    ks = jax.random.split(key, 12)
    x = jax.random.normal(ks[0], (N_NODES, D_IN), dtype=jnp.float32)
    edge_index = jax.random.randint(ks[1], (2, N_EDGES), 0, N_NODES, dtype=jnp.int64)
    def glorot(k, fan_in, fan_out):
        lim = jnp.sqrt(6.0 / (fan_in + fan_out))
        return jax.random.uniform(k, (fan_in, fan_out), dtype=jnp.float32, minval=-lim, maxval=lim)
    dims = [(D_IN, D_HID), (D_HID, D_HID), (D_HID, D_OUT)]
    inp = {"x": x, "edge_index": edge_index}
    for i, (di, do) in enumerate(dims):
        inp[f"W_self{i}"] = glorot(ks[2 + 3 * i], di, do)
        inp[f"W_neigh{i}"] = glorot(ks[3 + 3 * i], di, do)
        inp[f"b{i}"] = jnp.zeros((do,), dtype=jnp.float32)
    return inp


def _sage_conv(h, src, dst, W_self, W_neigh, b):
    # DGL SAGEConv('mean'): rst = fc_self(h_dst) + fc_neigh(mean_{src->dst}(h_src)) + bias
    msg = jnp.take(h, src, axis=0)                      # gather over edges
    agg = jax.ops.segment_sum(msg, dst, num_segments=N_NODES)  # scatter-add by dst
    deg = jax.ops.segment_sum(jnp.ones((src.shape[0],), dtype=h.dtype), dst, num_segments=N_NODES)
    mean_neigh = agg / jnp.clip(deg, 1.0, None)[:, None]
    return h @ W_self + mean_neigh @ W_neigh + b


def reference(x, edge_index, W_self0, W_neigh0, b0, W_self1, W_neigh1, b1, W_self2, W_neigh2, b2):
    src = edge_index[0]
    dst = edge_index[1]
    h = x
    params = [(W_self0, W_neigh0, b0), (W_self1, W_neigh1, b1), (W_self2, W_neigh2, b2)]
    n_layers = len(params)
    for i, (Ws, Wn, b) in enumerate(params):
        h = _sage_conv(h, src, dst, Ws, Wn, b)
        if i != n_layers - 1:
            h = jax.nn.relu(h)
            # dropout(0.5) is identity in eval mode
    return h

if __name__ == "__main__":
    import jax
    _d = setup_inputs()
    print(jax.jit(kernel)(*tuple(_d.values())))

</pallas_src>

<mosaic_0001>
#map = affine_map<(d0, d1) -> (0, 0)>
#map1 = affine_map<(d0, d1) -> (0, 0, 0)>
module attributes {stable_mosaic.version = 14 : i64} {
  func.func @body(%arg0: i32, %arg1: i32, %arg2: memref<2560x128xi32, #tpu.memory_space<hbm>>, %arg3: memref<624x128xf32, #tpu.memory_space<hbm>>, %arg4: memref<128x128xf32, #tpu.memory_space<hbm>>, %arg5: memref<2x10000x128xf32, #tpu.memory_space<hbm>>, %arg6: memref<128xi32, #tpu.memory_space<vmem>>, %arg7: memref<128xi32, #tpu.memory_space<vmem>>, %arg8: memref<128x128xf32, #tpu.memory_space<vmem>>, %arg9: memref<10016x128xf32, #tpu.memory_space<vmem_shared>>, %arg10: memref<2x!tpu.dma_semaphore, #tpu.memory_space<semaphore_mem>>, %arg11: memref<2x!tpu.dma_semaphore, #tpu.memory_space<semaphore_mem>>) attributes {dimension_semantics = [#tpu.dimension_semantics<core_parallel>, #tpu.dimension_semantics<subcore_parallel>], iteration_bounds = array<i64: 2, 16>, scalar_prefetch = 0 : i64, scratch_operands = 6 : i64, tpu.core_type = #tpu.core_type<sc_vector_subcore>, window_params = [{transform_indices = #map}, {transform_indices = #map}, {transform_indices = #map}, {transform_indices = #map1}]} {
    %mul3A = arith.constant 16 : i32
    %mul3A_0 = arith.muli %arg0, %mul3A : i32
    %add3A = arith.addi %mul3A_0, %arg1 : i32
    %mul3A_1 = arith.constant 80 : i32
    %mul3A_2 = arith.muli %add3A, %mul3A_1 : i32
    "tpu.region"() ({
      %run_scoped3A = tpu.sem_alloc : memref<!tpu.dma_semaphore, #tpu.memory_space<semaphore_mem>>
      tpu.enqueue_dma source(%arg4 : memref<128x128xf32, #tpu.memory_space<hbm>>) target(%arg8 : memref<128x128xf32, #tpu.memory_space<vmem>>) target_semaphore(%run_scoped3A : memref<!tpu.dma_semaphore, #tpu.memory_space<semaphore_mem>>)
      tpu.wait_dma2 semaphore(%run_scoped3A : memref<!tpu.dma_semaphore, #tpu.memory_space<semaphore_mem>>) src(%arg4 : memref<128x128xf32, #tpu.memory_space<hbm>>) dst(%arg8 : memref<128x128xf32, #tpu.memory_space<vmem>>)
      tpu.yield
    }) : () -> ()
    %mul3A_3 = arith.constant 624 : i32
    %mul3A_4 = arith.muli %arg1, %mul3A_3 : i32
    "tpu.region"() ({
      %run_scoped3A = tpu.sem_alloc : memref<!tpu.dma_semaphore, #tpu.memory_space<semaphore_mem>>
      %dma_start3A_87 = arith.constant 0 : i32
      %dma_start3A_88 = tpu.memref_slice %arg9[%mul3A_4, %dma_start3A_87] : memref<10016x128xf32, #tpu.memory_space<vmem_shared>> -> memref<624x128xf32, #tpu.memory_space<vmem_shared>>
      tpu.enqueue_dma source(%arg3 : memref<624x128xf32, #tpu.memory_space<hbm>>) target(%dma_start3A_88 : memref<624x128xf32, #tpu.memory_space<vmem_shared>>) target_semaphore(%run_scoped3A : memref<!tpu.dma_semaphore, #tpu.memory_space<semaphore_mem>>)
      %dma_wait3A_89 = arith.constant 0 : i32
      %dma_wait3A_90 = tpu.memref_slice %arg9[%mul3A_4, %dma_wait3A_89] : memref<10016x128xf32, #tpu.memory_space<vmem_shared>> -> memref<624x128xf32, #tpu.memory_space<vmem_shared>>
      tpu.wait_dma2 semaphore(%run_scoped3A : memref<!tpu.dma_semaphore, #tpu.memory_space<semaphore_mem>>) src(%arg3 : memref<624x128xf32, #tpu.memory_space<hbm>>) dst(%dma_wait3A_90 : memref<624x128xf32, #tpu.memory_space<vmem_shared>>)
      tpu.yield
    }) : () -> ()
    %eq3A = arith.constant 0 : i32
    %eq3A_5 = arith.cmpi eq, %arg1, %eq3A : i32
    %convert_element_type3A = arith.extui %eq3A_5 : i1 to i32
    %cond3A = arith.constant 0 : i32
    %cond3A_6 = arith.cmpi ne, %convert_element_type3A, %cond3A : i32
    scf.if %cond3A_6 {
      "tpu.region"() ({
        %run_scoped3A = tpu.sem_alloc : memref<!tpu.dma_semaphore, #tpu.memory_space<semaphore_mem>>
        %dma_start3A_87 = arith.constant 9984 : i32
        %dma_start3A_88 = arith.constant 0 : i32
        %dma_start3A_89 = tpu.memref_slice %arg9[%dma_start3A_87, %dma_start3A_88] : memref<10016x128xf32, #tpu.memory_space<vmem_shared>> -> memref<32x128xf32, #tpu.memory_space<vmem_shared>>
        %dma_start3A_90 = arith.constant 0 : i32
        %dma_start3A_91 = arith.constant 0 : i32
        %dma_start3A_92 = tpu.memref_slice %arg3[%dma_start3A_90, %dma_start3A_91] : memref<624x128xf32, #tpu.memory_space<hbm>> -> memref<32x128xf32, #tpu.memory_space<hbm>>
        tpu.enqueue_dma source(%dma_start3A_92 : memref<32x128xf32, #tpu.memory_space<hbm>>) target(%dma_start3A_89 : memref<32x128xf32, #tpu.memory_space<vmem_shared>>) target_semaphore(%run_scoped3A : memref<!tpu.dma_semaphore, #tpu.memory_space<semaphore_mem>>)
        %dma_wait3A_93 = arith.constant 9984 : i32
        %dma_wait3A_94 = arith.constant 0 : i32
        %dma_wait3A_95 = tpu.memref_slice %arg9[%dma_wait3A_93, %dma_wait3A_94] : memref<10016x128xf32, #tpu.memory_space<vmem_shared>> -> memref<32x128xf32, #tpu.memory_space<vmem_shared>>
        %dma_wait3A_96 = arith.constant 0 : i32
        %dma_wait3A_97 = arith.constant 0 : i32
        %dma_wait3A_98 = tpu.memref_slice %arg3[%dma_wait3A_96, %dma_wait3A_97] : memref<624x128xf32, #tpu.memory_space<hbm>> -> memref<32x128xf32, #tpu.memory_space<hbm>>
        tpu.wait_dma2 semaphore(%run_scoped3A : memref<!tpu.dma_semaphore, #tpu.memory_space<semaphore_mem>>) src(%dma_wait3A_98 : memref<32x128xf32, #tpu.memory_space<hbm>>) dst(%dma_wait3A_95 : memref<32x128xf32, #tpu.memory_space<vmem_shared>>)
        tpu.yield
      }) : () -> ()
    } else {
    }
    %barrier3A = arith.constant 0 : index
    tpu.barrier barrier_id(%barrier3A)
    %add3A_7 = arith.constant 0 : i32
    %add3A_8 = arith.addi %mul3A_2, %add3A_7 : i32
    %dma_start3A = arith.constant 0 : i32
    %dma_start3A_9 = arith.constant 0 : i32
    %dma_start3A_10 = tpu.memref_slice %arg2[%add3A_8, %dma_start3A_9] : memref<2560x128xi32, #tpu.memory_space<hbm>> -> memref<1x128xi32, #tpu.memory_space<hbm>>
    %dma_start3A_11 = tpu.memref_squeeze %dma_start3A_10 : memref<1x128xi32, #tpu.memory_space<hbm>> -> memref<128xi32, #tpu.memory_space<hbm>>
    %dma_start3A_12 = tpu.memref_slice %arg10[%dma_start3A] : memref<2x!tpu.dma_semaphore, #tpu.memory_space<semaphore_mem>> -> memref<1x!tpu.dma_semaphore, #tpu.memory_space<semaphore_mem>>
    %dma_start3A_13 = tpu.memref_squeeze %dma_start3A_12 : memref<1x!tpu.dma_semaphore, #tpu.memory_space<semaphore_mem>> -> memref<!tpu.dma_semaphore, #tpu.memory_space<semaphore_mem>>
    %dma_start3A_14 = arith.constant 0 : i32
    %dma_start3A_15 = tpu.memref_slice %arg2[%add3A_8, %dma_start3A_14] : memref<2560x128xi32, #tpu.memory_space<hbm>> -> memref<1x128xi32, #tpu.memory_space<hbm>>
    %dma_start3A_16 = tpu.memref_squeeze %dma_start3A_15 : memref<1x128xi32, #tpu.memory_space<hbm>> -> memref<128xi32, #tpu.memory_space<hbm>>
    tpu.enqueue_dma source(%dma_start3A_16 : memref<128xi32, #tpu.memory_space<hbm>>) target(%arg6 : memref<128xi32, #tpu.memory_space<vmem>>) target_semaphore(%dma_start3A_13 : memref<!tpu.dma_semaphore, #tpu.memory_space<semaphore_mem>>)
    %add3A_17 = arith.constant 1 : i32
    %add3A_18 = arith.addi %mul3A_2, %add3A_17 : i32
    %dma_start3A_19 = arith.constant 1 : i32
    %dma_start3A_20 = arith.constant 0 : i32
    %dma_start3A_21 = tpu.memref_slice %arg2[%add3A_18, %dma_start3A_20] : memref<2560x128xi32, #tpu.memory_space<hbm>> -> memref<1x128xi32, #tpu.memory_space<hbm>>
    %dma_start3A_22 = tpu.memref_squeeze %dma_start3A_21 : memref<1x128xi32, #tpu.memory_space<hbm>> -> memref<128xi32, #tpu.memory_space<hbm>>
    %dma_start3A_23 = tpu.memref_slice %arg10[%dma_start3A_19] : memref<2x!tpu.dma_semaphore, #tpu.memory_space<semaphore_mem>> -> memref<1x!tpu.dma_semaphore, #tpu.memory_space<semaphore_mem>>
    %dma_start3A_24 = tpu.memref_squeeze %dma_start3A_23 : memref<1x!tpu.dma_semaphore, #tpu.memory_space<semaphore_mem>> -> memref<!tpu.dma_semaphore, #tpu.memory_space<semaphore_mem>>
    %dma_start3A_25 = arith.constant 0 : i32
    %dma_start3A_26 = tpu.memref_slice %arg2[%add3A_18, %dma_start3A_25] : memref<2560x128xi32, #tpu.memory_space<hbm>> -> memref<1x128xi32, #tpu.memory_space<hbm>>
    %dma_start3A_27 = tpu.memref_squeeze %dma_start3A_26 : memref<1x128xi32, #tpu.memory_space<hbm>> -> memref<128xi32, #tpu.memory_space<hbm>>
    tpu.enqueue_dma source(%dma_start3A_27 : memref<128xi32, #tpu.memory_space<hbm>>) target(%arg7 : memref<128xi32, #tpu.memory_space<vmem>>) target_semaphore(%dma_start3A_24 : memref<!tpu.dma_semaphore, #tpu.memory_space<semaphore_mem>>)
    %scan3A = arith.constant 0 : i32
    %scan3A_28 = arith.constant 39 : i32
    %scan3A_29 = arith.addi %scan3A, %scan3A_28 : i32
    %scan3A_30 = arith.constant 1 : i32
    scf.for %scan3A_87 = %scan3A to %scan3A_29 step %scan3A_30  : i32 {
      %mul3A_88 = arith.constant 1 : i32
      %mul3A_89 = arith.muli %scan3A_87, %mul3A_88 : i32
      %add3A_90 = arith.constant 0 : i32
      %add3A_91 = arith.addi %add3A_90, %mul3A_89 : i32
      %mul3A_92 = arith.constant 2 : i32
      %mul3A_93 = arith.muli %add3A_91, %mul3A_92 : i32
      %add3A_94 = arith.constant 0 : i32
      %add3A_95 = arith.addi %mul3A_93, %add3A_94 : i32
      %add3A_96 = arith.addi %mul3A_2, %add3A_95 : i32
      %dma_wait3A_97 = arith.constant 0 : i32
      %dma_wait3A_98 = arith.constant 0 : i32
      %dma_wait3A_99 = tpu.memref_slice %arg2[%add3A_96, %dma_wait3A_98] : memref<2560x128xi32, #tpu.memory_space<hbm>> -> memref<1x128xi32, #tpu.memory_space<hbm>>
      %dma_wait3A_100 = tpu.memref_squeeze %dma_wait3A_99 : memref<1x128xi32, #tpu.memory_space<hbm>> -> memref<128xi32, #tpu.memory_space<hbm>>
      %dma_wait3A_101 = tpu.memref_slice %arg10[%dma_wait3A_97] : memref<2x!tpu.dma_semaphore, #tpu.memory_space<semaphore_mem>> -> memref<1x!tpu.dma_semaphore, #tpu.memory_space<semaphore_mem>>
      %dma_wait3A_102 = tpu.memref_squeeze %dma_wait3A_101 : memref<1x!tpu.dma_semaphore, #tpu.memory_space<semaphore_mem>> -> memref<!tpu.dma_semaphore, #tpu.memory_space<semaphore_mem>>
      %dma_wait3A_103 = arith.constant 0 : i32
      %dma_wait3A_104 = tpu.memref_slice %arg2[%add3A_96, %dma_wait3A_103] : memref<2560x128xi32, #tpu.memory_space<hbm>> -> memref<1x128xi32, #tpu.memory_space<hbm>>
      %dma_wait3A_105 = tpu.memref_squeeze %dma_wait3A_104 : memref<1x128xi32, #tpu.memory_space<hbm>> -> memref<128xi32, #tpu.memory_space<hbm>>
      tpu.wait_dma2 semaphore(%dma_wait3A_102 : memref<!tpu.dma_semaphore, #tpu.memory_space<semaphore_mem>>) src(%dma_wait3A_105 : memref<128xi32, #tpu.memory_space<hbm>>) dst(%arg6 : memref<128xi32, #tpu.memory_space<vmem>>)
      %dma_start3A_106 = arith.constant 0 : i32
      %dma_start3A_107 = arith.constant 0 : i32
      %dma_start3A_108 = arith.constant 0 : i32
      %dma_start3A_109 = tpu.memref_slice %arg9[%dma_start3A_107, %dma_start3A_108] : memref<10016x128xf32, #tpu.memory_space<vmem_shared>> -> memref<10016x128xf32, #tpu.memory_space<vmem_shared>>
      %dma_start3A_110 = tpu.memref_slice %arg11[%dma_start3A_106] : memref<2x!tpu.dma_semaphore, #tpu.memory_space<semaphore_mem>> -> memref<1x!tpu.dma_semaphore, #tpu.memory_space<semaphore_mem>>
      %dma_start3A_111 = tpu.memref_squeeze %dma_start3A_110 : memref<1x!tpu.dma_semaphore, #tpu.memory_space<semaphore_mem>> -> memref<!tpu.dma_semaphore, #tpu.memory_space<semaphore_mem>>
      tpu.enqueue_indirect_dma source(%arg8 : memref<128x128xf32, #tpu.memory_space<vmem>>) target(%dma_start3A_109 : memref<10016x128xf32, #tpu.memory_space<vmem_shared>>) offsets(%arg6 : memref<128xi32, #tpu.memory_space<vmem>>) semaphore(%dma_start3A_111 : memref<!tpu.dma_semaphore, #tpu.memory_space<semaphore_mem>>) {add = true}
      %mul3A_112 = arith.constant 2 : i32
      %mul3A_113 = arith.muli %add3A_91, %mul3A_112 : i32
      %add3A_114 = arith.constant 1 : i32
      %add3A_115 = arith.addi %mul3A_113, %add3A_114 : i32
      %add3A_116 = arith.addi %mul3A_2, %add3A_115 : i32
      %dma_wait3A_117 = arith.constant 1 : i32
      %dma_wait3A_118 = arith.constant 0 : i32
      %dma_wait3A_119 = tpu.memref_slice %arg2[%add3A_116, %dma_wait3A_118] : memref<2560x128xi32, #tpu.memory_space<hbm>> -> memref<1x128xi32, #tpu.memory_space<hbm>>
      %dma_wait3A_120 = tpu.memref_squeeze %dma_wait3A_119 : memref<1x128xi32, #tpu.memory_space<hbm>> -> memref<128xi32, #tpu.memory_space<hbm>>
      %dma_wait3A_121 = tpu.memref_slice %arg10[%dma_wait3A_117] : memref<2x!tpu.dma_semaphore, #tpu.memory_space<semaphore_mem>> -> memref<1x!tpu.dma_semaphore, #tpu.memory_space<semaphore_mem>>
      %dma_wait3A_122 = tpu.memref_squeeze %dma_wait3A_121 : memref<1x!tpu.dma_semaphore, #tpu.memory_space<semaphore_mem>> -> memref<!tpu.dma_semaphore, #tpu.memory_space<semaphore_mem>>
      %dma_wait3A_123 = arith.constant 0 : i32
      %dma_wait3A_124 = tpu.memref_slice %arg2[%add3A_116, %dma_wait3A_123] : memref<2560x128xi32, #tpu.memory_space<hbm>> -> memref<1x128xi32, #tpu.memory_space<hbm>>
      %dma_wait3A_125 = tpu.memref_squeeze %dma_wait3A_124 : memref<1x128xi32, #tpu.memory_space<hbm>> -> memref<128xi32, #tpu.memory_space<hbm>>
      tpu.wait_dma2 semaphore(%dma_wait3A_122 : memref<!tpu.dma_semaphore, #tpu.memory_space<semaphore_mem>>) src(%dma_wait3A_125 : memref<128xi32, #tpu.memory_space<hbm>>) dst(%arg7 : memref<128xi32, #tpu.memory_space<vmem>>)
      %dma_start3A_126 = arith.constant 1 : i32
      %dma_start3A_127 = arith.constant 0 : i32
      %dma_start3A_128 = arith.constant 0 : i32
      %dma_start3A_129 = tpu.memref_slice %arg9[%dma_start3A_127, %dma_start3A_128] : memref<10016x128xf32, #tpu.memory_space<vmem_shared>> -> memref<10016x128xf32, #tpu.memory_space<vmem_shared>>
      %dma_start3A_130 = tpu.memref_slice %arg11[%dma_start3A_126] : memref<2x!tpu.dma_semaphore, #tpu.memory_space<semaphore_mem>> -> memref<1x!tpu.dma_semaphore, #tpu.memory_space<semaphore_mem>>
      %dma_start3A_131 = tpu.memref_squeeze %dma_start3A_130 : memref<1x!tpu.dma_semaphore, #tpu.memory_space<semaphore_mem>> -> memref<!tpu.dma_semaphore, #tpu.memory_space<semaphore_mem>>
      tpu.enqueue_indirect_dma source(%arg8 : memref<128x128xf32, #tpu.memory_space<vmem>>) target(%dma_start3A_129 : memref<10016x128xf32, #tpu.memory_space<vmem_shared>>) offsets(%arg7 : memref<128xi32, #tpu.memory_space<vmem>>) semaphore(%dma_start3A_131 : memref<!tpu.dma_semaphore, #tpu.memory_space<semaphore_mem>>) {add = true}
      %dma_wait3A_132 = arith.constant 0 : i32
      %dma_wait3A_133 = arith.constant 0 : i32
      %dma_wait3A_134 = arith.constant 0 : i32
      %dma_wait3A_135 = tpu.memref_slice %arg9[%dma_wait3A_133, %dma_wait3A_134] : memref<10016x128xf32, #tpu.memory_space<vmem_shared>> -> memref<10016x128xf32, #tpu.memory_space<vmem_shared>>
      %dma_wait3A_136 = tpu.memref_slice %arg11[%dma_wait3A_132] : memref<2x!tpu.dma_semaphore, #tpu.memory_space<semaphore_mem>> -> memref<1x!tpu.dma_semaphore, #tpu.memory_space<semaphore_mem>>
      %dma_wait3A_137 = tpu.memref_squeeze %dma_wait3A_136 : memref<1x!tpu.dma_semaphore, #tpu.memory_space<semaphore_mem>> -> memref<!tpu.dma_semaphore, #tpu.memory_space<semaphore_mem>>
      tpu.wait_indirect_dma semaphore(%dma_wait3A_137 : memref<!tpu.dma_semaphore, #tpu.memory_space<semaphore_mem>>) src(%arg8 : memref<128x128xf32, #tpu.memory_space<vmem>>) dst(%dma_wait3A_135 : memref<10016x128xf32, #tpu.memory_space<vmem_shared>>)
      %mul3A_138 = arith.constant 2 : i32
      %mul3A_139 = arith.muli %add3A_91, %mul3A_138 : i32
      %add3A_140 = arith.constant 0 : i32
      %add3A_141 = arith.addi %mul3A_139, %add3A_140 : i32
      %add3A_142 = arith.constant 2 : i32
      %add3A_143 = arith.addi %add3A_141, %add3A_142 : i32
      %add3A_144 = arith.addi %mul3A_2, %add3A_143 : i32
      %dma_start3A_145 = arith.constant 0 : i32
      %dma_start3A_146 = arith.constant 0 : i32
      %dma_start3A_147 = tpu.memref_slice %arg2[%add3A_144, %dma_start3A_146] : memref<2560x128xi32, #tpu.memory_space<hbm>> -> memref<1x128xi32, #tpu.memory_space<hbm>>
      %dma_start3A_148 = tpu.memref_squeeze %dma_start3A_147 : memref<1x128xi32, #tpu.memory_space<hbm>> -> memref<128xi32, #tpu.memory_space<hbm>>
      %dma_start3A_149 = tpu.memref_slice %arg10[%dma_start3A_145] : memref<2x!tpu.dma_semaphore, #tpu.memory_space<semaphore_mem>> -> memref<1x!tpu.dma_semaphore, #tpu.memory_space<semaphore_mem>>
      %dma_start3A_150 = tpu.memref_squeeze %dma_start3A_149 : memref<1x!tpu.dma_semaphore, #tpu.memory_space<semaphore_mem>> -> memref<!tpu.dma_semaphore, #tpu.memory_space<semaphore_mem>>
      %dma_start3A_151 = arith.constant 0 : i32
      %dma_start3A_152 = tpu.memref_slice %arg2[%add3A_144, %dma_start3A_151] : memref<2560x128xi32, #tpu.memory_space<hbm>> -> memref<1x128xi32, #tpu.memory_space<hbm>>
      %dma_start3A_153 = tpu.memref_squeeze %dma_start3A_152 : memref<1x128xi32, #tpu.memory_space<hbm>> -> memref<128xi32, #tpu.memory_space<hbm>>
      tpu.enqueue_dma source(%dma_start3A_153 : memref<128xi32, #tpu.memory_space<hbm>>) target(%arg6 : memref<128xi32, #tpu.memory_space<vmem>>) target_semaphore(%dma_start3A_150 : memref<!tpu.dma_semaphore, #tpu.memory_space<semaphore_mem>>)
      %dma_wait3A_154 = arith.constant 1 : i32
      %dma_wait3A_155 = arith.constant 0 : i32
      %dma_wait3A_156 = arith.constant 0 : i32
      %dma_wait3A_157 = tpu.memref_slice %arg9[%dma_wait3A_155, %dma_wait3A_156] : memref<10016x128xf32, #tpu.memory_space<vmem_shared>> -> memref<10016x128xf32, #tpu.memory_space<vmem_shared>>
      %dma_wait3A_158 = tpu.memref_slice %arg11[%dma_wait3A_154] : memref<2x!tpu.dma_semaphore, #tpu.memory_space<semaphore_mem>> -> memref<1x!tpu.dma_semaphore, #tpu.memory_space<semaphore_mem>>
      %dma_wait3A_159 = tpu.memref_squeeze %dma_wait3A_158 : memref<1x!tpu.dma_semaphore, #tpu.memory_space<semaphore_mem>> -> memref<!tpu.dma_semaphore, #tpu.memory_space<semaphore_mem>>
      tpu.wait_indirect_dma semaphore(%dma_wait3A_159 : memref<!tpu.dma_semaphore, #tpu.memory_space<semaphore_mem>>) src(%arg8 : memref<128x128xf32, #tpu.memory_space<vmem>>) dst(%dma_wait3A_157 : memref<10016x128xf32, #tpu.memory_space<vmem_shared>>)
      %mul3A_160 = arith.constant 2 : i32
      %mul3A_161 = arith.muli %add3A_91, %mul3A_160 : i32
      %add3A_162 = arith.constant 1 : i32
      %add3A_163 = arith.addi %mul3A_161, %add3A_162 : i32
      %add3A_164 = arith.constant 2 : i32
      %add3A_165 = arith.addi %add3A_163, %add3A_164 : i32
      %add3A_166 = arith.addi %mul3A_2, %add3A_165 : i32
      %dma_start3A_167 = arith.constant 1 : i32
      %dma_start3A_168 = arith.constant 0 : i32
      %dma_start3A_169 = tpu.memref_slice %arg2[%add3A_166, %dma_start3A_168] : memref<2560x128xi32, #tpu.memory_space<hbm>> -> memref<1x128xi32, #tpu.memory_space<hbm>>
      %dma_start3A_170 = tpu.memref_squeeze %dma_start3A_169 : memref<1x128xi32, #tpu.memory_space<hbm>> -> memref<128xi32, #tpu.memory_space<hbm>>
      %dma_start3A_171 = tpu.memref_slice %arg10[%dma_start3A_167] : memref<2x!tpu.dma_semaphore, #tpu.memory_space<semaphore_mem>> -> memref<1x!tpu.dma_semaphore, #tpu.memory_space<semaphore_mem>>
      %dma_start3A_172 = tpu.memref_squeeze %dma_start3A_171 : memref<1x!tpu.dma_semaphore, #tpu.memory_space<semaphore_mem>> -> memref<!tpu.dma_semaphore, #tpu.memory_space<semaphore_mem>>
      %dma_start3A_173 = arith.constant 0 : i32
      %dma_start3A_174 = tpu.memref_slice %arg2[%add3A_166, %dma_start3A_173] : memref<2560x128xi32, #tpu.memory_space<hbm>> -> memref<1x128xi32, #tpu.memory_space<hbm>>
      %dma_start3A_175 = tpu.memref_squeeze %dma_start3A_174 : memref<1x128xi32, #tpu.memory_space<hbm>> -> memref<128xi32, #tpu.memory_space<hbm>>
      tpu.enqueue_dma source(%dma_start3A_175 : memref<128xi32, #tpu.memory_space<hbm>>) target(%arg7 : memref<128xi32, #tpu.memory_space<vmem>>) target_semaphore(%dma_start3A_172 : memref<!tpu.dma_semaphore, #tpu.memory_space<semaphore_mem>>)
    }
    %scan3A_31 = arith.constant 39 : i32
    %add3A_32 = arith.constant 78 : i32
    %add3A_33 = arith.addi %mul3A_2, %add3A_32 : i32
    %dma_wait3A = arith.constant 0 : i32
    %dma_wait3A_34 = arith.constant 0 : i32
    %dma_wait3A_35 = tpu.memref_slice %arg2[%add3A_33, %dma_wait3A_34] : memref<2560x128xi32, #tpu.memory_space<hbm>> -> memref<1x128xi32, #tpu.memory_space<hbm>>
    %dma_wait3A_36 = tpu.memref_squeeze %dma_wait3A_35 : memref<1x128xi32, #tpu.memory_space<hbm>> -> memref<128xi32, #tpu.memory_space<hbm>>
    %dma_wait3A_37 = tpu.memref_slice %arg10[%dma_wait3A] : memref<2x!tpu.dma_semaphore, #tpu.memory_space<semaphore_mem>> -> memref<1x!tpu.dma_semaphore, #tpu.memory_space<semaphore_mem>>
    %dma_wait3A_38 = tpu.memref_squeeze %dma_wait3A_37 : memref<1x!tpu.dma_semaphore, #tpu.memory_space<semaphore_mem>> -> memref<!tpu.dma_semaphore, #tpu.memory_space<semaphore_mem>>
    %dma_wait3A_39 = arith.constant 0 : i32
    %dma_wait3A_40 = tpu.memref_slice %arg2[%add3A_33, %dma_wait3A_39] : memref<2560x128xi32, #tpu.memory_space<hbm>> -> memref<1x128xi32, #tpu.memory_space<hbm>>
    %dma_wait3A_41 = tpu.memref_squeeze %dma_wait3A_40 : memref<1x128xi32, #tpu.memory_space<hbm>> -> memref<128xi32, #tpu.memory_space<hbm>>
    tpu.wait_dma2 semaphore(%dma_wait3A_38 : memref<!tpu.dma_semaphore, #tpu.memory_space<semaphore_mem>>) src(%dma_wait3A_41 : memref<128xi32, #tpu.memory_space<hbm>>) dst(%arg6 : memref<128xi32, #tpu.memory_space<vmem>>)
    %dma_start3A_42 = arith.constant 0 : i32
    %dma_start3A_43 = arith.constant 0 : i32
    %dma_start3A_44 = arith.constant 0 : i32
    %dma_start3A_45 = tpu.memref_slice %arg9[%dma_start3A_43, %dma_start3A_44] : memref<10016x128xf32, #tpu.memory_space<vmem_shared>> -> memref<10016x128xf32, #tpu.memory_space<vmem_shared>>
    %dma_start3A_46 = tpu.memref_slice %arg11[%dma_start3A_42] : memref<2x!tpu.dma_semaphore, #tpu.memory_space<semaphore_mem>> -> memref<1x!tpu.dma_semaphore, #tpu.memory_space<semaphore_mem>>
    %dma_start3A_47 = tpu.memref_squeeze %dma_start3A_46 : memref<1x!tpu.dma_semaphore, #tpu.memory_space<semaphore_mem>> -> memref<!tpu.dma_semaphore, #tpu.memory_space<semaphore_mem>>
    tpu.enqueue_indirect_dma source(%arg8 : memref<128x128xf32, #tpu.memory_space<vmem>>) target(%dma_start3A_45 : memref<10016x128xf32, #tpu.memory_space<vmem_shared>>) offsets(%arg6 : memref<128xi32, #tpu.memory_space<vmem>>) semaphore(%dma_start3A_47 : memref<!tpu.dma_semaphore, #tpu.memory_space<semaphore_mem>>) {add = true}
    %add3A_48 = arith.constant 79 : i32
    %add3A_49 = arith.addi %mul3A_2, %add3A_48 : i32
    %dma_wait3A_50 = arith.constant 1 : i32
    %dma_wait3A_51 = arith.constant 0 : i32
    %dma_wait3A_52 = tpu.memref_slice %arg2[%add3A_49, %dma_wait3A_51] : memref<2560x128xi32, #tpu.memory_space<hbm>> -> memref<1x128xi32, #tpu.memory_space<hbm>>
    %dma_wait3A_53 = tpu.memref_squeeze %dma_wait3A_52 : memref<1x128xi32, #tpu.memory_space<hbm>> -> memref<128xi32, #tpu.memory_space<hbm>>
    %dma_wait3A_54 = tpu.memref_slice %arg10[%dma_wait3A_50] : memref<2x!tpu.dma_semaphore, #tpu.memory_space<semaphore_mem>> -> memref<1x!tpu.dma_semaphore, #tpu.memory_space<semaphore_mem>>
    %dma_wait3A_55 = tpu.memref_squeeze %dma_wait3A_54 : memref<1x!tpu.dma_semaphore, #tpu.memory_space<semaphore_mem>> -> memref<!tpu.dma_semaphore, #tpu.memory_space<semaphore_mem>>
    %dma_wait3A_56 = arith.constant 0 : i32
    %dma_wait3A_57 = tpu.memref_slice %arg2[%add3A_49, %dma_wait3A_56] : memref<2560x128xi32, #tpu.memory_space<hbm>> -> memref<1x128xi32, #tpu.memory_space<hbm>>
    %dma_wait3A_58 = tpu.memref_squeeze %dma_wait3A_57 : memref<1x128xi32, #tpu.memory_space<hbm>> -> memref<128xi32, #tpu.memory_space<hbm>>
    tpu.wait_dma2 semaphore(%dma_wait3A_55 : memref<!tpu.dma_semaphore, #tpu.memory_space<semaphore_mem>>) src(%dma_wait3A_58 : memref<128xi32, #tpu.memory_space<hbm>>) dst(%arg7 : memref<128xi32, #tpu.memory_space<vmem>>)
    %dma_start3A_59 = arith.constant 1 : i32
    %dma_start3A_60 = arith.constant 0 : i32
    %dma_start3A_61 = arith.constant 0 : i32
    %dma_start3A_62 = tpu.memref_slice %arg9[%dma_start3A_60, %dma_start3A_61] : memref<10016x128xf32, #tpu.memory_space<vmem_shared>> -> memref<10016x128xf32, #tpu.memory_space<vmem_shared>>
    %dma_start3A_63 = tpu.memref_slice %arg11[%dma_start3A_59] : memref<2x!tpu.dma_semaphore, #tpu.memory_space<semaphore_mem>> -> memref<1x!tpu.dma_semaphore, #tpu.memory_space<semaphore_mem>>
    %dma_start3A_64 = tpu.memref_squeeze %dma_start3A_63 : memref<1x!tpu.dma_semaphore, #tpu.memory_space<semaphore_mem>> -> memref<!tpu.dma_semaphore, #tpu.memory_space<semaphore_mem>>
    tpu.enqueue_indirect_dma source(%arg8 : memref<128x128xf32, #tpu.memory_space<vmem>>) target(%dma_start3A_62 : memref<10016x128xf32, #tpu.memory_space<vmem_shared>>) offsets(%arg7 : memref<128xi32, #tpu.memory_space<vmem>>) semaphore(%dma_start3A_64 : memref<!tpu.dma_semaphore, #tpu.memory_space<semaphore_mem>>) {add = true}
    %dma_wait3A_65 = arith.constant 0 : i32
    %dma_wait3A_66 = arith.constant 0 : i32
    %dma_wait3A_67 = arith.constant 0 : i32
    %dma_wait3A_68 = tpu.memref_slice %arg9[%dma_wait3A_66, %dma_wait3A_67] : memref<10016x128xf32, #tpu.memory_space<vmem_shared>> -> memref<10016x128xf32, #tpu.memory_space<vmem_shared>>
    %dma_wait3A_69 = tpu.memref_slice %arg11[%dma_wait3A_65] : memref<2x!tpu.dma_semaphore, #tpu.memory_space<semaphore_mem>> -> memref<1x!tpu.dma_semaphore, #tpu.memory_space<semaphore_mem>>
    %dma_wait3A_70 = tpu.memref_squeeze %dma_wait3A_69 : memref<1x!tpu.dma_semaphore, #tpu.memory_space<semaphore_mem>> -> memref<!tpu.dma_semaphore, #tpu.memory_space<semaphore_mem>>
    tpu.wait_indirect_dma semaphore(%dma_wait3A_70 : memref<!tpu.dma_semaphore, #tpu.memory_space<semaphore_mem>>) src(%arg8 : memref<128x128xf32, #tpu.memory_space<vmem>>) dst(%dma_wait3A_68 : memref<10016x128xf32, #tpu.memory_space<vmem_shared>>)
    %dma_wait3A_71 = arith.constant 1 : i32
    %dma_wait3A_72 = arith.constant 0 : i32
    %dma_wait3A_73 = arith.constant 0 : i32
    %dma_wait3A_74 = tpu.memref_slice %arg9[%dma_wait3A_72, %dma_wait3A_73] : memref<10016x128xf32, #tpu.memory_space<vmem_shared>> -> memref<10016x128xf32, #tpu.memory_space<vmem_shared>>
    %dma_wait3A_75 = tpu.memref_slice %arg11[%dma_wait3A_71] : memref<2x!tpu.dma_semaphore, #tpu.memory_space<semaphore_mem>> -> memref<1x!tpu.dma_semaphore, #tpu.memory_space<semaphore_mem>>
    %dma_wait3A_76 = tpu.memref_squeeze %dma_wait3A_75 : memref<1x!tpu.dma_semaphore, #tpu.memory_space<semaphore_mem>> -> memref<!tpu.dma_semaphore, #tpu.memory_space<semaphore_mem>>
    tpu.wait_indirect_dma semaphore(%dma_wait3A_76 : memref<!tpu.dma_semaphore, #tpu.memory_space<semaphore_mem>>) src(%arg8 : memref<128x128xf32, #tpu.memory_space<vmem>>) dst(%dma_wait3A_74 : memref<10016x128xf32, #tpu.memory_space<vmem_shared>>)
    %barrier3A_77 = arith.constant 0 : index
    tpu.barrier barrier_id(%barrier3A_77)
    %mul3A_78 = arith.constant 624 : i32
    %mul3A_79 = arith.muli %arg1, %mul3A_78 : i32
    %mul3A_80 = arith.constant 624 : i32
    %mul3A_81 = arith.muli %arg1, %mul3A_80 : i32
    "tpu.region"() ({
      %run_scoped3A = tpu.sem_alloc : memref<!tpu.dma_semaphore, #tpu.memory_space<semaphore_mem>>
      %dma_start3A_87 = arith.constant 0 : i32
      %dma_start3A_88 = tpu.memref_slice %arg5[%arg0, %mul3A_81, %dma_start3A_87] : memref<2x10000x128xf32, #tpu.memory_space<hbm>> -> memref<1x624x128xf32, #tpu.memory_space<hbm>>
      %dma_start3A_89 = tpu.memref_squeeze %dma_start3A_88 : memref<1x624x128xf32, #tpu.memory_space<hbm>> -> memref<624x128xf32, #tpu.memory_space<hbm>>
      %dma_start3A_90 = arith.constant 0 : i32
      %dma_start3A_91 = tpu.memref_slice %arg9[%mul3A_79, %dma_start3A_90] : memref<10016x128xf32, #tpu.memory_space<vmem_shared>> -> memref<624x128xf32, #tpu.memory_space<vmem_shared>>
      tpu.enqueue_dma source(%dma_start3A_91 : memref<624x128xf32, #tpu.memory_space<vmem_shared>>) target(%dma_start3A_89 : memref<624x128xf32, #tpu.memory_space<hbm>>) target_semaphore(%run_scoped3A : memref<!tpu.dma_semaphore, #tpu.memory_space<semaphore_mem>>)
      %dma_wait3A_92 = arith.constant 0 : i32
      %dma_wait3A_93 = tpu.memref_slice %arg5[%arg0, %mul3A_81, %dma_wait3A_92] : memref<2x10000x128xf32, #tpu.memory_space<hbm>> -> memref<1x624x128xf32, #tpu.memory_space<hbm>>
      %dma_wait3A_94 = tpu.memref_squeeze %dma_wait3A_93 : memref<1x624x128xf32, #tpu.memory_space<hbm>> -> memref<624x128xf32, #tpu.memory_space<hbm>>
      %dma_wait3A_95 = arith.constant 0 : i32
      %dma_wait3A_96 = tpu.memref_slice %arg9[%mul3A_79, %dma_wait3A_95] : memref<10016x128xf32, #tpu.memory_space<vmem_shared>> -> memref<624x128xf32, #tpu.memory_space<vmem_shared>>
      tpu.wait_dma2 semaphore(%run_scoped3A : memref<!tpu.dma_semaphore, #tpu.memory_space<semaphore_mem>>) src(%dma_wait3A_96 : memref<624x128xf32, #tpu.memory_space<vmem_shared>>) dst(%dma_wait3A_94 : memref<624x128xf32, #tpu.memory_space<hbm>>)
      tpu.yield
    }) : () -> ()
    %eq3A_82 = arith.constant 0 : i32
    %eq3A_83 = arith.cmpi eq, %arg1, %eq3A_82 : i32
    %convert_element_type3A_84 = arith.extui %eq3A_83 : i1 to i32
    %cond3A_85 = arith.constant 0 : i32
    %cond3A_86 = arith.cmpi ne, %convert_element_type3A_84, %cond3A_85 : i32
    scf.if %cond3A_86 {
      "tpu.region"() ({
        %run_scoped3A = tpu.sem_alloc : memref<!tpu.dma_semaphore, #tpu.memory_space<semaphore_mem>>
        %dma_start3A_87 = arith.constant 9984 : i32
        %dma_start3A_88 = arith.constant 0 : i32
        %dma_start3A_89 = tpu.memref_slice %arg5[%arg0, %dma_start3A_87, %dma_start3A_88] : memref<2x10000x128xf32, #tpu.memory_space<hbm>> -> memref<1x16x128xf32, #tpu.memory_space<hbm>>
        %dma_start3A_90 = tpu.memref_squeeze %dma_start3A_89 : memref<1x16x128xf32, #tpu.memory_space<hbm>> -> memref<16x128xf32, #tpu.memory_space<hbm>>
        %dma_start3A_91 = arith.constant 9984 : i32
        %dma_start3A_92 = arith.constant 0 : i32
        %dma_start3A_93 = tpu.memref_slice %arg9[%dma_start3A_91, %dma_start3A_92] : memref<10016x128xf32, #tpu.memory_space<vmem_shared>> -> memref<16x128xf32, #tpu.memory_space<vmem_shared>>
        tpu.enqueue_dma source(%dma_start3A_93 : memref<16x128xf32, #tpu.memory_space<vmem_shared>>) target(%dma_start3A_90 : memref<16x128xf32, #tpu.memory_space<hbm>>) target_semaphore(%run_scoped3A : memref<!tpu.dma_semaphore, #tpu.memory_space<semaphore_mem>>)
        %dma_wait3A_94 = arith.constant 9984 : i32
        %dma_wait3A_95 = arith.constant 0 : i32
        %dma_wait3A_96 = tpu.memref_slice %arg5[%arg0, %dma_wait3A_94, %dma_wait3A_95] : memref<2x10000x128xf32, #tpu.memory_space<hbm>> -> memref<1x16x128xf32, #tpu.memory_space<hbm>>
        %dma_wait3A_97 = tpu.memref_squeeze %dma_wait3A_96 : memref<1x16x128xf32, #tpu.memory_space<hbm>> -> memref<16x128xf32, #tpu.memory_space<hbm>>
        %dma_wait3A_98 = arith.constant 9984 : i32
        %dma_wait3A_99 = arith.constant 0 : i32
        %dma_wait3A_100 = tpu.memref_slice %arg9[%dma_wait3A_98, %dma_wait3A_99] : memref<10016x128xf32, #tpu.memory_space<vmem_shared>> -> memref<16x128xf32, #tpu.memory_space<vmem_shared>>
        tpu.wait_dma2 semaphore(%run_scoped3A : memref<!tpu.dma_semaphore, #tpu.memory_space<semaphore_mem>>) src(%dma_wait3A_100 : memref<16x128xf32, #tpu.memory_space<vmem_shared>>) dst(%dma_wait3A_97 : memref<16x128xf32, #tpu.memory_space<hbm>>)
        tpu.yield
      }) : () -> ()
    } else {
    }
    return
  }
}

#map = affine_map<(d0, d1) -> (0, 0)>
#map1 = affine_map<(d0, d1) -> (0, 0, 0)>
module attributes {stable_mosaic.version = 14 : i64} {
  func.func @body(%arg0: i32, %arg1: i32, %arg2: memref<10000x128xf32, #tpu.memory_space<hbm>>, %arg3: memref<2560x128xi32, #tpu.memory_space<hbm>>, %arg4: memref<2560x128xi32, #tpu.memory_space<hbm>>, %arg5: memref<624x128xf32, #tpu.memory_space<hbm>>, %arg6: memref<2x10000x128xf32, #tpu.memory_space<hbm>>, %arg7: memref<80x128xi32, #tpu.memory_space<vmem>>, %arg8: memref<128xi32, #tpu.memory_space<vmem>>, %arg9: memref<128xi32, #tpu.memory_space<vmem>>, %arg10: memref<2x128x128xf32, #tpu.memory_space<vmem>>, %arg11: memref<10008x128xf32, #tpu.memory_space<vmem_shared>>, %arg12: memref<2x!tpu.dma_semaphore, #tpu.memory_space<semaphore_mem>>, %arg13: memref<2x!tpu.dma_semaphore, #tpu.memory_space<semaphore_mem>>, %arg14: memref<2x!tpu.dma_semaphore, #tpu.memory_space<semaphore_mem>>) attributes {dimension_semantics = [#tpu.dimension_semantics<core_parallel>, #tpu.dimension_semantics<subcore_parallel>], iteration_bounds = array<i64: 2, 16>, scalar_prefetch = 0 : i64, scratch_operands = 8 : i64, tpu.core_type = #tpu.core_type<sc_vector_subcore>, window_params = [{transform_indices = #map}, {transform_indices = #map}, {transform_indices = #map}, {transform_indices = #map}, {transform_indices = #map1}]} {
    %mul3A = arith.constant 16 : i32
    %mul3A_0 = arith.muli %arg0, %mul3A : i32
    %add3A = arith.addi %mul3A_0, %arg1 : i32
    %mul3A_1 = arith.constant 80 : i32
    %mul3A_2 = arith.muli %add3A, %mul3A_1 : i32
    "tpu.region"() ({
      %run_scoped3A = tpu.sem_alloc : memref<!tpu.dma_semaphore, #tpu.memory_space<semaphore_mem>>
      %dma_start3A_167 = arith.constant 0 : i32
      %dma_start3A_168 = tpu.memref_slice %arg3[%mul3A_2, %dma_start3A_167] : memref<2560x128xi32, #tpu.memory_space<hbm>> -> memref<80x128xi32, #tpu.memory_space<hbm>>
      %dma_start3A_169 = arith.constant 0 : i32
      %dma_start3A_170 = tpu.memref_slice %arg3[%mul3A_2, %dma_start3A_169] : memref<2560x128xi32, #tpu.memory_space<hbm>> -> memref<80x128xi32, #tpu.memory_space<hbm>>
      tpu.enqueue_dma source(%dma_start3A_170 : memref<80x128xi32, #tpu.memory_space<hbm>>) target(%arg7 : memref<80x128xi32, #tpu.memory_space<vmem>>) target_semaphore(%run_scoped3A : memref<!tpu.dma_semaphore, #tpu.memory_space<semaphore_mem>>)
      %dma_wait3A_171 = arith.constant 0 : i32
      %dma_wait3A_172 = tpu.memref_slice %arg3[%mul3A_2, %dma_wait3A_171] : memref<2560x128xi32, #tpu.memory_space<hbm>> -> memref<80x128xi32, #tpu.memory_space<hbm>>
      %dma_wait3A_173 = arith.constant 0 : i32
      %dma_wait3A_174 = tpu.memref_slice %arg3[%mul3A_2, %dma_wait3A_173] : memref<2560x128xi32, #tpu.memory_space<hbm>> -> memref<80x128xi32, #tpu.memory_space<hbm>>
      tpu.wait_dma2 semaphore(%run_scoped3A : memref<!tpu.dma_semaphore, #tpu.memory_space<semaphore_mem>>) src(%dma_wait3A_174 : memref<80x128xi32, #tpu.memory_space<hbm>>) dst(%arg7 : memref<80x128xi32, #tpu.memory_space<vmem>>)
      tpu.yield
    }) : () -> ()
    %mul3A_3 = arith.constant 624 : i32
    %mul3A_4 = arith.muli %arg1, %mul3A_3 : i32
    "tpu.region"() ({
      %run_scoped3A = tpu.sem_alloc : memref<!tpu.dma_semaphore, #tpu.memory_space<semaphore_mem>>
      %dma_start3A_167 = arith.constant 0 : i32
      %dma_start3A_168 = tpu.memref_slice %arg11[%mul3A_4, %dma_start3A_167] : memref<10008x128xf32, #tpu.memory_space<vmem_shared>> -> memref<624x128xf32, #tpu.memory_space<vmem_shared>>
      tpu.enqueue_dma source(%arg5 : memref<624x128xf32, #tpu.memory_space<hbm>>) target(%dma_start3A_168 : memref<624x128xf32, #tpu.memory_space<vmem_shared>>) target_semaphore(%run_scoped3A : memref<!tpu.dma_semaphore, #tpu.memory_space<semaphore_mem>>)
      %dma_wait3A_169 = arith.constant 0 : i32
      %dma_wait3A_170 = tpu.memref_slice %arg11[%mul3A_4, %dma_wait3A_169] : memref<10008x128xf32, #tpu.memory_space<vmem_shared>> -> memref<624x128xf32, #tpu.memory_space<vmem_shared>>
      tpu.wait_dma2 semaphore(%run_scoped3A : memref<!tpu.dma_semaphore, #tpu.memory_space<semaphore_mem>>) src(%arg5 : memref<624x128xf32, #tpu.memory_space<hbm>>) dst(%dma_wait3A_170 : memref<624x128xf32, #tpu.memory_space<vmem_shared>>)
      tpu.yield
    }) : () -> ()
    %eq3A = arith.constant 0 : i32
    %eq3A_5 = arith.cmpi eq, %arg1, %eq3A : i32
    %convert_element_type3A = arith.extui %eq3A_5 : i1 to i32
    %cond3A = arith.constant 0 : i32
    %cond3A_6 = arith.cmpi ne, %convert_element_type3A, %cond3A : i32
    scf.if %cond3A_6 {
      "tpu.region"() ({
        %run_scoped3A = tpu.sem_alloc : memref<!tpu.dma_semaphore, #tpu.memory_space<semaphore_mem>>
        %dma_start3A_167 = arith.constant 9984 : i32
        %dma_start3A_168 = arith.constant 0 : i32
        %dma_start3A_169 = tpu.memref_slice %arg11[%dma_start3A_167, %dma_start3A_168] : memref<10008x128xf32, #tpu.memory_space<vmem_shared>> -> memref<24x128xf32, #tpu.memory_space<vmem_shared>>
        %dma_start3A_170 = arith.constant 0 : i32
        %dma_start3A_171 = arith.constant 0 : i32
        %dma_start3A_172 = tpu.memref_slice %arg5[%dma_start3A_170, %dma_start3A_171] : memref<624x128xf32, #tpu.memory_space<hbm>> -> memref<24x128xf32, #tpu.memory_space<hbm>>
        tpu.enqueue_dma source(%dma_start3A_172 : memref<24x128xf32, #tpu.memory_space<hbm>>) target(%dma_start3A_169 : memref<24x128xf32, #tpu.memory_space<vmem_shared>>) target_semaphore(%run_scoped3A : memref<!tpu.dma_semaphore, #tpu.memory_space<semaphore_mem>>)
        %dma_wait3A_173 = arith.constant 9984 : i32
        %dma_wait3A_174 = arith.constant 0 : i32
        %dma_wait3A_175 = tpu.memref_slice %arg11[%dma_wait3A_173, %dma_wait3A_174] : memref<10008x128xf32, #tpu.memory_space<vmem_shared>> -> memref<24x128xf32, #tpu.memory_space<vmem_shared>>
        %dma_wait3A_176 = arith.constant 0 : i32
        %dma_wait3A_177 = arith.constant 0 : i32
        %dma_wait3A_178 = tpu.memref_slice %arg5[%dma_wait3A_176, %dma_wait3A_177] : memref<624x128xf32, #tpu.memory_space<hbm>> -> memref<24x128xf32, #tpu.memory_space<hbm>>
        tpu.wait_dma2 semaphore(%run_scoped3A : memref<!tpu.dma_semaphore, #tpu.memory_space<semaphore_mem>>) src(%dma_wait3A_178 : memref<24x128xf32, #tpu.memory_space<hbm>>) dst(%dma_wait3A_175 : memref<24x128xf32, #tpu.memory_space<vmem_shared>>)
        tpu.yield
      }) : () -> ()
    } else {
    }
    %barrier3A = arith.constant 0 : index
    tpu.barrier barrier_id(%barrier3A)
    %add3A_7 = arith.constant 0 : i32
    %add3A_8 = arith.addi %mul3A_2, %add3A_7 : i32
    %dma_start3A = arith.constant 0 : i32
    %dma_start3A_9 = arith.constant 0 : i32
    %dma_start3A_10 = tpu.memref_slice %arg4[%add3A_8, %dma_start3A_9] : memref<2560x128xi32, #tpu.memory_space<hbm>> -> memref<1x128xi32, #tpu.memory_space<hbm>>
    %dma_start3A_11 = tpu.memref_squeeze %dma_start3A_10 : memref<1x128xi32, #tpu.memory_space<hbm>> -> memref<128xi32, #tpu.memory_space<hbm>>
    %dma_start3A_12 = tpu.memref_slice %arg12[%dma_start3A] : memref<2x!tpu.dma_semaphore, #tpu.memory_space<semaphore_mem>> -> memref<1x!tpu.dma_semaphore, #tpu.memory_space<semaphore_mem>>
    %dma_start3A_13 = tpu.memref_squeeze %dma_start3A_12 : memref<1x!tpu.dma_semaphore, #tpu.memory_space<semaphore_mem>> -> memref<!tpu.dma_semaphore, #tpu.memory_space<semaphore_mem>>
    %dma_start3A_14 = arith.constant 0 : i32
    %dma_start3A_15 = tpu.memref_slice %arg4[%add3A_8, %dma_start3A_14] : memref<2560x128xi32, #tpu.memory_space<hbm>> -> memref<1x128xi32, #tpu.memory_space<hbm>>
    %dma_start3A_16 = tpu.memref_squeeze %dma_start3A_15 : memref<1x128xi32, #tpu.memory_space<hbm>> -> memref<128xi32, #tpu.memory_space<hbm>>
    tpu.enqueue_dma source(%dma_start3A_16 : memref<128xi32, #tpu.memory_space<hbm>>) target(%arg8 : memref<128xi32, #tpu.memory_space<vmem>>) target_semaphore(%dma_start3A_13 : memref<!tpu.dma_semaphore, #tpu.memory_space<semaphore_mem>>)
    %dma_start3A_17 = arith.constant 0 : i32
    %dma_start3A_18 = arith.constant 0 : i32
    %dma_start3A_19 = arith.constant 0 : i32
    %dma_start3A_20 = arith.constant 0 : i32
    %dma_start3A_21 = arith.constant 0 : i32
    %dma_start3A_22 = tpu.memref_slice %arg10[%dma_start3A_18, %dma_start3A_20, %dma_start3A_21] : memref<2x128x128xf32, #tpu.memory_space<vmem>> -> memref<1x128x128xf32, #tpu.memory_space<vmem>>
    %dma_start3A_23 = tpu.memref_squeeze %dma_start3A_22 : memref<1x128x128xf32, #tpu.memory_space<vmem>> -> memref<128x128xf32, #tpu.memory_space<vmem>>
    %dma_start3A_24 = arith.constant 0 : i32
    %dma_start3A_25 = tpu.memref_slice %arg7[%dma_start3A_17, %dma_start3A_24] : memref<80x128xi32, #tpu.memory_space<vmem>> -> memref<1x128xi32, #tpu.memory_space<vmem>>
    %dma_start3A_26 = tpu.memref_squeeze %dma_start3A_25 : memref<1x128xi32, #tpu.memory_space<vmem>> -> memref<128xi32, #tpu.memory_space<vmem>>
    %dma_start3A_27 = arith.constant 0 : i32
    %dma_start3A_28 = arith.constant 0 : i32
    %dma_start3A_29 = tpu.memref_slice %arg2[%dma_start3A_27, %dma_start3A_28] : memref<10000x128xf32, #tpu.memory_space<hbm>> -> memref<10000x128xf32, #tpu.memory_space<hbm>>
    %dma_start3A_30 = tpu.memref_slice %arg13[%dma_start3A_19] : memref<2x!tpu.dma_semaphore, #tpu.memory_space<semaphore_mem>> -> memref<1x!tpu.dma_semaphore, #tpu.memory_space<semaphore_mem>>
    %dma_start3A_31 = tpu.memref_squeeze %dma_start3A_30 : memref<1x!tpu.dma_semaphore, #tpu.memory_space<semaphore_mem>> -> memref<!tpu.dma_semaphore, #tpu.memory_space<semaphore_mem>>
    tpu.enqueue_indirect_dma source(%dma_start3A_29 : memref<10000x128xf32, #tpu.memory_space<hbm>>) target(%dma_start3A_23 : memref<128x128xf32, #tpu.memory_space<vmem>>) offsets(%dma_start3A_26 : memref<128xi32, #tpu.memory_space<vmem>>) semaphore(%dma_start3A_31 : memref<!tpu.dma_semaphore, #tpu.memory_space<semaphore_mem>>)
    %add3A_32 = arith.constant 1 : i32
    %add3A_33 = arith.addi %mul3A_2, %add3A_32 : i32
    %dma_start3A_34 = arith.constant 1 : i32
    %dma_start3A_35 = arith.constant 0 : i32
    %dma_start3A_36 = tpu.memref_slice %arg4[%add3A_33, %dma_start3A_35] : memref<2560x128xi32, #tpu.memory_space<hbm>> -> memref<1x128xi32, #tpu.memory_space<hbm>>
    %dma_start3A_37 = tpu.memref_squeeze %dma_start3A_36 : memref<1x128xi32, #tpu.memory_space<hbm>> -> memref<128xi32, #tpu.memory_space<hbm>>
    %dma_start3A_38 = tpu.memref_slice %arg12[%dma_start3A_34] : memref<2x!tpu.dma_semaphore, #tpu.memory_space<semaphore_mem>> -> memref<1x!tpu.dma_semaphore, #tpu.memory_space<semaphore_mem>>
    %dma_start3A_39 = tpu.memref_squeeze %dma_start3A_38 : memref<1x!tpu.dma_semaphore, #tpu.memory_space<semaphore_mem>> -> memref<!tpu.dma_semaphore, #tpu.memory_space<semaphore_mem>>
    %dma_start3A_40 = arith.constant 0 : i32
    %dma_start3A_41 = tpu.memref_slice %arg4[%add3A_33, %dma_start3A_40] : memref<2560x128xi32, #tpu.memory_space<hbm>> -> memref<1x128xi32, #tpu.memory_space<hbm>>
    %dma_start3A_42 = tpu.memref_squeeze %dma_start3A_41 : memref<1x128xi32, #tpu.memory_space<hbm>> -> memref<128xi32, #tpu.memory_space<hbm>>
    tpu.enqueue_dma source(%dma_start3A_42 : memref<128xi32, #tpu.memory_space<hbm>>) target(%arg9 : memref<128xi32, #tpu.memory_space<vmem>>) target_semaphore(%dma_start3A_39 : memref<!tpu.dma_semaphore, #tpu.memory_space<semaphore_mem>>)
    %dma_start3A_43 = arith.constant 1 : i32
    %dma_start3A_44 = arith.constant 1 : i32
    %dma_start3A_45 = arith.constant 1 : i32
    %dma_start3A_46 = arith.constant 0 : i32
    %dma_start3A_47 = arith.constant 0 : i32
    %dma_start3A_48 = tpu.memref_slice %arg10[%dma_start3A_44, %dma_start3A_46, %dma_start3A_47] : memref<2x128x128xf32, #tpu.memory_space<vmem>> -> memref<1x128x128xf32, #tpu.memory_space<vmem>>
    %dma_start3A_49 = tpu.memref_squeeze %dma_start3A_48 : memref<1x128x128xf32, #tpu.memory_space<vmem>> -> memref<128x128xf32, #tpu.memory_space<vmem>>
    %dma_start3A_50 = arith.constant 0 : i32
    %dma_start3A_51 = tpu.memref_slice %arg7[%dma_start3A_43, %dma_start3A_50] : memref<80x128xi32, #tpu.memory_space<vmem>> -> memref<1x128xi32, #tpu.memory_space<vmem>>
    %dma_start3A_52 = tpu.memref_squeeze %dma_start3A_51 : memref<1x128xi32, #tpu.memory_space<vmem>> -> memref<128xi32, #tpu.memory_space<vmem>>
    %dma_start3A_53 = arith.constant 0 : i32
    %dma_start3A_54 = arith.constant 0 : i32
    %dma_start3A_55 = tpu.memref_slice %arg2[%dma_start3A_53, %dma_start3A_54] : memref<10000x128xf32, #tpu.memory_space<hbm>> -> memref<10000x128xf32, #tpu.memory_space<hbm>>
    %dma_start3A_56 = tpu.memref_slice %arg13[%dma_start3A_45] : memref<2x!tpu.dma_semaphore, #tpu.memory_space<semaphore_mem>> -> memref<1x!tpu.dma_semaphore, #tpu.memory_space<semaphore_mem>>
    %dma_start3A_57 = tpu.memref_squeeze %dma_start3A_56 : memref<1x!tpu.dma_semaphore, #tpu.memory_space<semaphore_mem>> -> memref<!tpu.dma_semaphore, #tpu.memory_space<semaphore_mem>>
    tpu.enqueue_indirect_dma source(%dma_start3A_55 : memref<10000x128xf32, #tpu.memory_space<hbm>>) target(%dma_start3A_49 : memref<128x128xf32, #tpu.memory_space<vmem>>) offsets(%dma_start3A_52 : memref<128xi32, #tpu.memory_space<vmem>>) semaphore(%dma_start3A_57 : memref<!tpu.dma_semaphore, #tpu.memory_space<semaphore_mem>>)
    %scan3A = arith.constant 0 : i32
    %scan3A_58 = arith.constant 39 : i32
    %scan3A_59 = arith.addi %scan3A, %scan3A_58 : i32
    %scan3A_60 = arith.constant 1 : i32
    scf.for %scan3A_167 = %scan3A to %scan3A_59 step %scan3A_60  : i32 {
      %mul3A_168 = arith.constant 1 : i32
      %mul3A_169 = arith.muli %scan3A_167, %mul3A_168 : i32
      %add3A_170 = arith.constant 0 : i32
      %add3A_171 = arith.addi %add3A_170, %mul3A_169 : i32
      %mul3A_172 = arith.constant 2 : i32
      %mul3A_173 = arith.muli %add3A_171, %mul3A_172 : i32
      %add3A_174 = arith.constant 0 : i32
      %add3A_175 = arith.addi %mul3A_173, %add3A_174 : i32
      %dma_wait3A_176 = arith.constant 0 : i32
      %dma_wait3A_177 = arith.constant 0 : i32
      %dma_wait3A_178 = arith.constant 0 : i32
      %dma_wait3A_179 = arith.constant 0 : i32
      %dma_wait3A_180 = tpu.memref_slice %arg10[%dma_wait3A_176, %dma_wait3A_178, %dma_wait3A_179] : memref<2x128x128xf32, #tpu.memory_space<vmem>> -> memref<1x128x128xf32, #tpu.memory_space<vmem>>
      %dma_wait3A_181 = tpu.memref_squeeze %dma_wait3A_180 : memref<1x128x128xf32, #tpu.memory_space<vmem>> -> memref<128x128xf32, #tpu.memory_space<vmem>>
      %dma_wait3A_182 = arith.constant 0 : i32
      %dma_wait3A_183 = tpu.memref_slice %arg7[%add3A_175, %dma_wait3A_182] : memref<80x128xi32, #tpu.memory_space<vmem>> -> memref<1x128xi32, #tpu.memory_space<vmem>>
      %dma_wait3A_184 = tpu.memref_squeeze %dma_wait3A_183 : memref<1x128xi32, #tpu.memory_space<vmem>> -> memref<128xi32, #tpu.memory_space<vmem>>
      %dma_wait3A_185 = arith.constant 0 : i32
      %dma_wait3A_186 = arith.constant 0 : i32
      %dma_wait3A_187 = tpu.memref_slice %arg2[%dma_wait3A_185, %dma_wait3A_186] : memref<10000x128xf32, #tpu.memory_space<hbm>> -> memref<10000x128xf32, #tpu.memory_space<hbm>>
      %dma_wait3A_188 = tpu.memref_slice %arg13[%dma_wait3A_177] : memref<2x!tpu.dma_semaphore, #tpu.memory_space<semaphore_mem>> -> memref<1x!tpu.dma_semaphore, #tpu.memory_space<semaphore_mem>>
      %dma_wait3A_189 = tpu.memref_squeeze %dma_wait3A_188 : memref<1x!tpu.dma_semaphore, #tpu.memory_space<semaphore_mem>> -> memref<!tpu.dma_semaphore, #tpu.memory_space<semaphore_mem>>
      tpu.wait_indirect_dma semaphore(%dma_wait3A_189 : memref<!tpu.dma_semaphore, #tpu.memory_space<semaphore_mem>>) src(%dma_wait3A_187 : memref<10000x128xf32, #tpu.memory_space<hbm>>) dst(%dma_wait3A_181 : memref<128x128xf32, #tpu.memory_space<vmem>>)
      %add3A_190 = arith.addi %mul3A_2, %add3A_175 : i32
      %dma_wait3A_191 = arith.constant 0 : i32
      %dma_wait3A_192 = arith.constant 0 : i32
      %dma_wait3A_193 = tpu.memref_slice %arg4[%add3A_190, %dma_wait3A_192] : memref<2560x128xi32, #tpu.memory_space<hbm>> -> memref<1x128xi32, #tpu.memory_space<hbm>>
      %dma_wait3A_194 = tpu.memref_squeeze %dma_wait3A_193 : memref<1x128xi32, #tpu.memory_space<hbm>> -> memref<128xi32, #tpu.memory_space<hbm>>
      %dma_wait3A_195 = tpu.memref_slice %arg12[%dma_wait3A_191] : memref<2x!tpu.dma_semaphore, #tpu.memory_space<semaphore_mem>> -> memref<1x!tpu.dma_semaphore, #tpu.memory_space<semaphore_mem>>
      %dma_wait3A_196 = tpu.memref_squeeze %dma_wait3A_195 : memref<1x!tpu.dma_semaphore, #tpu.memory_space<semaphore_mem>> -> memref<!tpu.dma_semaphore, #tpu.memory_space<semaphore_mem>>
      %dma_wait3A_197 = arith.constant 0 : i32
      %dma_wait3A_198 = tpu.memref_slice %arg4[%add3A_190, %dma_wait3A_197] : memref<2560x128xi32, #tpu.memory_space<hbm>> -> memref<1x128xi32, #tpu.memory_space<hbm>>
      %dma_wait3A_199 = tpu.memref_squeeze %dma_wait3A_198 : memref<1x128xi32, #tpu.memory_space<hbm>> -> memref<128xi32, #tpu.memory_space<hbm>>
      tpu.wait_dma2 semaphore(%dma_wait3A_196 : memref<!tpu.dma_semaphore, #tpu.memory_space<semaphore_mem>>) src(%dma_wait3A_199 : memref<128xi32, #tpu.memory_space<hbm>>) dst(%arg8 : memref<128xi32, #tpu.memory_space<vmem>>)
      %dma_start3A_200 = arith.constant 0 : i32
      %dma_start3A_201 = arith.constant 0 : i32
      %dma_start3A_202 = arith.constant 0 : i32
      %dma_start3A_203 = arith.constant 0 : i32
      %dma_start3A_204 = tpu.memref_slice %arg10[%dma_start3A_200, %dma_start3A_202, %dma_start3A_203] : memref<2x128x128xf32, #tpu.memory_space<vmem>> -> memref<1x128x128xf32, #tpu.memory_space<vmem>>
      %dma_start3A_205 = tpu.memref_squeeze %dma_start3A_204 : memref<1x128x128xf32, #tpu.memory_space<vmem>> -> memref<128x128xf32, #tpu.memory_space<vmem>>
      %dma_start3A_206 = arith.constant 0 : i32
      %dma_start3A_207 = arith.constant 0 : i32
      %dma_start3A_208 = tpu.memref_slice %arg11[%dma_start3A_206, %dma_start3A_207] : memref<10008x128xf32, #tpu.memory_space<vmem_shared>> -> memref<10008x128xf32, #tpu.memory_space<vmem_shared>>
      %dma_start3A_209 = tpu.memref_slice %arg14[%dma_start3A_201] : memref<2x!tpu.dma_semaphore, #tpu.memory_space<semaphore_mem>> -> memref<1x!tpu.dma_semaphore, #tpu.memory_space<semaphore_mem>>
      %dma_start3A_210 = tpu.memref_squeeze %dma_start3A_209 : memref<1x!tpu.dma_semaphore, #tpu.memory_space<semaphore_mem>> -> memref<!tpu.dma_semaphore, #tpu.memory_space<semaphore_mem>>
      tpu.enqueue_indirect_dma source(%dma_start3A_205 : memref<128x128xf32, #tpu.memory_space<vmem>>) target(%dma_start3A_208 : memref<10008x128xf32, #tpu.memory_space<vmem_shared>>) offsets(%arg8 : memref<128xi32, #tpu.memory_space<vmem>>) semaphore(%dma_start3A_210 : memref<!tpu.dma_semaphore, #tpu.memory_space<semaphore_mem>>) {add = true}
      %mul3A_211 = arith.constant 2 : i32
      %mul3A_212 = arith.muli %add3A_171, %mul3A_211 : i32
      %add3A_213 = arith.constant 1 : i32
      %add3A_214 = arith.addi %mul3A_212, %add3A_213 : i32
      %dma_wait3A_215 = arith.constant 1 : i32
      %dma_wait3A_216 = arith.constant 1 : i32
      %dma_wait3A_217 = arith.constant 0 : i32
      %dma_wait3A_218 = arith.constant 0 : i32
      %dma_wait3A_219 = tpu.memref_slice %arg10[%dma_wait3A_215, %dma_wait3A_217, %dma_wait3A_218] : memref<2x128x128xf32, #tpu.memory_space<vmem>> -> memref<1x128x128xf32, #tpu.memory_space<vmem>>
      %dma_wait3A_220 = tpu.memref_squeeze %dma_wait3A_219 : memref<1x128x128xf32, #tpu.memory_space<vmem>> -> memref<128x128xf32, #tpu.memory_space<vmem>>
      %dma_wait3A_221 = arith.constant 0 : i32
      %dma_wait3A_222 = tpu.memref_slice %arg7[%add3A_214, %dma_wait3A_221] : memref<80x128xi32, #tpu.memory_space<vmem>> -> memref<1x128xi32, #tpu.memory_space<vmem>>
      %dma_wait3A_223 = tpu.memref_squeeze %dma_wait3A_222 : memref<1x128xi32, #tpu.memory_space<vmem>> -> memref<128xi32, #tpu.memory_space<vmem>>
      %dma_wait3A_224 = arith.constant 0 : i32
      %dma_wait3A_225 = arith.constant 0 : i32
      %dma_wait3A_226 = tpu.memref_slice %arg2[%dma_wait3A_224, %dma_wait3A_225] : memref<10000x128xf32, #tpu.memory_space<hbm>> -> memref<10000x128xf32, #tpu.memory_space<hbm>>
      %dma_wait3A_227 = tpu.memref_slice %arg13[%dma_wait3A_216] : memref<2x!tpu.dma_semaphore, #tpu.memory_space<semaphore_mem>> -> memref<1x!tpu.dma_semaphore, #tpu.memory_space<semaphore_mem>>
      %dma_wait3A_228 = tpu.memref_squeeze %dma_wait3A_227 : memref<1x!tpu.dma_semaphore, #tpu.memory_space<semaphore_mem>> -> memref<!tpu.dma_semaphore, #tpu.memory_space<semaphore_mem>>
      tpu.wait_indirect_dma semaphore(%dma_wait3A_228 : memref<!tpu.dma_semaphore, #tpu.memory_space<semaphore_mem>>) src(%dma_wait3A_226 : memref<10000x128xf32, #tpu.memory_space<hbm>>) dst(%dma_wait3A_220 : memref<128x128xf32, #tpu.memory_space<vmem>>)
      %add3A_229 = arith.addi %mul3A_2, %add3A_214 : i32
      %dma_wait3A_230 = arith.constant 1 : i32
      %dma_wait3A_231 = arith.constant 0 : i32
      %dma_wait3A_232 = tpu.memref_slice %arg4[%add3A_229, %dma_wait3A_231] : memref<2560x128xi32, #tpu.memory_space<hbm>> -> memref<1x128xi32, #tpu.memory_space<hbm>>
      %dma_wait3A_233 = tpu.memref_squeeze %dma_wait3A_232 : memref<1x128xi32, #tpu.memory_space<hbm>> -> memref<128xi32, #tpu.memory_space<hbm>>
      %dma_wait3A_234 = tpu.memref_slice %arg12[%dma_wait3A_230] : memref<2x!tpu.dma_semaphore, #tpu.memory_space<semaphore_mem>> -> memref<1x!tpu.dma_semaphore, #tpu.memory_space<semaphore_mem>>
      %dma_wait3A_235 = tpu.memref_squeeze %dma_wait3A_234 : memref<1x!tpu.dma_semaphore, #tpu.memory_space<semaphore_mem>> -> memref<!tpu.dma_semaphore, #tpu.memory_space<semaphore_mem>>
      %dma_wait3A_236 = arith.constant 0 : i32
      %dma_wait3A_237 = tpu.memref_slice %arg4[%add3A_229, %dma_wait3A_236] : memref<2560x128xi32, #tpu.memory_space<hbm>> -> memref<1x128xi32, #tpu.memory_space<hbm>>
      %dma_wait3A_238 = tpu.memref_squeeze %dma_wait3A_237 : memref<1x128xi32, #tpu.memory_space<hbm>> -> memref<128xi32, #tpu.memory_space<hbm>>
      tpu.wait_dma2 semaphore(%dma_wait3A_235 : memref<!tpu.dma_semaphore, #tpu.memory_space<semaphore_mem>>) src(%dma_wait3A_238 : memref<128xi32, #tpu.memory_space<hbm>>) dst(%arg9 : memref<128xi32, #tpu.memory_space<vmem>>)
      %dma_start3A_239 = arith.constant 1 : i32
      %dma_start3A_240 = arith.constant 1 : i32
      %dma_start3A_241 = arith.constant 0 : i32
      %dma_start3A_242 = arith.constant 0 : i32
      %dma_start3A_243 = tpu.memref_slice %arg10[%dma_start3A_239, %dma_start3A_241, %dma_start3A_242] : memref<2x128x128xf32, #tpu.memory_space<vmem>> -> memref<1x128x128xf32, #tpu.memory_space<vmem>>
      %dma_start3A_244 = tpu.memref_squeeze %dma_start3A_243 : memref<1x128x128xf32, #tpu.memory_space<vmem>> -> memref<128x128xf32, #tpu.memory_space<vmem>>
      %dma_start3A_245 = arith.constant 0 : i32
      %dma_start3A_246 = arith.constant 0 : i32
      %dma_start3A_247 = tpu.memref_slice %arg11[%dma_start3A_245, %dma_start3A_246] : memref<10008x128xf32, #tpu.memory_space<vmem_shared>> -> memref<10008x128xf32, #tpu.memory_space<vmem_shared>>
      %dma_start3A_248 = tpu.memref_slice %arg14[%dma_start3A_240] : memref<2x!tpu.dma_semaphore, #tpu.memory_space<semaphore_mem>> -> memref<1x!tpu.dma_semaphore, #tpu.memory_space<semaphore_mem>>
      %dma_start3A_249 = tpu.memref_squeeze %dma_start3A_248 : memref<1x!tpu.dma_semaphore, #tpu.memory_space<semaphore_mem>> -> memref<!tpu.dma_semaphore, #tpu.memory_space<semaphore_mem>>
      tpu.enqueue_indirect_dma source(%dma_start3A_244 : memref<128x128xf32, #tpu.memory_space<vmem>>) target(%dma_start3A_247 : memref<10008x128xf32, #tpu.memory_space<vmem_shared>>) offsets(%arg9 : memref<128xi32, #tpu.memory_space<vmem>>) semaphore(%dma_start3A_249 : memref<!tpu.dma_semaphore, #tpu.memory_space<semaphore_mem>>) {add = true}
      %dma_wait3A_250 = arith.constant 0 : i32
      %dma_wait3A_251 = arith.constant 0 : i32
      %dma_wait3A_252 = arith.constant 0 : i32
      %dma_wait3A_253 = arith.constant 0 : i32
      %dma_wait3A_254 = tpu.memref_slice %arg10[%dma_wait3A_250, %dma_wait3A_252, %dma_wait3A_253] : memref<2x128x128xf32, #tpu.memory_space<vmem>> -> memref<1x128x128xf32, #tpu.memory_space<vmem>>
      %dma_wait3A_255 = tpu.memref_squeeze %dma_wait3A_254 : memref<1x128x128xf32, #tpu.memory_space<vmem>> -> memref<128x128xf32, #tpu.memory_space<vmem>>
      %dma_wait3A_256 = arith.constant 0 : i32
      %dma_wait3A_257 = arith.constant 0 : i32
      %dma_wait3A_258 = tpu.memref_slice %arg11[%dma_wait3A_256, %dma_wait3A_257] : memref<10008x128xf32, #tpu.memory_space<vmem_shared>> -> memref<10008x128xf32, #tpu.memory_space<vmem_shared>>
      %dma_wait3A_259 = tpu.memref_slice %arg14[%dma_wait3A_251] : memref<2x!tpu.dma_semaphore, #tpu.memory_space<semaphore_mem>> -> memref<1x!tpu.dma_semaphore, #tpu.memory_space<semaphore_mem>>
      %dma_wait3A_260 = tpu.memref_squeeze %dma_wait3A_259 : memref<1x!tpu.dma_semaphore, #tpu.memory_space<semaphore_mem>> -> memref<!tpu.dma_semaphore, #tpu.memory_space<semaphore_mem>>
      tpu.wait_indirect_dma semaphore(%dma_wait3A_260 : memref<!tpu.dma_semaphore, #tpu.memory_space<semaphore_mem>>) src(%dma_wait3A_255 : memref<128x128xf32, #tpu.memory_space<vmem>>) dst(%dma_wait3A_258 : memref<10008x128xf32, #tpu.memory_space<vmem_shared>>)
      %mul3A_261 = arith.constant 2 : i32
      %mul3A_262 = arith.muli %add3A_171, %mul3A_261 : i32
      %add3A_263 = arith.constant 0 : i32
      %add3A_264 = arith.addi %mul3A_262, %add3A_263 : i32
      %add3A_265 = arith.constant 2 : i32
      %add3A_266 = arith.addi %add3A_264, %add3A_265 : i32
      %add3A_267 = arith.addi %mul3A_2, %add3A_266 : i32
      %dma_start3A_268 = arith.constant 0 : i32
      %dma_start3A_269 = arith.constant 0 : i32
      %dma_start3A_270 = tpu.memref_slice %arg4[%add3A_267, %dma_start3A_269] : memref<2560x128xi32, #tpu.memory_space<hbm>> -> memref<1x128xi32, #tpu.memory_space<hbm>>
      %dma_start3A_271 = tpu.memref_squeeze %dma_start3A_270 : memref<1x128xi32, #tpu.memory_space<hbm>> -> memref<128xi32, #tpu.memory_space<hbm>>
      %dma_start3A_272 = tpu.memref_slice %arg12[%dma_start3A_268] : memref<2x!tpu.dma_semaphore, #tpu.memory_space<semaphore_mem>> -> memref<1x!tpu.dma_semaphore, #tpu.memory_space<semaphore_mem>>
      %dma_start3A_273 = tpu.memref_squeeze %dma_start3A_272 : memref<1x!tpu.dma_semaphore, #tpu.memory_space<semaphore_mem>> -> memref<!tpu.dma_semaphore, #tpu.memory_space<semaphore_mem>>
      %dma_start3A_274 = arith.constant 0 : i32
      %dma_start3A_275 = tpu.memref_slice %arg4[%add3A_267, %dma_start3A_274] : memref<2560x128xi32, #tpu.memory_space<hbm>> -> memref<1x128xi32, #tpu.memory_space<hbm>>
      %dma_start3A_276 = tpu.memref_squeeze %dma_start3A_275 : memref<1x128xi32, #tpu.memory_space<hbm>> -> memref<128xi32, #tpu.memory_space<hbm>>
      tpu.enqueue_dma source(%dma_start3A_276 : memref<128xi32, #tpu.memory_space<hbm>>) target(%arg8 : memref<128xi32, #tpu.memory_space<vmem>>) target_semaphore(%dma_start3A_273 : memref<!tpu.dma_semaphore, #tpu.memory_space<semaphore_mem>>)
      %dma_start3A_277 = arith.constant 0 : i32
      %dma_start3A_278 = arith.constant 0 : i32
      %dma_start3A_279 = arith.constant 0 : i32
      %dma_start3A_280 = arith.constant 0 : i32
      %dma_start3A_281 = tpu.memref_slice %arg10[%dma_start3A_277, %dma_start3A_279, %dma_start3A_280] : memref<2x128x128xf32, #tpu.memory_space<vmem>> -> memref<1x128x128xf32, #tpu.memory_space<vmem>>
      %dma_start3A_282 = tpu.memref_squeeze %dma_start3A_281 : memref<1x128x128xf32, #tpu.memory_space<vmem>> -> memref<128x128xf32, #tpu.memory_space<vmem>>
      %dma_start3A_283 = arith.constant 0 : i32
      %dma_start3A_284 = tpu.memref_slice %arg7[%add3A_266, %dma_start3A_283] : memref<80x128xi32, #tpu.memory_space<vmem>> -> memref<1x128xi32, #tpu.memory_space<vmem>>
      %dma_start3A_285 = tpu.memref_squeeze %dma_start3A_284 : memref<1x128xi32, #tpu.memory_space<vmem>> -> memref<128xi32, #tpu.memory_space<vmem>>
      %dma_start3A_286 = arith.constant 0 : i32
      %dma_start3A_287 = arith.constant 0 : i32
      %dma_start3A_288 = tpu.memref_slice %arg2[%dma_start3A_286, %dma_start3A_287] : memref<10000x128xf32, #tpu.memory_space<hbm>> -> memref<10000x128xf32, #tpu.memory_space<hbm>>
      %dma_start3A_289 = tpu.memref_slice %arg13[%dma_start3A_278] : memref<2x!tpu.dma_semaphore, #tpu.memory_space<semaphore_mem>> -> memref<1x!tpu.dma_semaphore, #tpu.memory_space<semaphore_mem>>
      %dma_start3A_290 = tpu.memref_squeeze %dma_start3A_289 : memref<1x!tpu.dma_semaphore, #tpu.memory_space<semaphore_mem>> -> memref<!tpu.dma_semaphore, #tpu.memory_space<semaphore_mem>>
      tpu.enqueue_indirect_dma source(%dma_start3A_288 : memref<10000x128xf32, #tpu.memory_space<hbm>>) target(%dma_start3A_282 : memref<128x128xf32, #tpu.memory_space<vmem>>) offsets(%dma_start3A_285 : memref<128xi32, #tpu.memory_space<vmem>>) semaphore(%dma_start3A_290 : memref<!tpu.dma_semaphore, #tpu.memory_space<semaphore_mem>>)
      %dma_wait3A_291 = arith.constant 1 : i32
      %dma_wait3A_292 = arith.constant 1 : i32
      %dma_wait3A_293 = arith.constant 0 : i32
      %dma_wait3A_294 = arith.constant 0 : i32
      %dma_wait3A_295 = tpu.memref_slice %arg10[%dma_wait3A_291, %dma_wait3A_293, %dma_wait3A_294] : memref<2x128x128xf32, #tpu.memory_space<vmem>> -> memref<1x128x128xf32, #tpu.memory_space<vmem>>
      %dma_wait3A_296 = tpu.memref_squeeze %dma_wait3A_295 : memref<1x128x128xf32, #tpu.memory_space<vmem>> -> memref<128x128xf32, #tpu.memory_space<vmem>>
      %dma_wait3A_297 = arith.constant 0 : i32
      %dma_wait3A_298 = arith.constant 0 : i32
      %dma_wait3A_299 = tpu.memref_slice %arg11[%dma_wait3A_297, %dma_wait3A_298] : memref<10008x128xf32, #tpu.memory_space<vmem_shared>> -> memref<10008x128xf32, #tpu.memory_space<vmem_shared>>
      %dma_wait3A_300 = tpu.memref_slice %arg14[%dma_wait3A_292] : memref<2x!tpu.dma_semaphore, #tpu.memory_space<semaphore_mem>> -> memref<1x!tpu.dma_semaphore, #tpu.memory_space<semaphore_mem>>
      %dma_wait3A_301 = tpu.memref_squeeze %dma_wait3A_300 : memref<1x!tpu.dma_semaphore, #tpu.memory_space<semaphore_mem>> -> memref<!tpu.dma_semaphore, #tpu.memory_space<semaphore_mem>>
      tpu.wait_indirect_dma semaphore(%dma_wait3A_301 : memref<!tpu.dma_semaphore, #tpu.memory_space<semaphore_mem>>) src(%dma_wait3A_296 : memref<128x128xf32, #tpu.memory_space<vmem>>) dst(%dma_wait3A_299 : memref<10008x128xf32, #tpu.memory_space<vmem_shared>>)
      %mul3A_302 = arith.constant 2 : i32
      %mul3A_303 = arith.muli %add3A_171, %mul3A_302 : i32
      %add3A_304 = arith.constant 1 : i32
      %add3A_305 = arith.addi %mul3A_303, %add3A_304 : i32
      %add3A_306 = arith.constant 2 : i32
      %add3A_307 = arith.addi %add3A_305, %add3A_306 : i32
      %add3A_308 = arith.addi %mul3A_2, %add3A_307 : i32
      %dma_start3A_309 = arith.constant 1 : i32
      %dma_start3A_310 = arith.constant 0 : i32
      %dma_start3A_311 = tpu.memref_slice %arg4[%add3A_308, %dma_start3A_310] : memref<2560x128xi32, #tpu.memory_space<hbm>> -> memref<1x128xi32, #tpu.memory_space<hbm>>
      %dma_start3A_312 = tpu.memref_squeeze %dma_start3A_311 : memref<1x128xi32, #tpu.memory_space<hbm>> -> memref<128xi32, #tpu.memory_space<hbm>>
      %dma_start3A_313 = tpu.memref_slice %arg12[%dma_start3A_309] : memref<2x!tpu.dma_semaphore, #tpu.memory_space<semaphore_mem>> -> memref<1x!tpu.dma_semaphore, #tpu.memory_space<semaphore_mem>>
      %dma_start3A_314 = tpu.memref_squeeze %dma_start3A_313 : memref<1x!tpu.dma_semaphore, #tpu.memory_space<semaphore_mem>> -> memref<!tpu.dma_semaphore, #tpu.memory_space<semaphore_mem>>
      %dma_start3A_315 = arith.constant 0 : i32
      %dma_start3A_316 = tpu.memref_slice %arg4[%add3A_308, %dma_start3A_315] : memref<2560x128xi32, #tpu.memory_space<hbm>> -> memref<1x128xi32, #tpu.memory_space<hbm>>
      %dma_start3A_317 = tpu.memref_squeeze %dma_start3A_316 : memref<1x128xi32, #tpu.memory_space<hbm>> -> memref<128xi32, #tpu.memory_space<hbm>>
      tpu.enqueue_dma source(%dma_start3A_317 : memref<128xi32, #tpu.memory_space<hbm>>) target(%arg9 : memref<128xi32, #tpu.memory_space<vmem>>) target_semaphore(%dma_start3A_314 : memref<!tpu.dma_semaphore, #tpu.memory_space<semaphore_mem>>)
      %dma_start3A_318 = arith.constant 1 : i32
      %dma_start3A_319 = arith.constant 1 : i32
      %dma_start3A_320 = arith.constant 0 : i32
      %dma_start3A_321 = arith.constant 0 : i32
      %dma_start3A_322 = tpu.memref_slice %arg10[%dma_start3A_318, %dma_start3A_320, %dma_start3A_321] : memref<2x128x128xf32, #tpu.memory_space<vmem>> -> memref<1x128x128xf32, #tpu.memory_space<vmem>>
      %dma_start3A_323 = tpu.memref_squeeze %dma_start3A_322 : memref<1x128x128xf32, #tpu.memory_space<vmem>> -> memref<128x128xf32, #tpu.memory_space<vmem>>
      %dma_start3A_324 = arith.constant 0 : i32
      %dma_start3A_325 = tpu.memref_slice %arg7[%add3A_307, %dma_start3A_324] : memref<80x128xi32, #tpu.memory_space<vmem>> -> memref<1x128xi32, #tpu.memory_space<vmem>>
      %dma_start3A_326 = tpu.memref_squeeze %dma_start3A_325 : memref<1x128xi32, #tpu.memory_space<vmem>> -> memref<128xi32, #tpu.memory_space<vmem>>
      %dma_start3A_327 = arith.constant 0 : i32
      %dma_start3A_328 = arith.constant 0 : i32
      %dma_start3A_329 = tpu.memref_slice %arg2[%dma_start3A_327, %dma_start3A_328] : memref<10000x128xf32, #tpu.memory_space<hbm>> -> memref<10000x128xf32, #tpu.memory_space<hbm>>
      %dma_start3A_330 = tpu.memref_slice %arg13[%dma_start3A_319] : memref<2x!tpu.dma_semaphore, #tpu.memory_space<semaphore_mem>> -> memref<1x!tpu.dma_semaphore, #tpu.memory_space<semaphore_mem>>
      %dma_start3A_331 = tpu.memref_squeeze %dma_start3A_330 : memref<1x!tpu.dma_semaphore, #tpu.memory_space<semaphore_mem>> -> memref<!tpu.dma_semaphore, #tpu.memory_space<semaphore_mem>>
      tpu.enqueue_indirect_dma source(%dma_start3A_329 : memref<10000x128xf32, #tpu.memory_space<hbm>>) target(%dma_start3A_323 : memref<128x128xf32, #tpu.memory_space<vmem>>) offsets(%dma_start3A_326 : memref<128xi32, #tpu.memory_space<vmem>>) semaphore(%dma_start3A_331 : memref<!tpu.dma_semaphore, #tpu.memory_space<semaphore_mem>>)
    }
    %scan3A_61 = arith.constant 39 : i32
    %dma_wait3A = arith.constant 78 : i32
    %dma_wait3A_62 = arith.constant 0 : i32
    %dma_wait3A_63 = arith.constant 0 : i32
    %dma_wait3A_64 = arith.constant 0 : i32
    %dma_wait3A_65 = arith.constant 0 : i32
    %dma_wait3A_66 = tpu.memref_slice %arg10[%dma_wait3A_62, %dma_wait3A_64, %dma_wait3A_65] : memref<2x128x128xf32, #tpu.memory_space<vmem>> -> memref<1x128x128xf32, #tpu.memory_space<vmem>>
    %dma_wait3A_67 = tpu.memref_squeeze %dma_wait3A_66 : memref<1x128x128xf32, #tpu.memory_space<vmem>> -> memref<128x128xf32, #tpu.memory_space<vmem>>
    %dma_wait3A_68 = arith.constant 0 : i32
    %dma_wait3A_69 = tpu.memref_slice %arg7[%dma_wait3A, %dma_wait3A_68] : memref<80x128xi32, #tpu.memory_space<vmem>> -> memref<1x128xi32, #tpu.memory_space<vmem>>
    %dma_wait3A_70 = tpu.memref_squeeze %dma_wait3A_69 : memref<1x128xi32, #tpu.memory_space<vmem>> -> memref<128xi32, #tpu.memory_space<vmem>>
    %dma_wait3A_71 = arith.constant 0 : i32
    %dma_wait3A_72 = arith.constant 0 : i32
    %dma_wait3A_73 = tpu.memref_slice %arg2[%dma_wait3A_71, %dma_wait3A_72] : memref<10000x128xf32, #tpu.memory_space<hbm>> -> memref<10000x128xf32, #tpu.memory_space<hbm>>
    %dma_wait3A_74 = tpu.memref_slice %arg13[%dma_wait3A_63] : memref<2x!tpu.dma_semaphore, #tpu.memory_space<semaphore_mem>> -> memref<1x!tpu.dma_semaphore, #tpu.memory_space<semaphore_mem>>
    %dma_wait3A_75 = tpu.memref_squeeze %dma_wait3A_74 : memref<1x!tpu.dma_semaphore, #tpu.memory_space<semaphore_mem>> -> memref<!tpu.dma_semaphore, #tpu.memory_space<semaphore_mem>>
    tpu.wait_indirect_dma semaphore(%dma_wait3A_75 : memref<!tpu.dma_semaphore, #tpu.memory_space<semaphore_mem>>) src(%dma_wait3A_73 : memref<10000x128xf32, #tpu.memory_space<hbm>>) dst(%dma_wait3A_67 : memref<128x128xf32, #tpu.memory_space<vmem>>)
    %add3A_76 = arith.constant 78 : i32
    %add3A_77 = arith.addi %mul3A_2, %add3A_76 : i32
    %dma_wait3A_78 = arith.constant 0 : i32
    %dma_wait3A_79 = arith.constant 0 : i32
    %dma_wait3A_80 = tpu.memref_slice %arg4[%add3A_77, %dma_wait3A_79] : memref<2560x128xi32, #tpu.memory_space<hbm>> -> memref<1x128xi32, #tpu.memory_space<hbm>>
    %dma_wait3A_81 = tpu.memref_squeeze %dma_wait3A_80 : memref<1x128xi32, #tpu.memory_space<hbm>> -> memref<128xi32, #tpu.memory_space<hbm>>
    %dma_wait3A_82 = tpu.memref_slice %arg12[%dma_wait3A_78] : memref<2x!tpu.dma_semaphore, #tpu.memory_space<semaphore_mem>> -> memref<1x!tpu.dma_semaphore, #tpu.memory_space<semaphore_mem>>
    %dma_wait3A_83 = tpu.memref_squeeze %dma_wait3A_82 : memref<1x!tpu.dma_semaphore, #tpu.memory_space<semaphore_mem>> -> memref<!tpu.dma_semaphore, #tpu.memory_space<semaphore_mem>>
    %dma_wait3A_84 = arith.constant 0 : i32
    %dma_wait3A_85 = tpu.memref_slice %arg4[%add3A_77, %dma_wait3A_84] : memref<2560x128xi32, #tpu.memory_space<hbm>> -> memref<1x128xi32, #tpu.memory_space<hbm>>
    %dma_wait3A_86 = tpu.memref_squeeze %dma_wait3A_85 : memref<1x128xi32, #tpu.memory_space<hbm>> -> memref<128xi32, #tpu.memory_space<hbm>>
    tpu.wait_dma2 semaphore(%dma_wait3A_83 : memref<!tpu.dma_semaphore, #tpu.memory_space<semaphore_mem>>) src(%dma_wait3A_86 : memref<128xi32, #tpu.memory_space<hbm>>) dst(%arg8 : memref<128xi32, #tpu.memory_space<vmem>>)
    %dma_start3A_87 = arith.constant 0 : i32
    %dma_start3A_88 = arith.constant 0 : i32
    %dma_start3A_89 = arith.constant 0 : i32
    %dma_start3A_90 = arith.constant 0 : i32
    %dma_start3A_91 = tpu.memref_slice %arg10[%dma_start3A_87, %dma_start3A_89, %dma_start3A_90] : memref<2x128x128xf32, #tpu.memory_space<vmem>> -> memref<1x128x128xf32, #tpu.memory_space<vmem>>
    %dma_start3A_92 = tpu.memref_squeeze %dma_start3A_91 : memref<1x128x128xf32, #tpu.memory_space<vmem>> -> memref<128x128xf32, #tpu.memory_space<vmem>>
    %dma_start3A_93 = arith.constant 0 : i32
    %dma_start3A_94 = arith.constant 0 : i32
    %dma_start3A_95 = tpu.memref_slice %arg11[%dma_start3A_93, %dma_start3A_94] : memref<10008x128xf32, #tpu.memory_space<vmem_shared>> -> memref<10008x128xf32, #tpu.memory_space<vmem_shared>>
    %dma_start3A_96 = tpu.memref_slice %arg14[%dma_start3A_88] : memref<2x!tpu.dma_semaphore, #tpu.memory_space<semaphore_mem>> -> memref<1x!tpu.dma_semaphore, #tpu.memory_space<semaphore_mem>>
    %dma_start3A_97 = tpu.memref_squeeze %dma_start3A_96 : memref<1x!tpu.dma_semaphore, #tpu.memory_space<semaphore_mem>> -> memref<!tpu.dma_semaphore, #tpu.memory_space<semaphore_mem>>
    tpu.enqueue_indirect_dma source(%dma_start3A_92 : memref<128x128xf32, #tpu.memory_space<vmem>>) target(%dma_start3A_95 : memref<10008x128xf32, #tpu.memory_space<vmem_shared>>) offsets(%arg8 : memref<128xi32, #tpu.memory_space<vmem>>) semaphore(%dma_start3A_97 : memref<!tpu.dma_semaphore, #tpu.memory_space<semaphore_mem>>) {add = true}
    %dma_wait3A_98 = arith.constant 79 : i32
    %dma_wait3A_99 = arith.constant 1 : i32
    %dma_wait3A_100 = arith.constant 1 : i32
    %dma_wait3A_101 = arith.constant 0 : i32
    %dma_wait3A_102 = arith.constant 0 : i32
    %dma_wait3A_103 = tpu.memref_slice %arg10[%dma_wait3A_99, %dma_wait3A_101, %dma_wait3A_102] : memref<2x128x128xf32, #tpu.memory_space<vmem>> -> memref<1x128x128xf32, #tpu.memory_space<vmem>>
    %dma_wait3A_104 = tpu.memref_squeeze %dma_wait3A_103 : memref<1x128x128xf32, #tpu.memory_space<vmem>> -> memref<128x128xf32, #tpu.memory_space<vmem>>
    %dma_wait3A_105 = arith.constant 0 : i32
    %dma_wait3A_106 = tpu.memref_slice %arg7[%dma_wait3A_98, %dma_wait3A_105] : memref<80x128xi32, #tpu.memory_space<vmem>> -> memref<1x128xi32, #tpu.memory_space<vmem>>
    %dma_wait3A_107 = tpu.memref_squeeze %dma_wait3A_106 : memref<1x128xi32, #tpu.memory_space<vmem>> -> memref<128xi32, #tpu.memory_space<vmem>>
    %dma_wait3A_108 = arith.constant 0 : i32
    %dma_wait3A_109 = arith.constant 0 : i32
    %dma_wait3A_110 = tpu.memref_slice %arg2[%dma_wait3A_108, %dma_wait3A_109] : memref<10000x128xf32, #tpu.memory_space<hbm>> -> memref<10000x128xf32, #tpu.memory_space<hbm>>
    %dma_wait3A_111 = tpu.memref_slice %arg13[%dma_wait3A_100] : memref<2x!tpu.dma_semaphore, #tpu.memory_space<semaphore_mem>> -> memref<1x!tpu.dma_semaphore, #tpu.memory_space<semaphore_mem>>
    %dma_wait3A_112 = tpu.memref_squeeze %dma_wait3A_111 : memref<1x!tpu.dma_semaphore, #tpu.memory_space<semaphore_mem>> -> memref<!tpu.dma_semaphore, #tpu.memory_space<semaphore_mem>>
    tpu.wait_indirect_dma semaphore(%dma_wait3A_112 : memref<!tpu.dma_semaphore, #tpu.memory_space<semaphore_mem>>) src(%dma_wait3A_110 : memref<10000x128xf32, #tpu.memory_space<hbm>>) dst(%dma_wait3A_104 : memref<128x128xf32, #tpu.memory_space<vmem>>)
    %add3A_113 = arith.constant 79 : i32
    %add3A_114 = arith.addi %mul3A_2, %add3A_113 : i32
    %dma_wait3A_115 = arith.constant 1 : i32
    %dma_wait3A_116 = arith.constant 0 : i32
    %dma_wait3A_117 = tpu.memref_slice %arg4[%add3A_114, %dma_wait3A_116] : memref<2560x128xi32, #tpu.memory_space<hbm>> -> memref<1x128xi32, #tpu.memory_space<hbm>>
    %dma_wait3A_118 = tpu.memref_squeeze %dma_wait3A_117 : memref<1x128xi32, #tpu.memory_space<hbm>> -> memref<128xi32, #tpu.memory_space<hbm>>
    %dma_wait3A_119 = tpu.memref_slice %arg12[%dma_wait3A_115] : memref<2x!tpu.dma_semaphore, #tpu.memory_space<semaphore_mem>> -> memref<1x!tpu.dma_semaphore, #tpu.memory_space<semaphore_mem>>
    %dma_wait3A_120 = tpu.memref_squeeze %dma_wait3A_119 : memref<1x!tpu.dma_semaphore, #tpu.memory_space<semaphore_mem>> -> memref<!tpu.dma_semaphore, #tpu.memory_space<semaphore_mem>>
    %dma_wait3A_121 = arith.constant 0 : i32
    %dma_wait3A_122 = tpu.memref_slice %arg4[%add3A_114, %dma_wait3A_121] : memref<2560x128xi32, #tpu.memory_space<hbm>> -> memref<1x128xi32, #tpu.memory_space<hbm>>
    %dma_wait3A_123 = tpu.memref_squeeze %dma_wait3A_122 : memref<1x128xi32, #tpu.memory_space<hbm>> -> memref<128xi32, #tpu.memory_space<hbm>>
    tpu.wait_dma2 semaphore(%dma_wait3A_120 : memref<!tpu.dma_semaphore, #tpu.memory_space<semaphore_mem>>) src(%dma_wait3A_123 : memref<128xi32, #tpu.memory_space<hbm>>) dst(%arg9 : memref<128xi32, #tpu.memory_space<vmem>>)
    %dma_start3A_124 = arith.constant 1 : i32
    %dma_start3A_125 = arith.constant 1 : i32
    %dma_start3A_126 = arith.constant 0 : i32
    %dma_start3A_127 = arith.constant 0 : i32
    %dma_start3A_128 = tpu.memref_slice %arg10[%dma_start3A_124, %dma_start3A_126, %dma_start3A_127] : memref<2x128x128xf32, #tpu.memory_space<vmem>> -> memref<1x128x128xf32, #tpu.memory_space<vmem>>
    %dma_start3A_129 = tpu.memref_squeeze %dma_start3A_128 : memref<1x128x128xf32, #tpu.memory_space<vmem>> -> memref<128x128xf32, #tpu.memory_space<vmem>>
    %dma_start3A_130 = arith.constant 0 : i32
    %dma_start3A_131 = arith.constant 0 : i32
    %dma_start3A_132 = tpu.memref_slice %arg11[%dma_start3A_130, %dma_start3A_131] : memref<10008x128xf32, #tpu.memory_space<vmem_shared>> -> memref<10008x128xf32, #tpu.memory_space<vmem_shared>>
    %dma_start3A_133 = tpu.memref_slice %arg14[%dma_start3A_125] : memref<2x!tpu.dma_semaphore, #tpu.memory_space<semaphore_mem>> -> memref<1x!tpu.dma_semaphore, #tpu.memory_space<semaphore_mem>>
    %dma_start3A_134 = tpu.memref_squeeze %dma_start3A_133 : memref<1x!tpu.dma_semaphore, #tpu.memory_space<semaphore_mem>> -> memref<!tpu.dma_semaphore, #tpu.memory_space<semaphore_mem>>
    tpu.enqueue_indirect_dma source(%dma_start3A_129 : memref<128x128xf32, #tpu.memory_space<vmem>>) target(%dma_start3A_132 : memref<10008x128xf32, #tpu.memory_space<vmem_shared>>) offsets(%arg9 : memref<128xi32, #tpu.memory_space<vmem>>) semaphore(%dma_start3A_134 : memref<!tpu.dma_semaphore, #tpu.memory_space<semaphore_mem>>) {add = true}
    %dma_wait3A_135 = arith.constant 0 : i32
    %dma_wait3A_136 = arith.constant 0 : i32
    %dma_wait3A_137 = arith.constant 0 : i32
    %dma_wait3A_138 = arith.constant 0 : i32
    %dma_wait3A_139 = tpu.memref_slice %arg10[%dma_wait3A_135, %dma_wait3A_137, %dma_wait3A_138] : memref<2x128x128xf32, #tpu.memory_space<vmem>> -> memref<1x128x128xf32, #tpu.memory_space<vmem>>
    %dma_wait3A_140 = tpu.memref_squeeze %dma_wait3A_139 : memref<1x128x128xf32, #tpu.memory_space<vmem>> -> memref<128x128xf32, #tpu.memory_space<vmem>>
    %dma_wait3A_141 = arith.constant 0 : i32
    %dma_wait3A_142 = arith.constant 0 : i32
    %dma_wait3A_143 = tpu.memref_slice %arg11[%dma_wait3A_141, %dma_wait3A_142] : memref<10008x128xf32, #tpu.memory_space<vmem_shared>> -> memref<10008x128xf32, #tpu.memory_space<vmem_shared>>
    %dma_wait3A_144 = tpu.memref_slice %arg14[%dma_wait3A_136] : memref<2x!tpu.dma_semaphore, #tpu.memory_space<semaphore_mem>> -> memref<1x!tpu.dma_semaphore, #tpu.memory_space<semaphore_mem>>
    %dma_wait3A_145 = tpu.memref_squeeze %dma_wait3A_144 : memref<1x!tpu.dma_semaphore, #tpu.memory_space<semaphore_mem>> -> memref<!tpu.dma_semaphore, #tpu.memory_space<semaphore_mem>>
    tpu.wait_indirect_dma semaphore(%dma_wait3A_145 : memref<!tpu.dma_semaphore, #tpu.memory_space<semaphore_mem>>) src(%dma_wait3A_140 : memref<128x128xf32, #tpu.memory_space<vmem>>) dst(%dma_wait3A_143 : memref<10008x128xf32, #tpu.memory_space<vmem_shared>>)
    %dma_wait3A_146 = arith.constant 1 : i32
    %dma_wait3A_147 = arith.constant 1 : i32
    %dma_wait3A_148 = arith.constant 0 : i32
    %dma_wait3A_149 = arith.constant 0 : i32
    %dma_wait3A_150 = tpu.memref_slice %arg10[%dma_wait3A_146, %dma_wait3A_148, %dma_wait3A_149] : memref<2x128x128xf32, #tpu.memory_space<vmem>> -> memref<1x128x128xf32, #tpu.memory_space<vmem>>
    %dma_wait3A_151 = tpu.memref_squeeze %dma_wait3A_150 : memref<1x128x128xf32, #tpu.memory_space<vmem>> -> memref<128x128xf32, #tpu.memory_space<vmem>>
    %dma_wait3A_152 = arith.constant 0 : i32
    %dma_wait3A_153 = arith.constant 0 : i32
    %dma_wait3A_154 = tpu.memref_slice %arg11[%dma_wait3A_152, %dma_wait3A_153] : memref<10008x128xf32, #tpu.memory_space<vmem_shared>> -> memref<10008x128xf32, #tpu.memory_space<vmem_shared>>
    %dma_wait3A_155 = tpu.memref_slice %arg14[%dma_wait3A_147] : memref<2x!tpu.dma_semaphore, #tpu.memory_space<semaphore_mem>> -> memref<1x!tpu.dma_semaphore, #tpu.memory_space<semaphore_mem>>
    %dma_wait3A_156 = tpu.memref_squeeze %dma_wait3A_155 : memref<1x!tpu.dma_semaphore, #tpu.memory_space<semaphore_mem>> -> memref<!tpu.dma_semaphore, #tpu.memory_space<semaphore_mem>>
    tpu.wait_indirect_dma semaphore(%dma_wait3A_156 : memref<!tpu.dma_semaphore, #tpu.memory_space<semaphore_mem>>) src(%dma_wait3A_151 : memref<128x128xf32, #tpu.memory_space<vmem>>) dst(%dma_wait3A_154 : memref<10008x128xf32, #tpu.memory_space<vmem_shared>>)
    %barrier3A_157 = arith.constant 0 : index
    tpu.barrier barrier_id(%barrier3A_157)
    %mul3A_158 = arith.constant 624 : i32
    %mul3A_159 = arith.muli %arg1, %mul3A_158 : i32
    %mul3A_160 = arith.constant 624 : i32
    %mul3A_161 = arith.muli %arg1, %mul3A_160 : i32
    "tpu.region"() ({
      %run_scoped3A = tpu.sem_alloc : memref<!tpu.dma_semaphore, #tpu.memory_space<semaphore_mem>>
      %dma_start3A_167 = arith.constant 0 : i32
      %dma_start3A_168 = tpu.memref_slice %arg6[%arg0, %mul3A_161, %dma_start3A_167] : memref<2x10000x128xf32, #tpu.memory_space<hbm>> -> memref<1x624x128xf32, #tpu.memory_space<hbm>>
      %dma_start3A_169 = tpu.memref_squeeze %dma_start3A_168 : memref<1x624x128xf32, #tpu.memory_space<hbm>> -> memref<624x128xf32, #tpu.memory_space<hbm>>
      %dma_start3A_170 = arith.constant 0 : i32
      %dma_start3A_171 = tpu.memref_slice %arg11[%mul3A_159, %dma_start3A_170] : memref<10008x128xf32, #tpu.memory_space<vmem_shared>> -> memref<624x128xf32, #tpu.memory_space<vmem_shared>>
      tpu.enqueue_dma source(%dma_start3A_171 : memref<624x128xf32, #tpu.memory_space<vmem_shared>>) target(%dma_start3A_169 : memref<624x128xf32, #tpu.memory_space<hbm>>) target_semaphore(%run_scoped3A : memref<!tpu.dma_semaphore, #tpu.memory_space<semaphore_mem>>)
      %dma_wait3A_172 = arith.constant 0 : i32
      %dma_wait3A_173 = tpu.memref_slice %arg6[%arg0, %mul3A_161, %dma_wait3A_172] : memref<2x10000x128xf32, #tpu.memory_space<hbm>> -> memref<1x624x128xf32, #tpu.memory_space<hbm>>
      %dma_wait3A_174 = tpu.memref_squeeze %dma_wait3A_173 : memref<1x624x128xf32, #tpu.memory_space<hbm>> -> memref<624x128xf32, #tpu.memory_space<hbm>>
      %dma_wait3A_175 = arith.constant 0 : i32
      %dma_wait3A_176 = tpu.memref_slice %arg11[%mul3A_159, %dma_wait3A_175] : memref<10008x128xf32, #tpu.memory_space<vmem_shared>> -> memref<624x128xf32, #tpu.memory_space<vmem_shared>>
      tpu.wait_dma2 semaphore(%run_scoped3A : memref<!tpu.dma_semaphore, #tpu.memory_space<semaphore_mem>>) src(%dma_wait3A_176 : memref<624x128xf32, #tpu.memory_space<vmem_shared>>) dst(%dma_wait3A_174 : memref<624x128xf32, #tpu.memory_space<hbm>>)
      tpu.yield
    }) : () -> ()
    %eq3A_162 = arith.constant 0 : i32
    %eq3A_163 = arith.cmpi eq, %arg1, %eq3A_162 : i32
    %convert_element_type3A_164 = arith.extui %eq3A_163 : i1 to i32
    %cond3A_165 = arith.constant 0 : i32
    %cond3A_166 = arith.cmpi ne, %convert_element_type3A_164, %cond3A_165 : i32
    scf.if %cond3A_166 {
      "tpu.region"() ({
        %run_scoped3A = tpu.sem_alloc : memref<!tpu.dma_semaphore, #tpu.memory_space<semaphore_mem>>
        %dma_start3A_167 = arith.constant 9984 : i32
        %dma_start3A_168 = arith.constant 0 : i32
        %dma_start3A_169 = tpu.memref_slice %arg6[%arg0, %dma_start3A_167, %dma_start3A_168] : memref<2x10000x128xf32, #tpu.memory_space<hbm>> -> memref<1x16x128xf32, #tpu.memory_space<hbm>>
        %dma_start3A_170 = tpu.memref_squeeze %dma_start3A_169 : memref<1x16x128xf32, #tpu.memory_space<hbm>> -> memref<16x128xf32, #tpu.memory_space<hbm>>
        %dma_start3A_171 = arith.constant 9984 : i32
        %dma_start3A_172 = arith.constant 0 : i32
        %dma_start3A_173 = tpu.memref_slice %arg11[%dma_start3A_171, %dma_start3A_172] : memref<10008x128xf32, #tpu.memory_space<vmem_shared>> -> memref<16x128xf32, #tpu.memory_space<vmem_shared>>
        tpu.enqueue_dma source(%dma_start3A_173 : memref<16x128xf32, #tpu.memory_space<vmem_shared>>) target(%dma_start3A_170 : memref<16x128xf32, #tpu.memory_space<hbm>>) target_semaphore(%run_scoped3A : memref<!tpu.dma_semaphore, #tpu.memory_space<semaphore_mem>>)
        %dma_wait3A_174 = arith.constant 9984 : i32
        %dma_wait3A_175 = arith.constant 0 : i32
        %dma_wait3A_176 = tpu.memref_slice %arg6[%arg0, %dma_wait3A_174, %dma_wait3A_175] : memref<2x10000x128xf32, #tpu.memory_space<hbm>> -> memref<1x16x128xf32, #tpu.memory_space<hbm>>
        %dma_wait3A_177 = tpu.memref_squeeze %dma_wait3A_176 : memref<1x16x128xf32, #tpu.memory_space<hbm>> -> memref<16x128xf32, #tpu.memory_space<hbm>>
        %dma_wait3A_178 = arith.constant 9984 : i32
        %dma_wait3A_179 = arith.constant 0 : i32
        %dma_wait3A_180 = tpu.memref_slice %arg11[%dma_wait3A_178, %dma_wait3A_179] : memref<10008x128xf32, #tpu.memory_space<vmem_shared>> -> memref<16x128xf32, #tpu.memory_space<vmem_shared>>
        tpu.wait_dma2 semaphore(%run_scoped3A : memref<!tpu.dma_semaphore, #tpu.memory_space<semaphore_mem>>) src(%dma_wait3A_180 : memref<16x128xf32, #tpu.memory_space<vmem_shared>>) dst(%dma_wait3A_177 : memref<16x128xf32, #tpu.memory_space<hbm>>)
        tpu.yield
      }) : () -> ()
    } else {
    }
    return
  }
}

#map = affine_map<(d0, d1) -> (0, 0)>
#map1 = affine_map<(d0, d1) -> (0, 0, 0)>
module attributes {stable_mosaic.version = 14 : i64} {
  func.func @body(%arg0: i32, %arg1: i32, %arg2: memref<10000x128xf32, #tpu.memory_space<hbm>>, %arg3: memref<2560x128xi32, #tpu.memory_space<hbm>>, %arg4: memref<2560x128xi32, #tpu.memory_space<hbm>>, %arg5: memref<624x128xf32, #tpu.memory_space<hbm>>, %arg6: memref<2x10000x128xf32, #tpu.memory_space<hbm>>, %arg7: memref<80x128xi32, #tpu.memory_space<vmem>>, %arg8: memref<128xi32, #tpu.memory_space<vmem>>, %arg9: memref<128xi32, #tpu.memory_space<vmem>>, %arg10: memref<2x128x128xf32, #tpu.memory_space<vmem>>, %arg11: memref<10008x128xf32, #tpu.memory_space<vmem_shared>>, %arg12: memref<2x!tpu.dma_semaphore, #tpu.memory_space<semaphore_mem>>, %arg13: memref<2x!tpu.dma_semaphore, #tpu.memory_space<semaphore_mem>>, %arg14: memref<2x!tpu.dma_semaphore, #tpu.memory_space<semaphore_mem>>) attributes {dimension_semantics = [#tpu.dimension_semantics<core_parallel>, #tpu.dimension_semantics<subcore_parallel>], iteration_bounds = array<i64: 2, 16>, scalar_prefetch = 0 : i64, scratch_operands = 8 : i64, tpu.core_type = #tpu.core_type<sc_vector_subcore>, window_params = [{transform_indices = #map}, {transform_indices = #map}, {transform_indices = #map}, {transform_indices = #map}, {transform_indices = #map1}]} {
    %mul3A = arith.constant 16 : i32
    %mul3A_0 = arith.muli %arg0, %mul3A : i32
    %add3A = arith.addi %mul3A_0, %arg1 : i32
    %mul3A_1 = arith.constant 80 : i32
    %mul3A_2 = arith.muli %add3A, %mul3A_1 : i32
    "tpu.region"() ({
      %run_scoped3A = tpu.sem_alloc : memref<!tpu.dma_semaphore, #tpu.memory_space<semaphore_mem>>
      %dma_start3A_167 = arith.constant 0 : i32
      %dma_start3A_168 = tpu.memref_slice %arg3[%mul3A_2, %dma_start3A_167] : memref<2560x128xi32, #tpu.memory_space<hbm>> -> memref<80x128xi32, #tpu.memory_space<hbm>>
      %dma_start3A_169 = arith.constant 0 : i32
      %dma_start3A_170 = tpu.memref_slice %arg3[%mul3A_2, %dma_start3A_169] : memref<2560x128xi32, #tpu.memory_space<hbm>> -> memref<80x128xi32, #tpu.memory_space<hbm>>
      tpu.enqueue_dma source(%dma_start3A_170 : memref<80x128xi32, #tpu.memory_space<hbm>>) target(%arg7 : memref<80x128xi32, #tpu.memory_space<vmem>>) target_semaphore(%run_scoped3A : memref<!tpu.dma_semaphore, #tpu.memory_space<semaphore_mem>>)
      %dma_wait3A_171 = arith.constant 0 : i32
      %dma_wait3A_172 = tpu.memref_slice %arg3[%mul3A_2, %dma_wait3A_171] : memref<2560x128xi32, #tpu.memory_space<hbm>> -> memref<80x128xi32, #tpu.memory_space<hbm>>
      %dma_wait3A_173 = arith.constant 0 : i32
      %dma_wait3A_174 = tpu.memref_slice %arg3[%mul3A_2, %dma_wait3A_173] : memref<2560x128xi32, #tpu.memory_space<hbm>> -> memref<80x128xi32, #tpu.memory_space<hbm>>
      tpu.wait_dma2 semaphore(%run_scoped3A : memref<!tpu.dma_semaphore, #tpu.memory_space<semaphore_mem>>) src(%dma_wait3A_174 : memref<80x128xi32, #tpu.memory_space<hbm>>) dst(%arg7 : memref<80x128xi32, #tpu.memory_space<vmem>>)
      tpu.yield
    }) : () -> ()
    %mul3A_3 = arith.constant 624 : i32
    %mul3A_4 = arith.muli %arg1, %mul3A_3 : i32
    "tpu.region"() ({
      %run_scoped3A = tpu.sem_alloc : memref<!tpu.dma_semaphore, #tpu.memory_space<semaphore_mem>>
      %dma_start3A_167 = arith.constant 0 : i32
      %dma_start3A_168 = tpu.memref_slice %arg11[%mul3A_4, %dma_start3A_167] : memref<10008x128xf32, #tpu.memory_space<vmem_shared>> -> memref<624x128xf32, #tpu.memory_space<vmem_shared>>
      tpu.enqueue_dma source(%arg5 : memref<624x128xf32, #tpu.memory_space<hbm>>) target(%dma_start3A_168 : memref<624x128xf32, #tpu.memory_space<vmem_shared>>) target_semaphore(%run_scoped3A : memref<!tpu.dma_semaphore, #tpu.memory_space<semaphore_mem>>)
      %dma_wait3A_169 = arith.constant 0 : i32
      %dma_wait3A_170 = tpu.memref_slice %arg11[%mul3A_4, %dma_wait3A_169] : memref<10008x128xf32, #tpu.memory_space<vmem_shared>> -> memref<624x128xf32, #tpu.memory_space<vmem_shared>>
      tpu.wait_dma2 semaphore(%run_scoped3A : memref<!tpu.dma_semaphore, #tpu.memory_space<semaphore_mem>>) src(%arg5 : memref<624x128xf32, #tpu.memory_space<hbm>>) dst(%dma_wait3A_170 : memref<624x128xf32, #tpu.memory_space<vmem_shared>>)
      tpu.yield
    }) : () -> ()
    %eq3A = arith.constant 0 : i32
    %eq3A_5 = arith.cmpi eq, %arg1, %eq3A : i32
    %convert_element_type3A = arith.extui %eq3A_5 : i1 to i32
    %cond3A = arith.constant 0 : i32
    %cond3A_6 = arith.cmpi ne, %convert_element_type3A, %cond3A : i32
    scf.if %cond3A_6 {
      "tpu.region"() ({
        %run_scoped3A = tpu.sem_alloc : memref<!tpu.dma_semaphore, #tpu.memory_space<semaphore_mem>>
        %dma_start3A_167 = arith.constant 9984 : i32
        %dma_start3A_168 = arith.constant 0 : i32
        %dma_start3A_169 = tpu.memref_slice %arg11[%dma_start3A_167, %dma_start3A_168] : memref<10008x128xf32, #tpu.memory_space<vmem_shared>> -> memref<24x128xf32, #tpu.memory_space<vmem_shared>>
        %dma_start3A_170 = arith.constant 0 : i32
        %dma_start3A_171 = arith.constant 0 : i32
        %dma_start3A_172 = tpu.memref_slice %arg5[%dma_start3A_170, %dma_start3A_171] : memref<624x128xf32, #tpu.memory_space<hbm>> -> memref<24x128xf32, #tpu.memory_space<hbm>>
        tpu.enqueue_dma source(%dma_start3A_172 : memref<24x128xf32, #tpu.memory_space<hbm>>) target(%dma_start3A_169 : memref<24x128xf32, #tpu.memory_space<vmem_shared>>) target_semaphore(%run_scoped3A : memref<!tpu.dma_semaphore, #tpu.memory_space<semaphore_mem>>)
        %dma_wait3A_173 = arith.constant 9984 : i32
        %dma_wait3A_174 = arith.constant 0 : i32
        %dma_wait3A_175 = tpu.memref_slice %arg11[%dma_wait3A_173, %dma_wait3A_174] : memref<10008x128xf32, #tpu.memory_space<vmem_shared>> -> memref<24x128xf32, #tpu.memory_space<vmem_shared>>
        %dma_wait3A_176 = arith.constant 0 : i32
        %dma_wait3A_177 = arith.constant 0 : i32
        %dma_wait3A_178 = tpu.memref_slice %arg5[%dma_wait3A_176, %dma_wait3A_177] : memref<624x128xf32, #tpu.memory_space<hbm>> -> memref<24x128xf32, #tpu.memory_space<hbm>>
        tpu.wait_dma2 semaphore(%run_scoped3A : memref<!tpu.dma_semaphore, #tpu.memory_space<semaphore_mem>>) src(%dma_wait3A_178 : memref<24x128xf32, #tpu.memory_space<hbm>>) dst(%dma_wait3A_175 : memref<24x128xf32, #tpu.memory_space<vmem_shared>>)
        tpu.yield
      }) : () -> ()
    } else {
    }
    %barrier3A = arith.constant 0 : index
    tpu.barrier barrier_id(%barrier3A)
    %add3A_7 = arith.constant 0 : i32
    %add3A_8 = arith.addi %mul3A_2, %add3A_7 : i32
    %dma_start3A = arith.constant 0 : i32
    %dma_start3A_9 = arith.constant 0 : i32
    %dma_start3A_10 = tpu.memref_slice %arg4[%add3A_8, %dma_start3A_9] : memref<2560x128xi32, #tpu.memory_space<hbm>> -> memref<1x128xi32, #tpu.memory_space<hbm>>
    %dma_start3A_11 = tpu.memref_squeeze %dma_start3A_10 : memref<1x128xi32, #tpu.memory_space<hbm>> -> memref<128xi32, #tpu.memory_space<hbm>>
    %dma_start3A_12 = tpu.memref_slice %arg12[%dma_start3A] : memref<2x!tpu.dma_semaphore, #tpu.memory_space<semaphore_mem>> -> memref<1x!tpu.dma_semaphore, #tpu.memory_space<semaphore_mem>>
    %dma_start3A_13 = tpu.memref_squeeze %dma_start3A_12 : memref<1x!tpu.dma_semaphore, #tpu.memory_space<semaphore_mem>> -> memref<!tpu.dma_semaphore, #tpu.memory_space<semaphore_mem>>
    %dma_start3A_14 = arith.constant 0 : i32
    %dma_start3A_15 = tpu.memref_slice %arg4[%add3A_8, %dma_start3A_14] : memref<2560x128xi32, #tpu.memory_space<hbm>> -> memref<1x128xi32, #tpu.memory_space<hbm>>
    %dma_start3A_16 = tpu.memref_squeeze %dma_start3A_15 : memref<1x128xi32, #tpu.memory_space<hbm>> -> memref<128xi32, #tpu.memory_space<hbm>>
    tpu.enqueue_dma source(%dma_start3A_16 : memref<128xi32, #tpu.memory_space<hbm>>) target(%arg8 : memref<128xi32, #tpu.memory_space<vmem>>) target_semaphore(%dma_start3A_13 : memref<!tpu.dma_semaphore, #tpu.memory_space<semaphore_mem>>)
    %dma_start3A_17 = arith.constant 0 : i32
    %dma_start3A_18 = arith.constant 0 : i32
    %dma_start3A_19 = arith.constant 0 : i32
    %dma_start3A_20 = arith.constant 0 : i32
    %dma_start3A_21 = arith.constant 0 : i32
    %dma_start3A_22 = tpu.memref_slice %arg10[%dma_start3A_18, %dma_start3A_20, %dma_start3A_21] : memref<2x128x128xf32, #tpu.memory_space<vmem>> -> memref<1x128x128xf32, #tpu.memory_space<vmem>>
    %dma_start3A_23 = tpu.memref_squeeze %dma_start3A_22 : memref<1x128x128xf32, #tpu.memory_space<vmem>> -> memref<128x128xf32, #tpu.memory_space<vmem>>
    %dma_start3A_24 = arith.constant 0 : i32
    %dma_start3A_25 = tpu.memref_slice %arg7[%dma_start3A_17, %dma_start3A_24] : memref<80x128xi32, #tpu.memory_space<vmem>> -> memref<1x128xi32, #tpu.memory_space<vmem>>
    %dma_start3A_26 = tpu.memref_squeeze %dma_start3A_25 : memref<1x128xi32, #tpu.memory_space<vmem>> -> memref<128xi32, #tpu.memory_space<vmem>>
    %dma_start3A_27 = arith.constant 0 : i32
    %dma_start3A_28 = arith.constant 0 : i32
    %dma_start3A_29 = tpu.memref_slice %arg2[%dma_start3A_27, %dma_start3A_28] : memref<10000x128xf32, #tpu.memory_space<hbm>> -> memref<10000x128xf32, #tpu.memory_space<hbm>>
    %dma_start3A_30 = tpu.memref_slice %arg13[%dma_start3A_19] : memref<2x!tpu.dma_semaphore, #tpu.memory_space<semaphore_mem>> -> memref<1x!tpu.dma_semaphore, #tpu.memory_space<semaphore_mem>>
    %dma_start3A_31 = tpu.memref_squeeze %dma_start3A_30 : memref<1x!tpu.dma_semaphore, #tpu.memory_space<semaphore_mem>> -> memref<!tpu.dma_semaphore, #tpu.memory_space<semaphore_mem>>
    tpu.enqueue_indirect_dma source(%dma_start3A_29 : memref<10000x128xf32, #tpu.memory_space<hbm>>) target(%dma_start3A_23 : memref<128x128xf32, #tpu.memory_space<vmem>>) offsets(%dma_start3A_26 : memref<128xi32, #tpu.memory_space<vmem>>) semaphore(%dma_start3A_31 : memref<!tpu.dma_semaphore, #tpu.memory_space<semaphore_mem>>)
    %add3A_32 = arith.constant 1 : i32
    %add3A_33 = arith.addi %mul3A_2, %add3A_32 : i32
    %dma_start3A_34 = arith.constant 1 : i32
    %dma_start3A_35 = arith.constant 0 : i32
    %dma_start3A_36 = tpu.memref_slice %arg4[%add3A_33, %dma_start3A_35] : memref<2560x128xi32, #tpu.memory_space<hbm>> -> memref<1x128xi32, #tpu.memory_space<hbm>>
    %dma_start3A_37 = tpu.memref_squeeze %dma_start3A_36 : memref<1x128xi32, #tpu.memory_space<hbm>> -> memref<128xi32, #tpu.memory_space<hbm>>
    %dma_start3A_38 = tpu.memref_slice %arg12[%dma_start3A_34] : memref<2x!tpu.dma_semaphore, #tpu.memory_space<semaphore_mem>> -> memref<1x!tpu.dma_semaphore, #tpu.memory_space<semaphore_mem>>
    %dma_start3A_39 = tpu.memref_squeeze %dma_start3A_38 : memref<1x!tpu.dma_semaphore, #tpu.memory_space<semaphore_mem>> -> memref<!tpu.dma_semaphore, #tpu.memory_space<semaphore_mem>>
    %dma_start3A_40 = arith.constant 0 : i32
    %dma_start3A_41 = tpu.memref_slice %arg4[%add3A_33, %dma_start3A_40] : memref<2560x128xi32, #tpu.memory_space<hbm>> -> memref<1x128xi32, #tpu.memory_space<hbm>>
    %dma_start3A_42 = tpu.memref_squeeze %dma_start3A_41 : memref<1x128xi32, #tpu.memory_space<hbm>> -> memref<128xi32, #tpu.memory_space<hbm>>
    tpu.enqueue_dma source(%dma_start3A_42 : memref<128xi32, #tpu.memory_space<hbm>>) target(%arg9 : memref<128xi32, #tpu.memory_space<vmem>>) target_semaphore(%dma_start3A_39 : memref<!tpu.dma_semaphore, #tpu.memory_space<semaphore_mem>>)
    %dma_start3A_43 = arith.constant 1 : i32
    %dma_start3A_44 = arith.constant 1 : i32
    %dma_start3A_45 = arith.constant 1 : i32
    %dma_start3A_46 = arith.constant 0 : i32
    %dma_start3A_47 = arith.constant 0 : i32
    %dma_start3A_48 = tpu.memref_slice %arg10[%dma_start3A_44, %dma_start3A_46, %dma_start3A_47] : memref<2x128x128xf32, #tpu.memory_space<vmem>> -> memref<1x128x128xf32, #tpu.memory_space<vmem>>
    %dma_start3A_49 = tpu.memref_squeeze %dma_start3A_48 : memref<1x128x128xf32, #tpu.memory_space<vmem>> -> memref<128x128xf32, #tpu.memory_space<vmem>>
    %dma_start3A_50 = arith.constant 0 : i32
    %dma_start3A_51 = tpu.memref_slice %arg7[%dma_start3A_43, %dma_start3A_50] : memref<80x128xi32, #tpu.memory_space<vmem>> -> memref<1x128xi32, #tpu.memory_space<vmem>>
    %dma_start3A_52 = tpu.memref_squeeze %dma_start3A_51 : memref<1x128xi32, #tpu.memory_space<vmem>> -> memref<128xi32, #tpu.memory_space<vmem>>
    %dma_start3A_53 = arith.constant 0 : i32
    %dma_start3A_54 = arith.constant 0 : i32
    %dma_start3A_55 = tpu.memref_slice %arg2[%dma_start3A_53, %dma_start3A_54] : memref<10000x128xf32, #tpu.memory_space<hbm>> -> memref<10000x128xf32, #tpu.memory_space<hbm>>
    %dma_start3A_56 = tpu.memref_slice %arg13[%dma_start3A_45] : memref<2x!tpu.dma_semaphore, #tpu.memory_space<semaphore_mem>> -> memref<1x!tpu.dma_semaphore, #tpu.memory_space<semaphore_mem>>
    %dma_start3A_57 = tpu.memref_squeeze %dma_start3A_56 : memref<1x!tpu.dma_semaphore, #tpu.memory_space<semaphore_mem>> -> memref<!tpu.dma_semaphore, #tpu.memory_space<semaphore_mem>>
    tpu.enqueue_indirect_dma source(%dma_start3A_55 : memref<10000x128xf32, #tpu.memory_space<hbm>>) target(%dma_start3A_49 : memref<128x128xf32, #tpu.memory_space<vmem>>) offsets(%dma_start3A_52 : memref<128xi32, #tpu.memory_space<vmem>>) semaphore(%dma_start3A_57 : memref<!tpu.dma_semaphore, #tpu.memory_space<semaphore_mem>>)
    %scan3A = arith.constant 0 : i32
    %scan3A_58 = arith.constant 39 : i32
    %scan3A_59 = arith.addi %scan3A, %scan3A_58 : i32
    %scan3A_60 = arith.constant 1 : i32
    scf.for %scan3A_167 = %scan3A to %scan3A_59 step %scan3A_60  : i32 {
      %mul3A_168 = arith.constant 1 : i32
      %mul3A_169 = arith.muli %scan3A_167, %mul3A_168 : i32
      %add3A_170 = arith.constant 0 : i32
      %add3A_171 = arith.addi %add3A_170, %mul3A_169 : i32
      %mul3A_172 = arith.constant 2 : i32
      %mul3A_173 = arith.muli %add3A_171, %mul3A_172 : i32
      %add3A_174 = arith.constant 0 : i32
      %add3A_175 = arith.addi %mul3A_173, %add3A_174 : i32
      %dma_wait3A_176 = arith.constant 0 : i32
      %dma_wait3A_177 = arith.constant 0 : i32
      %dma_wait3A_178 = arith.constant 0 : i32
      %dma_wait3A_179 = arith.constant 0 : i32
      %dma_wait3A_180 = tpu.memref_slice %arg10[%dma_wait3A_176, %dma_wait3A_178, %dma_wait3A_179] : memref<2x128x128xf32, #tpu.memory_space<vmem>> -> memref<1x128x128xf32, #tpu.memory_space<vmem>>
      %dma_wait3A_181 = tpu.memref_squeeze %dma_wait3A_180 : memref<1x128x128xf32, #tpu.memory_space<vmem>> -> memref<128x128xf32, #tpu.memory_space<vmem>>
      %dma_wait3A_182 = arith.constant 0 : i32
      %dma_wait3A_183 = tpu.memref_slice %arg7[%add3A_175, %dma_wait3A_182] : memref<80x128xi32, #tpu.memory_space<vmem>> -> memref<1x128xi32, #tpu.memory_space<vmem>>
      %dma_wait3A_184 = tpu.memref_squeeze %dma_wait3A_183 : memref<1x128xi32, #tpu.memory_space<vmem>> -> memref<128xi32, #tpu.memory_space<vmem>>
      %dma_wait3A_185 = arith.constant 0 : i32
      %dma_wait3A_186 = arith.constant 0 : i32
      %dma_wait3A_187 = tpu.memref_slice %arg2[%dma_wait3A_185, %dma_wait3A_186] : memref<10000x128xf32, #tpu.memory_space<hbm>> -> memref<10000x128xf32, #tpu.memory_space<hbm>>
      %dma_wait3A_188 = tpu.memref_slice %arg13[%dma_wait3A_177] : memref<2x!tpu.dma_semaphore, #tpu.memory_space<semaphore_mem>> -> memref<1x!tpu.dma_semaphore, #tpu.memory_space<semaphore_mem>>
      %dma_wait3A_189 = tpu.memref_squeeze %dma_wait3A_188 : memref<1x!tpu.dma_semaphore, #tpu.memory_space<semaphore_mem>> -> memref<!tpu.dma_semaphore, #tpu.memory_space<semaphore_mem>>
      tpu.wait_indirect_dma semaphore(%dma_wait3A_189 : memref<!tpu.dma_semaphore, #tpu.memory_space<semaphore_mem>>) src(%dma_wait3A_187 : memref<10000x128xf32, #tpu.memory_space<hbm>>) dst(%dma_wait3A_181 : memref<128x128xf32, #tpu.memory_space<vmem>>)
      %add3A_190 = arith.addi %mul3A_2, %add3A_175 : i32
      %dma_wait3A_191 = arith.constant 0 : i32
      %dma_wait3A_192 = arith.constant 0 : i32
      %dma_wait3A_193 = tpu.memref_slice %arg4[%add3A_190, %dma_wait3A_192] : memref<2560x128xi32, #tpu.memory_space<hbm>> -> memref<1x128xi32, #tpu.memory_space<hbm>>
      %dma_wait3A_194 = tpu.memref_squeeze %dma_wait3A_193 : memref<1x128xi32, #tpu.memory_space<hbm>> -> memref<128xi32, #tpu.memory_space<hbm>>
      %dma_wait3A_195 = tpu.memref_slice %arg12[%dma_wait3A_191] : memref<2x!tpu.dma_semaphore, #tpu.memory_space<semaphore_mem>> -> memref<1x!tpu.dma_semaphore, #tpu.memory_space<semaphore_mem>>
      %dma_wait3A_196 = tpu.memref_squeeze %dma_wait3A_195 : memref<1x!tpu.dma_semaphore, #tpu.memory_space<semaphore_mem>> -> memref<!tpu.dma_semaphore, #tpu.memory_space<semaphore_mem>>
      %dma_wait3A_197 = arith.constant 0 : i32
      %dma_wait3A_198 = tpu.memref_slice %arg4[%add3A_190, %dma_wait3A_197] : memref<2560x128xi32, #tpu.memory_space<hbm>> -> memref<1x128xi32, #tpu.memory_space<hbm>>
      %dma_wait3A_199 = tpu.memref_squeeze %dma_wait3A_198 : memref<1x128xi32, #tpu.memory_space<hbm>> -> memref<128xi32, #tpu.memory_space<hbm>>
      tpu.wait_dma2 semaphore(%dma_wait3A_196 : memref<!tpu.dma_semaphore, #tpu.memory_space<semaphore_mem>>) src(%dma_wait3A_199 : memref<128xi32, #tpu.memory_space<hbm>>) dst(%arg8 : memref<128xi32, #tpu.memory_space<vmem>>)
      %dma_start3A_200 = arith.constant 0 : i32
      %dma_start3A_201 = arith.constant 0 : i32
      %dma_start3A_202 = arith.constant 0 : i32
      %dma_start3A_203 = arith.constant 0 : i32
      %dma_start3A_204 = tpu.memref_slice %arg10[%dma_start3A_200, %dma_start3A_202, %dma_start3A_203] : memref<2x128x128xf32, #tpu.memory_space<vmem>> -> memref<1x128x128xf32, #tpu.memory_space<vmem>>
      %dma_start3A_205 = tpu.memref_squeeze %dma_start3A_204 : memref<1x128x128xf32, #tpu.memory_space<vmem>> -> memref<128x128xf32, #tpu.memory_space<vmem>>
      %dma_start3A_206 = arith.constant 0 : i32
      %dma_start3A_207 = arith.constant 0 : i32
      %dma_start3A_208 = tpu.memref_slice %arg11[%dma_start3A_206, %dma_start3A_207] : memref<10008x128xf32, #tpu.memory_space<vmem_shared>> -> memref<10008x128xf32, #tpu.memory_space<vmem_shared>>
      %dma_start3A_209 = tpu.memref_slice %arg14[%dma_start3A_201] : memref<2x!tpu.dma_semaphore, #tpu.memory_space<semaphore_mem>> -> memref<1x!tpu.dma_semaphore, #tpu.memory_space<semaphore_mem>>
      %dma_start3A_210 = tpu.memref_squeeze %dma_start3A_209 : memref<1x!tpu.dma_semaphore, #tpu.memory_space<semaphore_mem>> -> memref<!tpu.dma_semaphore, #tpu.memory_space<semaphore_mem>>
      tpu.enqueue_indirect_dma source(%dma_start3A_205 : memref<128x128xf32, #tpu.memory_space<vmem>>) target(%dma_start3A_208 : memref<10008x128xf32, #tpu.memory_space<vmem_shared>>) offsets(%arg8 : memref<128xi32, #tpu.memory_space<vmem>>) semaphore(%dma_start3A_210 : memref<!tpu.dma_semaphore, #tpu.memory_space<semaphore_mem>>) {add = true}
      %mul3A_211 = arith.constant 2 : i32
      %mul3A_212 = arith.muli %add3A_171, %mul3A_211 : i32
      %add3A_213 = arith.constant 1 : i32
      %add3A_214 = arith.addi %mul3A_212, %add3A_213 : i32
      %dma_wait3A_215 = arith.constant 1 : i32
      %dma_wait3A_216 = arith.constant 1 : i32
      %dma_wait3A_217 = arith.constant 0 : i32
      %dma_wait3A_218 = arith.constant 0 : i32
      %dma_wait3A_219 = tpu.memref_slice %arg10[%dma_wait3A_215, %dma_wait3A_217, %dma_wait3A_218] : memref<2x128x128xf32, #tpu.memory_space<vmem>> -> memref<1x128x128xf32, #tpu.memory_space<vmem>>
      %dma_wait3A_220 = tpu.memref_squeeze %dma_wait3A_219 : memref<1x128x128xf32, #tpu.memory_space<vmem>> -> memref<128x128xf32, #tpu.memory_space<vmem>>
      %dma_wait3A_221 = arith.constant 0 : i32
      %dma_wait3A_222 = tpu.memref_slice %arg7[%add3A_214, %dma_wait3A_221] : memref<80x128xi32, #tpu.memory_space<vmem>> -> memref<1x128xi32, #tpu.memory_space<vmem>>
      %dma_wait3A_223 = tpu.memref_squeeze %dma_wait3A_222 : memref<1x128xi32, #tpu.memory_space<vmem>> -> memref<128xi32, #tpu.memory_space<vmem>>
      %dma_wait3A_224 = arith.constant 0 : i32
      %dma_wait3A_225 = arith.constant 0 : i32
      %dma_wait3A_226 = tpu.memref_slice %arg2[%dma_wait3A_224, %dma_wait3A_225] : memref<10000x128xf32, #tpu.memory_space<hbm>> -> memref<10000x128xf32, #tpu.memory_space<hbm>>
      %dma_wait3A_227 = tpu.memref_slice %arg13[%dma_wait3A_216] : memref<2x!tpu.dma_semaphore, #tpu.memory_space<semaphore_mem>> -> memref<1x!tpu.dma_semaphore, #tpu.memory_space<semaphore_mem>>
      %dma_wait3A_228 = tpu.memref_squeeze %dma_wait3A_227 : memref<1x!tpu.dma_semaphore, #tpu.memory_space<semaphore_mem>> -> memref<!tpu.dma_semaphore, #tpu.memory_space<semaphore_mem>>
      tpu.wait_indirect_dma semaphore(%dma_wait3A_228 : memref<!tpu.dma_semaphore, #tpu.memory_space<semaphore_mem>>) src(%dma_wait3A_226 : memref<10000x128xf32, #tpu.memory_space<hbm>>) dst(%dma_wait3A_220 : memref<128x128xf32, #tpu.memory_space<vmem>>)
      %add3A_229 = arith.addi %mul3A_2, %add3A_214 : i32
      %dma_wait3A_230 = arith.constant 1 : i32
      %dma_wait3A_231 = arith.constant 0 : i32
      %dma_wait3A_232 = tpu.memref_slice %arg4[%add3A_229, %dma_wait3A_231] : memref<2560x128xi32, #tpu.memory_space<hbm>> -> memref<1x128xi32, #tpu.memory_space<hbm>>
      %dma_wait3A_233 = tpu.memref_squeeze %dma_wait3A_232 : memref<1x128xi32, #tpu.memory_space<hbm>> -> memref<128xi32, #tpu.memory_space<hbm>>
      %dma_wait3A_234 = tpu.memref_slice %arg12[%dma_wait3A_230] : memref<2x!tpu.dma_semaphore, #tpu.memory_space<semaphore_mem>> -> memref<1x!tpu.dma_semaphore, #tpu.memory_space<semaphore_mem>>
      %dma_wait3A_235 = tpu.memref_squeeze %dma_wait3A_234 : memref<1x!tpu.dma_semaphore, #tpu.memory_space<semaphore_mem>> -> memref<!tpu.dma_semaphore, #tpu.memory_space<semaphore_mem>>
      %dma_wait3A_236 = arith.constant 0 : i32
      %dma_wait3A_237 = tpu.memref_slice %arg4[%add3A_229, %dma_wait3A_236] : memref<2560x128xi32, #tpu.memory_space<hbm>> -> memref<1x128xi32, #tpu.memory_space<hbm>>
      %dma_wait3A_238 = tpu.memref_squeeze %dma_wait3A_237 : memref<1x128xi32, #tpu.memory_space<hbm>> -> memref<128xi32, #tpu.memory_space<hbm>>
      tpu.wait_dma2 semaphore(%dma_wait3A_235 : memref<!tpu.dma_semaphore, #tpu.memory_space<semaphore_mem>>) src(%dma_wait3A_238 : memref<128xi32, #tpu.memory_space<hbm>>) dst(%arg9 : memref<128xi32, #tpu.memory_space<vmem>>)
      %dma_start3A_239 = arith.constant 1 : i32
      %dma_start3A_240 = arith.constant 1 : i32
      %dma_start3A_241 = arith.constant 0 : i32
      %dma_start3A_242 = arith.constant 0 : i32
      %dma_start3A_243 = tpu.memref_slice %arg10[%dma_start3A_239, %dma_start3A_241, %dma_start3A_242] : memref<2x128x128xf32, #tpu.memory_space<vmem>> -> memref<1x128x128xf32, #tpu.memory_space<vmem>>
      %dma_start3A_244 = tpu.memref_squeeze %dma_start3A_243 : memref<1x128x128xf32, #tpu.memory_space<vmem>> -> memref<128x128xf32, #tpu.memory_space<vmem>>
      %dma_start3A_245 = arith.constant 0 : i32
      %dma_start3A_246 = arith.constant 0 : i32
      %dma_start3A_247 = tpu.memref_slice %arg11[%dma_start3A_245, %dma_start3A_246] : memref<10008x128xf32, #tpu.memory_space<vmem_shared>> -> memref<10008x128xf32, #tpu.memory_space<vmem_shared>>
      %dma_start3A_248 = tpu.memref_slice %arg14[%dma_start3A_240] : memref<2x!tpu.dma_semaphore, #tpu.memory_space<semaphore_mem>> -> memref<1x!tpu.dma_semaphore, #tpu.memory_space<semaphore_mem>>
      %dma_start3A_249 = tpu.memref_squeeze %dma_start3A_248 : memref<1x!tpu.dma_semaphore, #tpu.memory_space<semaphore_mem>> -> memref<!tpu.dma_semaphore, #tpu.memory_space<semaphore_mem>>
      tpu.enqueue_indirect_dma source(%dma_start3A_244 : memref<128x128xf32, #tpu.memory_space<vmem>>) target(%dma_start3A_247 : memref<10008x128xf32, #tpu.memory_space<vmem_shared>>) offsets(%arg9 : memref<128xi32, #tpu.memory_space<vmem>>) semaphore(%dma_start3A_249 : memref<!tpu.dma_semaphore, #tpu.memory_space<semaphore_mem>>) {add = true}
      %dma_wait3A_250 = arith.constant 0 : i32
      %dma_wait3A_251 = arith.constant 0 : i32
      %dma_wait3A_252 = arith.constant 0 : i32
      %dma_wait3A_253 = arith.constant 0 : i32
      %dma_wait3A_254 = tpu.memref_slice %arg10[%dma_wait3A_250, %dma_wait3A_252, %dma_wait3A_253] : memref<2x128x128xf32, #tpu.memory_space<vmem>> -> memref<1x128x128xf32, #tpu.memory_space<vmem>>
      %dma_wait3A_255 = tpu.memref_squeeze %dma_wait3A_254 : memref<1x128x128xf32, #tpu.memory_space<vmem>> -> memref<128x128xf32, #tpu.memory_space<vmem>>
      %dma_wait3A_256 = arith.constant 0 : i32
      %dma_wait3A_257 = arith.constant 0 : i32
      %dma_wait3A_258 = tpu.memref_slice %arg11[%dma_wait3A_256, %dma_wait3A_257] : memref<10008x128xf32, #tpu.memory_space<vmem_shared>> -> memref<10008x128xf32, #tpu.memory_space<vmem_shared>>
      %dma_wait3A_259 = tpu.memref_slice %arg14[%dma_wait3A_251] : memref<2x!tpu.dma_semaphore, #tpu.memory_space<semaphore_mem>> -> memref<1x!tpu.dma_semaphore, #tpu.memory_space<semaphore_mem>>
      %dma_wait3A_260 = tpu.memref_squeeze %dma_wait3A_259 : memref<1x!tpu.dma_semaphore, #tpu.memory_space<semaphore_mem>> -> memref<!tpu.dma_semaphore, #tpu.memory_space<semaphore_mem>>
      tpu.wait_indirect_dma semaphore(%dma_wait3A_260 : memref<!tpu.dma_semaphore, #tpu.memory_space<semaphore_mem>>) src(%dma_wait3A_255 : memref<128x128xf32, #tpu.memory_space<vmem>>) dst(%dma_wait3A_258 : memref<10008x128xf32, #tpu.memory_space<vmem_shared>>)
      %mul3A_261 = arith.constant 2 : i32
      %mul3A_262 = arith.muli %add3A_171, %mul3A_261 : i32
      %add3A_263 = arith.constant 0 : i32
      %add3A_264 = arith.addi %mul3A_262, %add3A_263 : i32
      %add3A_265 = arith.constant 2 : i32
      %add3A_266 = arith.addi %add3A_264, %add3A_265 : i32
      %add3A_267 = arith.addi %mul3A_2, %add3A_266 : i32
      %dma_start3A_268 = arith.constant 0 : i32
      %dma_start3A_269 = arith.constant 0 : i32
      %dma_start3A_270 = tpu.memref_slice %arg4[%add3A_267, %dma_start3A_269] : memref<2560x128xi32, #tpu.memory_space<hbm>> -> memref<1x128xi32, #tpu.memory_space<hbm>>
      %dma_start3A_271 = tpu.memref_squeeze %dma_start3A_270 : memref<1x128xi32, #tpu.memory_space<hbm>> -> memref<128xi32, #tpu.memory_space<hbm>>
      %dma_start3A_272 = tpu.memref_slice %arg12[%dma_start3A_268] : memref<2x!tpu.dma_semaphore, #tpu.memory_space<semaphore_mem>> -> memref<1x!tpu.dma_semaphore, #tpu.memory_space<semaphore_mem>>
      %dma_start3A_273 = tpu.memref_squeeze %dma_start3A_272 : memref<1x!tpu.dma_semaphore, #tpu.memory_space<semaphore_mem>> -> memref<!tpu.dma_semaphore, #tpu.memory_space<semaphore_mem>>
      %dma_start3A_274 = arith.constant 0 : i32
      %dma_start3A_275 = tpu.memref_slice %arg4[%add3A_267, %dma_start3A_274] : memref<2560x128xi32, #tpu.memory_space<hbm>> -> memref<1x128xi32, #tpu.memory_space<hbm>>
      %dma_start3A_276 = tpu.memref_squeeze %dma_start3A_275 : memref<1x128xi32, #tpu.memory_space<hbm>> -> memref<128xi32, #tpu.memory_space<hbm>>
      tpu.enqueue_dma source(%dma_start3A_276 : memref<128xi32, #tpu.memory_space<hbm>>) target(%arg8 : memref<128xi32, #tpu.memory_space<vmem>>) target_semaphore(%dma_start3A_273 : memref<!tpu.dma_semaphore, #tpu.memory_space<semaphore_mem>>)
      %dma_start3A_277 = arith.constant 0 : i32
      %dma_start3A_278 = arith.constant 0 : i32
      %dma_start3A_279 = arith.constant 0 : i32
      %dma_start3A_280 = arith.constant 0 : i32
      %dma_start3A_281 = tpu.memref_slice %arg10[%dma_start3A_277, %dma_start3A_279, %dma_start3A_280] : memref<2x128x128xf32, #tpu.memory_space<vmem>> -> memref<1x128x128xf32, #tpu.memory_space<vmem>>
      %dma_start3A_282 = tpu.memref_squeeze %dma_start3A_281 : memref<1x128x128xf32, #tpu.memory_space<vmem>> -> memref<128x128xf32, #tpu.memory_space<vmem>>
      %dma_start3A_283 = arith.constant 0 : i32
      %dma_start3A_284 = tpu.memref_slice %arg7[%add3A_266, %dma_start3A_283] : memref<80x128xi32, #tpu.memory_space<vmem>> -> memref<1x128xi32, #tpu.memory_space<vmem>>
      %dma_start3A_285 = tpu.memref_squeeze %dma_start3A_284 : memref<1x128xi32, #tpu.memory_space<vmem>> -> memref<128xi32, #tpu.memory_space<vmem>>
      %dma_start3A_286 = arith.constant 0 : i32
      %dma_start3A_287 = arith.constant 0 : i32
      %dma_start3A_288 = tpu.memref_slice %arg2[%dma_start3A_286, %dma_start3A_287] : memref<10000x128xf32, #tpu.memory_space<hbm>> -> memref<10000x128xf32, #tpu.memory_space<hbm>>
      %dma_start3A_289 = tpu.memref_slice %arg13[%dma_start3A_278] : memref<2x!tpu.dma_semaphore, #tpu.memory_space<semaphore_mem>> -> memref<1x!tpu.dma_semaphore, #tpu.memory_space<semaphore_mem>>
      %dma_start3A_290 = tpu.memref_squeeze %dma_start3A_289 : memref<1x!tpu.dma_semaphore, #tpu.memory_space<semaphore_mem>> -> memref<!tpu.dma_semaphore, #tpu.memory_space<semaphore_mem>>
      tpu.enqueue_indirect_dma source(%dma_start3A_288 : memref<10000x128xf32, #tpu.memory_space<hbm>>) target(%dma_start3A_282 : memref<128x128xf32, #tpu.memory_space<vmem>>) offsets(%dma_start3A_285 : memref<128xi32, #tpu.memory_space<vmem>>) semaphore(%dma_start3A_290 : memref<!tpu.dma_semaphore, #tpu.memory_space<semaphore_mem>>)
      %dma_wait3A_291 = arith.constant 1 : i32
      %dma_wait3A_292 = arith.constant 1 : i32
      %dma_wait3A_293 = arith.constant 0 : i32
      %dma_wait3A_294 = arith.constant 0 : i32
      %dma_wait3A_295 = tpu.memref_slice %arg10[%dma_wait3A_291, %dma_wait3A_293, %dma_wait3A_294] : memref<2x128x128xf32, #tpu.memory_space<vmem>> -> memref<1x128x128xf32, #tpu.memory_space<vmem>>
      %dma_wait3A_296 = tpu.memref_squeeze %dma_wait3A_295 : memref<1x128x128xf32, #tpu.memory_space<vmem>> -> memref<128x128xf32, #tpu.memory_space<vmem>>
      %dma_wait3A_297 = arith.constant 0 : i32
      %dma_wait3A_298 = arith.constant 0 : i32
      %dma_wait3A_299 = tpu.memref_slice %arg11[%dma_wait3A_297, %dma_wait3A_298] : memref<10008x128xf32, #tpu.memory_space<vmem_shared>> -> memref<10008x128xf32, #tpu.memory_space<vmem_shared>>
      %dma_wait3A_300 = tpu.memref_slice %arg14[%dma_wait3A_292] : memref<2x!tpu.dma_semaphore, #tpu.memory_space<semaphore_mem>> -> memref<1x!tpu.dma_semaphore, #tpu.memory_space<semaphore_mem>>
      %dma_wait3A_301 = tpu.memref_squeeze %dma_wait3A_300 : memref<1x!tpu.dma_semaphore, #tpu.memory_space<semaphore_mem>> -> memref<!tpu.dma_semaphore, #tpu.memory_space<semaphore_mem>>
      tpu.wait_indirect_dma semaphore(%dma_wait3A_301 : memref<!tpu.dma_semaphore, #tpu.memory_space<semaphore_mem>>) src(%dma_wait3A_296 : memref<128x128xf32, #tpu.memory_space<vmem>>) dst(%dma_wait3A_299 : memref<10008x128xf32, #tpu.memory_space<vmem_shared>>)
      %mul3A_302 = arith.constant 2 : i32
      %mul3A_303 = arith.muli %add3A_171, %mul3A_302 : i32
      %add3A_304 = arith.constant 1 : i32
      %add3A_305 = arith.addi %mul3A_303, %add3A_304 : i32
      %add3A_306 = arith.constant 2 : i32
      %add3A_307 = arith.addi %add3A_305, %add3A_306 : i32
      %add3A_308 = arith.addi %mul3A_2, %add3A_307 : i32
      %dma_start3A_309 = arith.constant 1 : i32
      %dma_start3A_310 = arith.constant 0 : i32
      %dma_start3A_311 = tpu.memref_slice %arg4[%add3A_308, %dma_start3A_310] : memref<2560x128xi32, #tpu.memory_space<hbm>> -> memref<1x128xi32, #tpu.memory_space<hbm>>
      %dma_start3A_312 = tpu.memref_squeeze %dma_start3A_311 : memref<1x128xi32, #tpu.memory_space<hbm>> -> memref<128xi32, #tpu.memory_space<hbm>>
      %dma_start3A_313 = tpu.memref_slice %arg12[%dma_start3A_309] : memref<2x!tpu.dma_semaphore, #tpu.memory_space<semaphore_mem>> -> memref<1x!tpu.dma_semaphore, #tpu.memory_space<semaphore_mem>>
      %dma_start3A_314 = tpu.memref_squeeze %dma_start3A_313 : memref<1x!tpu.dma_semaphore, #tpu.memory_space<semaphore_mem>> -> memref<!tpu.dma_semaphore, #tpu.memory_space<semaphore_mem>>
      %dma_start3A_315 = arith.constant 0 : i32
      %dma_start3A_316 = tpu.memref_slice %arg4[%add3A_308, %dma_start3A_315] : memref<2560x128xi32, #tpu.memory_space<hbm>> -> memref<1x128xi32, #tpu.memory_space<hbm>>
      %dma_start3A_317 = tpu.memref_squeeze %dma_start3A_316 : memref<1x128xi32, #tpu.memory_space<hbm>> -> memref<128xi32, #tpu.memory_space<hbm>>
      tpu.enqueue_dma source(%dma_start3A_317 : memref<128xi32, #tpu.memory_space<hbm>>) target(%arg9 : memref<128xi32, #tpu.memory_space<vmem>>) target_semaphore(%dma_start3A_314 : memref<!tpu.dma_semaphore, #tpu.memory_space<semaphore_mem>>)
      %dma_start3A_318 = arith.constant 1 : i32
      %dma_start3A_319 = arith.constant 1 : i32
      %dma_start3A_320 = arith.constant 0 : i32
      %dma_start3A_321 = arith.constant 0 : i32
      %dma_start3A_322 = tpu.memref_slice %arg10[%dma_start3A_318, %dma_start3A_320, %dma_start3A_321] : memref<2x128x128xf32, #tpu.memory_space<vmem>> -> memref<1x128x128xf32, #tpu.memory_space<vmem>>
      %dma_start3A_323 = tpu.memref_squeeze %dma_start3A_322 : memref<1x128x128xf32, #tpu.memory_space<vmem>> -> memref<128x128xf32, #tpu.memory_space<vmem>>
      %dma_start3A_324 = arith.constant 0 : i32
      %dma_start3A_325 = tpu.memref_slice %arg7[%add3A_307, %dma_start3A_324] : memref<80x128xi32, #tpu.memory_space<vmem>> -> memref<1x128xi32, #tpu.memory_space<vmem>>
      %dma_start3A_326 = tpu.memref_squeeze %dma_start3A_325 : memref<1x128xi32, #tpu.memory_space<vmem>> -> memref<128xi32, #tpu.memory_space<vmem>>
      %dma_start3A_327 = arith.constant 0 : i32
      %dma_start3A_328 = arith.constant 0 : i32
      %dma_start3A_329 = tpu.memref_slice %arg2[%dma_start3A_327, %dma_start3A_328] : memref<10000x128xf32, #tpu.memory_space<hbm>> -> memref<10000x128xf32, #tpu.memory_space<hbm>>
      %dma_start3A_330 = tpu.memref_slice %arg13[%dma_start3A_319] : memref<2x!tpu.dma_semaphore, #tpu.memory_space<semaphore_mem>> -> memref<1x!tpu.dma_semaphore, #tpu.memory_space<semaphore_mem>>
      %dma_start3A_331 = tpu.memref_squeeze %dma_start3A_330 : memref<1x!tpu.dma_semaphore, #tpu.memory_space<semaphore_mem>> -> memref<!tpu.dma_semaphore, #tpu.memory_space<semaphore_mem>>
      tpu.enqueue_indirect_dma source(%dma_start3A_329 : memref<10000x128xf32, #tpu.memory_space<hbm>>) target(%dma_start3A_323 : memref<128x128xf32, #tpu.memory_space<vmem>>) offsets(%dma_start3A_326 : memref<128xi32, #tpu.memory_space<vmem>>) semaphore(%dma_start3A_331 : memref<!tpu.dma_semaphore, #tpu.memory_space<semaphore_mem>>)
    }
    %scan3A_61 = arith.constant 39 : i32
    %dma_wait3A = arith.constant 78 : i32
    %dma_wait3A_62 = arith.constant 0 : i32
    %dma_wait3A_63 = arith.constant 0 : i32
    %dma_wait3A_64 = arith.constant 0 : i32
    %dma_wait3A_65 = arith.constant 0 : i32
    %dma_wait3A_66 = tpu.memref_slice %arg10[%dma_wait3A_62, %dma_wait3A_64, %dma_wait3A_65] : memref<2x128x128xf32, #tpu.memory_space<vmem>> -> memref<1x128x128xf32, #tpu.memory_space<vmem>>
    %dma_wait3A_67 = tpu.memref_squeeze %dma_wait3A_66 : memref<1x128x128xf32, #tpu.memory_space<vmem>> -> memref<128x128xf32, #tpu.memory_space<vmem>>
    %dma_wait3A_68 = arith.constant 0 : i32
    %dma_wait3A_69 = tpu.memref_slice %arg7[%dma_wait3A, %dma_wait3A_68] : memref<80x128xi32, #tpu.memory_space<vmem>> -> memref<1x128xi32, #tpu.memory_space<vmem>>
    %dma_wait3A_70 = tpu.memref_squeeze %dma_wait3A_69 : memref<1x128xi32, #tpu.memory_space<vmem>> -> memref<128xi32, #tpu.memory_space<vmem>>
    %dma_wait3A_71 = arith.constant 0 : i32
    %dma_wait3A_72 = arith.constant 0 : i32
    %dma_wait3A_73 = tpu.memref_slice %arg2[%dma_wait3A_71, %dma_wait3A_72] : memref<10000x128xf32, #tpu.memory_space<hbm>> -> memref<10000x128xf32, #tpu.memory_space<hbm>>
    %dma_wait3A_74 = tpu.memref_slice %arg13[%dma_wait3A_63] : memref<2x!tpu.dma_semaphore, #tpu.memory_space<semaphore_mem>> -> memref<1x!tpu.dma_semaphore, #tpu.memory_space<semaphore_mem>>
    %dma_wait3A_75 = tpu.memref_squeeze %dma_wait3A_74 : memref<1x!tpu.dma_semaphore, #tpu.memory_space<semaphore_mem>> -> memref<!tpu.dma_semaphore, #tpu.memory_space<semaphore_mem>>
    tpu.wait_indirect_dma semaphore(%dma_wait3A_75 : memref<!tpu.dma_semaphore, #tpu.memory_space<semaphore_mem>>) src(%dma_wait3A_73 : memref<10000x128xf32, #tpu.memory_space<hbm>>) dst(%dma_wait3A_67 : memref<128x128xf32, #tpu.memory_space<vmem>>)
    %add3A_76 = arith.constant 78 : i32
    %add3A_77 = arith.addi %mul3A_2, %add3A_76 : i32
    %dma_wait3A_78 = arith.constant 0 : i32
    %dma_wait3A_79 = arith.constant 0 : i32
    %dma_wait3A_80 = tpu.memref_slice %arg4[%add3A_77, %dma_wait3A_79] : memref<2560x128xi32, #tpu.memory_space<hbm>> -> memref<1x128xi32, #tpu.memory_space<hbm>>
    %dma_wait3A_81 = tpu.memref_squeeze %dma_wait3A_80 : memref<1x128xi32, #tpu.memory_space<hbm>> -> memref<128xi32, #tpu.memory_space<hbm>>
    %dma_wait3A_82 = tpu.memref_slice %arg12[%dma_wait3A_78] : memref<2x!tpu.dma_semaphore, #tpu.memory_space<semaphore_mem>> -> memref<1x!tpu.dma_semaphore, #tpu.memory_space<semaphore_mem>>
    %dma_wait3A_83 = tpu.memref_squeeze %dma_wait3A_82 : memref<1x!tpu.dma_semaphore, #tpu.memory_space<semaphore_mem>> -> memref<!tpu.dma_semaphore, #tpu.memory_space<semaphore_mem>>
    %dma_wait3A_84 = arith.constant 0 : i32
    %dma_wait3A_85 = tpu.memref_slice %arg4[%add3A_77, %dma_wait3A_84] : memref<2560x128xi32, #tpu.memory_space<hbm>> -> memref<1x128xi32, #tpu.memory_space<hbm>>
    %dma_wait3A_86 = tpu.memref_squeeze %dma_wait3A_85 : memref<1x128xi32, #tpu.memory_space<hbm>> -> memref<128xi32, #tpu.memory_space<hbm>>
    tpu.wait_dma2 semaphore(%dma_wait3A_83 : memref<!tpu.dma_semaphore, #tpu.memory_space<semaphore_mem>>) src(%dma_wait3A_86 : memref<128xi32, #tpu.memory_space<hbm>>) dst(%arg8 : memref<128xi32, #tpu.memory_space<vmem>>)
    %dma_start3A_87 = arith.constant 0 : i32
    %dma_start3A_88 = arith.constant 0 : i32
    %dma_start3A_89 = arith.constant 0 : i32
    %dma_start3A_90 = arith.constant 0 : i32
    %dma_start3A_91 = tpu.memref_slice %arg10[%dma_start3A_87, %dma_start3A_89, %dma_start3A_90] : memref<2x128x128xf32, #tpu.memory_space<vmem>> -> memref<1x128x128xf32, #tpu.memory_space<vmem>>
    %dma_start3A_92 = tpu.memref_squeeze %dma_start3A_91 : memref<1x128x128xf32, #tpu.memory_space<vmem>> -> memref<128x128xf32, #tpu.memory_space<vmem>>
    %dma_start3A_93 = arith.constant 0 : i32
    %dma_start3A_94 = arith.constant 0 : i32
    %dma_start3A_95 = tpu.memref_slice %arg11[%dma_start3A_93, %dma_start3A_94] : memref<10008x128xf32, #tpu.memory_space<vmem_shared>> -> memref<10008x128xf32, #tpu.memory_space<vmem_shared>>
    %dma_start3A_96 = tpu.memref_slice %arg14[%dma_start3A_88] : memref<2x!tpu.dma_semaphore, #tpu.memory_space<semaphore_mem>> -> memref<1x!tpu.dma_semaphore, #tpu.memory_space<semaphore_mem>>
    %dma_start3A_97 = tpu.memref_squeeze %dma_start3A_96 : memref<1x!tpu.dma_semaphore, #tpu.memory_space<semaphore_mem>> -> memref<!tpu.dma_semaphore, #tpu.memory_space<semaphore_mem>>
    tpu.enqueue_indirect_dma source(%dma_start3A_92 : memref<128x128xf32, #tpu.memory_space<vmem>>) target(%dma_start3A_95 : memref<10008x128xf32, #tpu.memory_space<vmem_shared>>) offsets(%arg8 : memref<128xi32, #tpu.memory_space<vmem>>) semaphore(%dma_start3A_97 : memref<!tpu.dma_semaphore, #tpu.memory_space<semaphore_mem>>) {add = true}
    %dma_wait3A_98 = arith.constant 79 : i32
    %dma_wait3A_99 = arith.constant 1 : i32
    %dma_wait3A_100 = arith.constant 1 : i32
    %dma_wait3A_101 = arith.constant 0 : i32
    %dma_wait3A_102 = arith.constant 0 : i32
    %dma_wait3A_103 = tpu.memref_slice %arg10[%dma_wait3A_99, %dma_wait3A_101, %dma_wait3A_102] : memref<2x128x128xf32, #tpu.memory_space<vmem>> -> memref<1x128x128xf32, #tpu.memory_space<vmem>>
    %dma_wait3A_104 = tpu.memref_squeeze %dma_wait3A_103 : memref<1x128x128xf32, #tpu.memory_space<vmem>> -> memref<128x128xf32, #tpu.memory_space<vmem>>
    %dma_wait3A_105 = arith.constant 0 : i32
    %dma_wait3A_106 = tpu.memref_slice %arg7[%dma_wait3A_98, %dma_wait3A_105] : memref<80x128xi32, #tpu.memory_space<vmem>> -> memref<1x128xi32, #tpu.memory_space<vmem>>
    %dma_wait3A_107 = tpu.memref_squeeze %dma_wait3A_106 : memref<1x128xi32, #tpu.memory_space<vmem>> -> memref<128xi32, #tpu.memory_space<vmem>>
    %dma_wait3A_108 = arith.constant 0 : i32
    %dma_wait3A_109 = arith.constant 0 : i32
    %dma_wait3A_110 = tpu.memref_slice %arg2[%dma_wait3A_108, %dma_wait3A_109] : memref<10000x128xf32, #tpu.memory_space<hbm>> -> memref<10000x128xf32, #tpu.memory_space<hbm>>
    %dma_wait3A_111 = tpu.memref_slice %arg13[%dma_wait3A_100] : memref<2x!tpu.dma_semaphore, #tpu.memory_space<semaphore_mem>> -> memref<1x!tpu.dma_semaphore, #tpu.memory_space<semaphore_mem>>
    %dma_wait3A_112 = tpu.memref_squeeze %dma_wait3A_111 : memref<1x!tpu.dma_semaphore, #tpu.memory_space<semaphore_mem>> -> memref<!tpu.dma_semaphore, #tpu.memory_space<semaphore_mem>>
    tpu.wait_indirect_dma semaphore(%dma_wait3A_112 : memref<!tpu.dma_semaphore, #tpu.memory_space<semaphore_mem>>) src(%dma_wait3A_110 : memref<10000x128xf32, #tpu.memory_space<hbm>>) dst(%dma_wait3A_104 : memref<128x128xf32, #tpu.memory_space<vmem>>)
    %add3A_113 = arith.constant 79 : i32
    %add3A_114 = arith.addi %mul3A_2, %add3A_113 : i32
    %dma_wait3A_115 = arith.constant 1 : i32
    %dma_wait3A_116 = arith.constant 0 : i32
    %dma_wait3A_117 = tpu.memref_slice %arg4[%add3A_114, %dma_wait3A_116] : memref<2560x128xi32, #tpu.memory_space<hbm>> -> memref<1x128xi32, #tpu.memory_space<hbm>>
    %dma_wait3A_118 = tpu.memref_squeeze %dma_wait3A_117 : memref<1x128xi32, #tpu.memory_space<hbm>> -> memref<128xi32, #tpu.memory_space<hbm>>
    %dma_wait3A_119 = tpu.memref_slice %arg12[%dma_wait3A_115] : memref<2x!tpu.dma_semaphore, #tpu.memory_space<semaphore_mem>> -> memref<1x!tpu.dma_semaphore, #tpu.memory_space<semaphore_mem>>
    %dma_wait3A_120 = tpu.memref_squeeze %dma_wait3A_119 : memref<1x!tpu.dma_semaphore, #tpu.memory_space<semaphore_mem>> -> memref<!tpu.dma_semaphore, #tpu.memory_space<semaphore_mem>>
    %dma_wait3A_121 = arith.constant 0 : i32
    %dma_wait3A_122 = tpu.memref_slice %arg4[%add3A_114, %dma_wait3A_121] : memref<2560x128xi32, #tpu.memory_space<hbm>> -> memref<1x128xi32, #tpu.memory_space<hbm>>
    %dma_wait3A_123 = tpu.memref_squeeze %dma_wait3A_122 : memref<1x128xi32, #tpu.memory_space<hbm>> -> memref<128xi32, #tpu.memory_space<hbm>>
    tpu.wait_dma2 semaphore(%dma_wait3A_120 : memref<!tpu.dma_semaphore, #tpu.memory_space<semaphore_mem>>) src(%dma_wait3A_123 : memref<128xi32, #tpu.memory_space<hbm>>) dst(%arg9 : memref<128xi32, #tpu.memory_space<vmem>>)
    %dma_start3A_124 = arith.constant 1 : i32
    %dma_start3A_125 = arith.constant 1 : i32
    %dma_start3A_126 = arith.constant 0 : i32
    %dma_start3A_127 = arith.constant 0 : i32
    %dma_start3A_128 = tpu.memref_slice %arg10[%dma_start3A_124, %dma_start3A_126, %dma_start3A_127] : memref<2x128x128xf32, #tpu.memory_space<vmem>> -> memref<1x128x128xf32, #tpu.memory_space<vmem>>
    %dma_start3A_129 = tpu.memref_squeeze %dma_start3A_128 : memref<1x128x128xf32, #tpu.memory_space<vmem>> -> memref<128x128xf32, #tpu.memory_space<vmem>>
    %dma_start3A_130 = arith.constant 0 : i32
    %dma_start3A_131 = arith.constant 0 : i32
    %dma_start3A_132 = tpu.memref_slice %arg11[%dma_start3A_130, %dma_start3A_131] : memref<10008x128xf32, #tpu.memory_space<vmem_shared>> -> memref<10008x128xf32, #tpu.memory_space<vmem_shared>>
    %dma_start3A_133 = tpu.memref_slice %arg14[%dma_start3A_125] : memref<2x!tpu.dma_semaphore, #tpu.memory_space<semaphore_mem>> -> memref<1x!tpu.dma_semaphore, #tpu.memory_space<semaphore_mem>>
    %dma_start3A_134 = tpu.memref_squeeze %dma_start3A_133 : memref<1x!tpu.dma_semaphore, #tpu.memory_space<semaphore_mem>> -> memref<!tpu.dma_semaphore, #tpu.memory_space<semaphore_mem>>
    tpu.enqueue_indirect_dma source(%dma_start3A_129 : memref<128x128xf32, #tpu.memory_space<vmem>>) target(%dma_start3A_132 : memref<10008x128xf32, #tpu.memory_space<vmem_shared>>) offsets(%arg9 : memref<128xi32, #tpu.memory_space<vmem>>) semaphore(%dma_start3A_134 : memref<!tpu.dma_semaphore, #tpu.memory_space<semaphore_mem>>) {add = true}
    %dma_wait3A_135 = arith.constant 0 : i32
    %dma_wait3A_136 = arith.constant 0 : i32
    %dma_wait3A_137 = arith.constant 0 : i32
    %dma_wait3A_138 = arith.constant 0 : i32
    %dma_wait3A_139 = tpu.memref_slice %arg10[%dma_wait3A_135, %dma_wait3A_137, %dma_wait3A_138] : memref<2x128x128xf32, #tpu.memory_space<vmem>> -> memref<1x128x128xf32, #tpu.memory_space<vmem>>
    %dma_wait3A_140 = tpu.memref_squeeze %dma_wait3A_139 : memref<1x128x128xf32, #tpu.memory_space<vmem>> -> memref<128x128xf32, #tpu.memory_space<vmem>>
    %dma_wait3A_141 = arith.constant 0 : i32
    %dma_wait3A_142 = arith.constant 0 : i32
    %dma_wait3A_143 = tpu.memref_slice %arg11[%dma_wait3A_141, %dma_wait3A_142] : memref<10008x128xf32, #tpu.memory_space<vmem_shared>> -> memref<10008x128xf32, #tpu.memory_space<vmem_shared>>
    %dma_wait3A_144 = tpu.memref_slice %arg14[%dma_wait3A_136] : memref<2x!tpu.dma_semaphore, #tpu.memory_space<semaphore_mem>> -> memref<1x!tpu.dma_semaphore, #tpu.memory_space<semaphore_mem>>
    %dma_wait3A_145 = tpu.memref_squeeze %dma_wait3A_144 : memref<1x!tpu.dma_semaphore, #tpu.memory_space<semaphore_mem>> -> memref<!tpu.dma_semaphore, #tpu.memory_space<semaphore_mem>>
    tpu.wait_indirect_dma semaphore(%dma_wait3A_145 : memref<!tpu.dma_semaphore, #tpu.memory_space<semaphore_mem>>) src(%dma_wait3A_140 : memref<128x128xf32, #tpu.memory_space<vmem>>) dst(%dma_wait3A_143 : memref<10008x128xf32, #tpu.memory_space<vmem_shared>>)
    %dma_wait3A_146 = arith.constant 1 : i32
    %dma_wait3A_147 = arith.constant 1 : i32
    %dma_wait3A_148 = arith.constant 0 : i32
    %dma_wait3A_149 = arith.constant 0 : i32
    %dma_wait3A_150 = tpu.memref_slice %arg10[%dma_wait3A_146, %dma_wait3A_148, %dma_wait3A_149] : memref<2x128x128xf32, #tpu.memory_space<vmem>> -> memref<1x128x128xf32, #tpu.memory_space<vmem>>
    %dma_wait3A_151 = tpu.memref_squeeze %dma_wait3A_150 : memref<1x128x128xf32, #tpu.memory_space<vmem>> -> memref<128x128xf32, #tpu.memory_space<vmem>>
    %dma_wait3A_152 = arith.constant 0 : i32
    %dma_wait3A_153 = arith.constant 0 : i32
    %dma_wait3A_154 = tpu.memref_slice %arg11[%dma_wait3A_152, %dma_wait3A_153] : memref<10008x128xf32, #tpu.memory_space<vmem_shared>> -> memref<10008x128xf32, #tpu.memory_space<vmem_shared>>
    %dma_wait3A_155 = tpu.memref_slice %arg14[%dma_wait3A_147] : memref<2x!tpu.dma_semaphore, #tpu.memory_space<semaphore_mem>> -> memref<1x!tpu.dma_semaphore, #tpu.memory_space<semaphore_mem>>
    %dma_wait3A_156 = tpu.memref_squeeze %dma_wait3A_155 : memref<1x!tpu.dma_semaphore, #tpu.memory_space<semaphore_mem>> -> memref<!tpu.dma_semaphore, #tpu.memory_space<semaphore_mem>>
    tpu.wait_indirect_dma semaphore(%dma_wait3A_156 : memref<!tpu.dma_semaphore, #tpu.memory_space<semaphore_mem>>) src(%dma_wait3A_151 : memref<128x128xf32, #tpu.memory_space<vmem>>) dst(%dma_wait3A_154 : memref<10008x128xf32, #tpu.memory_space<vmem_shared>>)
    %barrier3A_157 = arith.constant 0 : index
    tpu.barrier barrier_id(%barrier3A_157)
    %mul3A_158 = arith.constant 624 : i32
    %mul3A_159 = arith.muli %arg1, %mul3A_158 : i32
    %mul3A_160 = arith.constant 624 : i32
    %mul3A_161 = arith.muli %arg1, %mul3A_160 : i32
    "tpu.region"() ({
      %run_scoped3A = tpu.sem_alloc : memref<!tpu.dma_semaphore, #tpu.memory_space<semaphore_mem>>
      %dma_start3A_167 = arith.constant 0 : i32
      %dma_start3A_168 = tpu.memref_slice %arg6[%arg0, %mul3A_161, %dma_start3A_167] : memref<2x10000x128xf32, #tpu.memory_space<hbm>> -> memref<1x624x128xf32, #tpu.memory_space<hbm>>
      %dma_start3A_169 = tpu.memref_squeeze %dma_start3A_168 : memref<1x624x128xf32, #tpu.memory_space<hbm>> -> memref<624x128xf32, #tpu.memory_space<hbm>>
      %dma_start3A_170 = arith.constant 0 : i32
      %dma_start3A_171 = tpu.memref_slice %arg11[%mul3A_159, %dma_start3A_170] : memref<10008x128xf32, #tpu.memory_space<vmem_shared>> -> memref<624x128xf32, #tpu.memory_space<vmem_shared>>
      tpu.enqueue_dma source(%dma_start3A_171 : memref<624x128xf32, #tpu.memory_space<vmem_shared>>) target(%dma_start3A_169 : memref<624x128xf32, #tpu.memory_space<hbm>>) target_semaphore(%run_scoped3A : memref<!tpu.dma_semaphore, #tpu.memory_space<semaphore_mem>>)
      %dma_wait3A_172 = arith.constant 0 : i32
      %dma_wait3A_173 = tpu.memref_slice %arg6[%arg0, %mul3A_161, %dma_wait3A_172] : memref<2x10000x128xf32, #tpu.memory_space<hbm>> -> memref<1x624x128xf32, #tpu.memory_space<hbm>>
      %dma_wait3A_174 = tpu.memref_squeeze %dma_wait3A_173 : memref<1x624x128xf32, #tpu.memory_space<hbm>> -> memref<624x128xf32, #tpu.memory_space<hbm>>
      %dma_wait3A_175 = arith.constant 0 : i32
      %dma_wait3A_176 = tpu.memref_slice %arg11[%mul3A_159, %dma_wait3A_175] : memref<10008x128xf32, #tpu.memory_space<vmem_shared>> -> memref<624x128xf32, #tpu.memory_space<vmem_shared>>
      tpu.wait_dma2 semaphore(%run_scoped3A : memref<!tpu.dma_semaphore, #tpu.memory_space<semaphore_mem>>) src(%dma_wait3A_176 : memref<624x128xf32, #tpu.memory_space<vmem_shared>>) dst(%dma_wait3A_174 : memref<624x128xf32, #tpu.memory_space<hbm>>)
      tpu.yield
    }) : () -> ()
    %eq3A_162 = arith.constant 0 : i32
    %eq3A_163 = arith.cmpi eq, %arg1, %eq3A_162 : i32
    %convert_element_type3A_164 = arith.extui %eq3A_163 : i1 to i32
    %cond3A_165 = arith.constant 0 : i32
    %cond3A_166 = arith.cmpi ne, %convert_element_type3A_164, %cond3A_165 : i32
    scf.if %cond3A_166 {
      "tpu.region"() ({
        %run_scoped3A = tpu.sem_alloc : memref<!tpu.dma_semaphore, #tpu.memory_space<semaphore_mem>>
        %dma_start3A_167 = arith.constant 9984 : i32
        %dma_start3A_168 = arith.constant 0 : i32
        %dma_start3A_169 = tpu.memref_slice %arg6[%arg0, %dma_start3A_167, %dma_start3A_168] : memref<2x10000x128xf32, #tpu.memory_space<hbm>> -> memref<1x16x128xf32, #tpu.memory_space<hbm>>
        %dma_start3A_170 = tpu.memref_squeeze %dma_start3A_169 : memref<1x16x128xf32, #tpu.memory_space<hbm>> -> memref<16x128xf32, #tpu.memory_space<hbm>>
        %dma_start3A_171 = arith.constant 9984 : i32
        %dma_start3A_172 = arith.constant 0 : i32
        %dma_start3A_173 = tpu.memref_slice %arg11[%dma_start3A_171, %dma_start3A_172] : memref<10008x128xf32, #tpu.memory_space<vmem_shared>> -> memref<16x128xf32, #tpu.memory_space<vmem_shared>>
        tpu.enqueue_dma source(%dma_start3A_173 : memref<16x128xf32, #tpu.memory_space<vmem_shared>>) target(%dma_start3A_170 : memref<16x128xf32, #tpu.memory_space<hbm>>) target_semaphore(%run_scoped3A : memref<!tpu.dma_semaphore, #tpu.memory_space<semaphore_mem>>)
        %dma_wait3A_174 = arith.constant 9984 : i32
        %dma_wait3A_175 = arith.constant 0 : i32
        %dma_wait3A_176 = tpu.memref_slice %arg6[%arg0, %dma_wait3A_174, %dma_wait3A_175] : memref<2x10000x128xf32, #tpu.memory_space<hbm>> -> memref<1x16x128xf32, #tpu.memory_space<hbm>>
        %dma_wait3A_177 = tpu.memref_squeeze %dma_wait3A_176 : memref<1x16x128xf32, #tpu.memory_space<hbm>> -> memref<16x128xf32, #tpu.memory_space<hbm>>
        %dma_wait3A_178 = arith.constant 9984 : i32
        %dma_wait3A_179 = arith.constant 0 : i32
        %dma_wait3A_180 = tpu.memref_slice %arg11[%dma_wait3A_178, %dma_wait3A_179] : memref<10008x128xf32, #tpu.memory_space<vmem_shared>> -> memref<16x128xf32, #tpu.memory_space<vmem_shared>>
        tpu.wait_dma2 semaphore(%run_scoped3A : memref<!tpu.dma_semaphore, #tpu.memory_space<semaphore_mem>>) src(%dma_wait3A_180 : memref<16x128xf32, #tpu.memory_space<vmem_shared>>) dst(%dma_wait3A_177 : memref<16x128xf32, #tpu.memory_space<hbm>>)
        tpu.yield
      }) : () -> ()
    } else {
    }
    return
  }
}

#map = affine_map<(d0, d1) -> (0, 0)>
#map1 = affine_map<(d0, d1) -> (0, 0, 0)>
module attributes {stable_mosaic.version = 14 : i64} {
  func.func @body(%arg0: i32, %arg1: i32, %arg2: memref<10000x128xf32, #tpu.memory_space<hbm>>, %arg3: memref<2560x128xi32, #tpu.memory_space<hbm>>, %arg4: memref<2560x128xi32, #tpu.memory_space<hbm>>, %arg5: memref<624x128xf32, #tpu.memory_space<hbm>>, %arg6: memref<2x10000x128xf32, #tpu.memory_space<hbm>>, %arg7: memref<80x128xi32, #tpu.memory_space<vmem>>, %arg8: memref<128xi32, #tpu.memory_space<vmem>>, %arg9: memref<128xi32, #tpu.memory_space<vmem>>, %arg10: memref<2x128x128xf32, #tpu.memory_space<vmem>>, %arg11: memref<10008x128xf32, #tpu.memory_space<vmem_shared>>, %arg12: memref<2x!tpu.dma_semaphore, #tpu.memory_space<semaphore_mem>>, %arg13: memref<2x!tpu.dma_semaphore, #tpu.memory_space<semaphore_mem>>, %arg14: memref<2x!tpu.dma_semaphore, #tpu.memory_space<semaphore_mem>>) attributes {dimension_semantics = [#tpu.dimension_semantics<core_parallel>, #tpu.dimension_semantics<subcore_parallel>], iteration_bounds = array<i64: 2, 16>, scalar_prefetch = 0 : i64, scratch_operands = 8 : i64, tpu.core_type = #tpu.core_type<sc_vector_subcore>, window_params = [{transform_indices = #map}, {transform_indices = #map}, {transform_indices = #map}, {transform_indices = #map}, {transform_indices = #map1}]} {
    %mul3A = arith.constant 16 : i32
    %mul3A_0 = arith.muli %arg0, %mul3A : i32
    %add3A = arith.addi %mul3A_0, %arg1 : i32
    %mul3A_1 = arith.constant 80 : i32
    %mul3A_2 = arith.muli %add3A, %mul3A_1 : i32
    "tpu.region"() ({
      %run_scoped3A = tpu.sem_alloc : memref<!tpu.dma_semaphore, #tpu.memory_space<semaphore_mem>>
      %dma_start3A_167 = arith.constant 0 : i32
      %dma_start3A_168 = tpu.memref_slice %arg3[%mul3A_2, %dma_start3A_167] : memref<2560x128xi32, #tpu.memory_space<hbm>> -> memref<80x128xi32, #tpu.memory_space<hbm>>
      %dma_start3A_169 = arith.constant 0 : i32
      %dma_start3A_170 = tpu.memref_slice %arg3[%mul3A_2, %dma_start3A_169] : memref<2560x128xi32, #tpu.memory_space<hbm>> -> memref<80x128xi32, #tpu.memory_space<hbm>>
      tpu.enqueue_dma source(%dma_start3A_170 : memref<80x128xi32, #tpu.memory_space<hbm>>) target(%arg7 : memref<80x128xi32, #tpu.memory_space<vmem>>) target_semaphore(%run_scoped3A : memref<!tpu.dma_semaphore, #tpu.memory_space<semaphore_mem>>)
      %dma_wait3A_171 = arith.constant 0 : i32
      %dma_wait3A_172 = tpu.memref_slice %arg3[%mul3A_2, %dma_wait3A_171] : memref<2560x128xi32, #tpu.memory_space<hbm>> -> memref<80x128xi32, #tpu.memory_space<hbm>>
      %dma_wait3A_173 = arith.constant 0 : i32
      %dma_wait3A_174 = tpu.memref_slice %arg3[%mul3A_2, %dma_wait3A_173] : memref<2560x128xi32, #tpu.memory_space<hbm>> -> memref<80x128xi32, #tpu.memory_space<hbm>>
      tpu.wait_dma2 semaphore(%run_scoped3A : memref<!tpu.dma_semaphore, #tpu.memory_space<semaphore_mem>>) src(%dma_wait3A_174 : memref<80x128xi32, #tpu.memory_space<hbm>>) dst(%arg7 : memref<80x128xi32, #tpu.memory_space<vmem>>)
      tpu.yield
    }) : () -> ()
    %mul3A_3 = arith.constant 624 : i32
    %mul3A_4 = arith.muli %arg1, %mul3A_3 : i32
    "tpu.region"() ({
      %run_scoped3A = tpu.sem_alloc : memref<!tpu.dma_semaphore, #tpu.memory_space<semaphore_mem>>
      %dma_start3A_167 = arith.constant 0 : i32
      %dma_start3A_168 = tpu.memref_slice %arg11[%mul3A_4, %dma_start3A_167] : memref<10008x128xf32, #tpu.memory_space<vmem_shared>> -> memref<624x128xf32, #tpu.memory_space<vmem_shared>>
      tpu.enqueue_dma source(%arg5 : memref<624x128xf32, #tpu.memory_space<hbm>>) target(%dma_start3A_168 : memref<624x128xf32, #tpu.memory_space<vmem_shared>>) target_semaphore(%run_scoped3A : memref<!tpu.dma_semaphore, #tpu.memory_space<semaphore_mem>>)
      %dma_wait3A_169 = arith.constant 0 : i32
      %dma_wait3A_170 = tpu.memref_slice %arg11[%mul3A_4, %dma_wait3A_169] : memref<10008x128xf32, #tpu.memory_space<vmem_shared>> -> memref<624x128xf32, #tpu.memory_space<vmem_shared>>
      tpu.wait_dma2 semaphore(%run_scoped3A : memref<!tpu.dma_semaphore, #tpu.memory_space<semaphore_mem>>) src(%arg5 : memref<624x128xf32, #tpu.memory_space<hbm>>) dst(%dma_wait3A_170 : memref<624x128xf32, #tpu.memory_space<vmem_shared>>)
      tpu.yield
    }) : () -> ()
    %eq3A = arith.constant 0 : i32
    %eq3A_5 = arith.cmpi eq, %arg1, %eq3A : i32
    %convert_element_type3A = arith.extui %eq3A_5 : i1 to i32
    %cond3A = arith.constant 0 : i32
    %cond3A_6 = arith.cmpi ne, %convert_element_type3A, %cond3A : i32
    scf.if %cond3A_6 {
      "tpu.region"() ({
        %run_scoped3A = tpu.sem_alloc : memref<!tpu.dma_semaphore, #tpu.memory_space<semaphore_mem>>
        %dma_start3A_167 = arith.constant 9984 : i32
        %dma_start3A_168 = arith.constant 0 : i32
        %dma_start3A_169 = tpu.memref_slice %arg11[%dma_start3A_167, %dma_start3A_168] : memref<10008x128xf32, #tpu.memory_space<vmem_shared>> -> memref<24x128xf32, #tpu.memory_space<vmem_shared>>
        %dma_start3A_170 = arith.constant 0 : i32
        %dma_start3A_171 = arith.constant 0 : i32
        %dma_start3A_172 = tpu.memref_slice %arg5[%dma_start3A_170, %dma_start3A_171] : memref<624x128xf32, #tpu.memory_space<hbm>> -> memref<24x128xf32, #tpu.memory_space<hbm>>
        tpu.enqueue_dma source(%dma_start3A_172 : memref<24x128xf32, #tpu.memory_space<hbm>>) target(%dma_start3A_169 : memref<24x128xf32, #tpu.memory_space<vmem_shared>>) target_semaphore(%run_scoped3A : memref<!tpu.dma_semaphore, #tpu.memory_space<semaphore_mem>>)
        %dma_wait3A_173 = arith.constant 9984 : i32
        %dma_wait3A_174 = arith.constant 0 : i32
        %dma_wait3A_175 = tpu.memref_slice %arg11[%dma_wait3A_173, %dma_wait3A_174] : memref<10008x128xf32, #tpu.memory_space<vmem_shared>> -> memref<24x128xf32, #tpu.memory_space<vmem_shared>>
        %dma_wait3A_176 = arith.constant 0 : i32
        %dma_wait3A_177 = arith.constant 0 : i32
        %dma_wait3A_178 = tpu.memref_slice %arg5[%dma_wait3A_176, %dma_wait3A_177] : memref<624x128xf32, #tpu.memory_space<hbm>> -> memref<24x128xf32, #tpu.memory_space<hbm>>
        tpu.wait_dma2 semaphore(%run_scoped3A : memref<!tpu.dma_semaphore, #tpu.memory_space<semaphore_mem>>) src(%dma_wait3A_178 : memref<24x128xf32, #tpu.memory_space<hbm>>) dst(%dma_wait3A_175 : memref<24x128xf32, #tpu.memory_space<vmem_shared>>)
        tpu.yield
      }) : () -> ()
    } else {
    }
    %barrier3A = arith.constant 0 : index
    tpu.barrier barrier_id(%barrier3A)
    %add3A_7 = arith.constant 0 : i32
    %add3A_8 = arith.addi %mul3A_2, %add3A_7 : i32
    %dma_start3A = arith.constant 0 : i32
    %dma_start3A_9 = arith.constant 0 : i32
    %dma_start3A_10 = tpu.memref_slice %arg4[%add3A_8, %dma_start3A_9] : memref<2560x128xi32, #tpu.memory_space<hbm>> -> memref<1x128xi32, #tpu.memory_space<hbm>>
    %dma_start3A_11 = tpu.memref_squeeze %dma_start3A_10 : memref<1x128xi32, #tpu.memory_space<hbm>> -> memref<128xi32, #tpu.memory_space<hbm>>
    %dma_start3A_12 = tpu.memref_slice %arg12[%dma_start3A] : memref<2x!tpu.dma_semaphore, #tpu.memory_space<semaphore_mem>> -> memref<1x!tpu.dma_semaphore, #tpu.memory_space<semaphore_mem>>
    %dma_start3A_13 = tpu.memref_squeeze %dma_start3A_12 : memref<1x!tpu.dma_semaphore, #tpu.memory_space<semaphore_mem>> -> memref<!tpu.dma_semaphore, #tpu.memory_space<semaphore_mem>>
    %dma_start3A_14 = arith.constant 0 : i32
    %dma_start3A_15 = tpu.memref_slice %arg4[%add3A_8, %dma_start3A_14] : memref<2560x128xi32, #tpu.memory_space<hbm>> -> memref<1x128xi32, #tpu.memory_space<hbm>>
    %dma_start3A_16 = tpu.memref_squeeze %dma_start3A_15 : memref<1x128xi32, #tpu.memory_space<hbm>> -> memref<128xi32, #tpu.memory_space<hbm>>
    tpu.enqueue_dma source(%dma_start3A_16 : memref<128xi32, #tpu.memory_space<hbm>>) target(%arg8 : memref<128xi32, #tpu.memory_space<vmem>>) target_semaphore(%dma_start3A_13 : memref<!tpu.dma_semaphore, #tpu.memory_space<semaphore_mem>>)
    %dma_start3A_17 = arith.constant 0 : i32
    %dma_start3A_18 = arith.constant 0 : i32
    %dma_start3A_19 = arith.constant 0 : i32
    %dma_start3A_20 = arith.constant 0 : i32
    %dma_start3A_21 = arith.constant 0 : i32
    %dma_start3A_22 = tpu.memref_slice %arg10[%dma_start3A_18, %dma_start3A_20, %dma_start3A_21] : memref<2x128x128xf32, #tpu.memory_space<vmem>> -> memref<1x128x128xf32, #tpu.memory_space<vmem>>
    %dma_start3A_23 = tpu.memref_squeeze %dma_start3A_22 : memref<1x128x128xf32, #tpu.memory_space<vmem>> -> memref<128x128xf32, #tpu.memory_space<vmem>>
    %dma_start3A_24 = arith.constant 0 : i32
    %dma_start3A_25 = tpu.memref_slice %arg7[%dma_start3A_17, %dma_start3A_24] : memref<80x128xi32, #tpu.memory_space<vmem>> -> memref<1x128xi32, #tpu.memory_space<vmem>>
    %dma_start3A_26 = tpu.memref_squeeze %dma_start3A_25 : memref<1x128xi32, #tpu.memory_space<vmem>> -> memref<128xi32, #tpu.memory_space<vmem>>
    %dma_start3A_27 = arith.constant 0 : i32
    %dma_start3A_28 = arith.constant 0 : i32
    %dma_start3A_29 = tpu.memref_slice %arg2[%dma_start3A_27, %dma_start3A_28] : memref<10000x128xf32, #tpu.memory_space<hbm>> -> memref<10000x128xf32, #tpu.memory_space<hbm>>
    %dma_start3A_30 = tpu.memref_slice %arg13[%dma_start3A_19] : memref<2x!tpu.dma_semaphore, #tpu.memory_space<semaphore_mem>> -> memref<1x!tpu.dma_semaphore, #tpu.memory_space<semaphore_mem>>
    %dma_start3A_31 = tpu.memref_squeeze %dma_start3A_30 : memref<1x!tpu.dma_semaphore, #tpu.memory_space<semaphore_mem>> -> memref<!tpu.dma_semaphore, #tpu.memory_space<semaphore_mem>>
    tpu.enqueue_indirect_dma source(%dma_start3A_29 : memref<10000x128xf32, #tpu.memory_space<hbm>>) target(%dma_start3A_23 : memref<128x128xf32, #tpu.memory_space<vmem>>) offsets(%dma_start3A_26 : memref<128xi32, #tpu.memory_space<vmem>>) semaphore(%dma_start3A_31 : memref<!tpu.dma_semaphore, #tpu.memory_space<semaphore_mem>>)
    %add3A_32 = arith.constant 1 : i32
    %add3A_33 = arith.addi %mul3A_2, %add3A_32 : i32
    %dma_start3A_34 = arith.constant 1 : i32
    %dma_start3A_35 = arith.constant 0 : i32
    %dma_start3A_36 = tpu.memref_slice %arg4[%add3A_33, %dma_start3A_35] : memref<2560x128xi32, #tpu.memory_space<hbm>> -> memref<1x128xi32, #tpu.memory_space<hbm>>
    %dma_start3A_37 = tpu.memref_squeeze %dma_start3A_36 : memref<1x128xi32, #tpu.memory_space<hbm>> -> memref<128xi32, #tpu.memory_space<hbm>>
    %dma_start3A_38 = tpu.memref_slice %arg12[%dma_start3A_34] : memref<2x!tpu.dma_semaphore, #tpu.memory_space<semaphore_mem>> -> memref<1x!tpu.dma_semaphore, #tpu.memory_space<semaphore_mem>>
    %dma_start3A_39 = tpu.memref_squeeze %dma_start3A_38 : memref<1x!tpu.dma_semaphore, #tpu.memory_space<semaphore_mem>> -> memref<!tpu.dma_semaphore, #tpu.memory_space<semaphore_mem>>
    %dma_start3A_40 = arith.constant 0 : i32
    %dma_start3A_41 = tpu.memref_slice %arg4[%add3A_33, %dma_start3A_40] : memref<2560x128xi32, #tpu.memory_space<hbm>> -> memref<1x128xi32, #tpu.memory_space<hbm>>
    %dma_start3A_42 = tpu.memref_squeeze %dma_start3A_41 : memref<1x128xi32, #tpu.memory_space<hbm>> -> memref<128xi32, #tpu.memory_space<hbm>>
    tpu.enqueue_dma source(%dma_start3A_42 : memref<128xi32, #tpu.memory_space<hbm>>) target(%arg9 : memref<128xi32, #tpu.memory_space<vmem>>) target_semaphore(%dma_start3A_39 : memref<!tpu.dma_semaphore, #tpu.memory_space<semaphore_mem>>)
    %dma_start3A_43 = arith.constant 1 : i32
    %dma_start3A_44 = arith.constant 1 : i32
    %dma_start3A_45 = arith.constant 1 : i32
    %dma_start3A_46 = arith.constant 0 : i32
    %dma_start3A_47 = arith.constant 0 : i32
    %dma_start3A_48 = tpu.memref_slice %arg10[%dma_start3A_44, %dma_start3A_46, %dma_start3A_47] : memref<2x128x128xf32, #tpu.memory_space<vmem>> -> memref<1x128x128xf32, #tpu.memory_space<vmem>>
    %dma_start3A_49 = tpu.memref_squeeze %dma_start3A_48 : memref<1x128x128xf32, #tpu.memory_space<vmem>> -> memref<128x128xf32, #tpu.memory_space<vmem>>
    %dma_start3A_50 = arith.constant 0 : i32
    %dma_start3A_51 = tpu.memref_slice %arg7[%dma_start3A_43, %dma_start3A_50] : memref<80x128xi32, #tpu.memory_space<vmem>> -> memref<1x128xi32, #tpu.memory_space<vmem>>
    %dma_start3A_52 = tpu.memref_squeeze %dma_start3A_51 : memref<1x128xi32, #tpu.memory_space<vmem>> -> memref<128xi32, #tpu.memory_space<vmem>>
    %dma_start3A_53 = arith.constant 0 : i32
    %dma_start3A_54 = arith.constant 0 : i32
    %dma_start3A_55 = tpu.memref_slice %arg2[%dma_start3A_53, %dma_start3A_54] : memref<10000x128xf32, #tpu.memory_space<hbm>> -> memref<10000x128xf32, #tpu.memory_space<hbm>>
    %dma_start3A_56 = tpu.memref_slice %arg13[%dma_start3A_45] : memref<2x!tpu.dma_semaphore, #tpu.memory_space<semaphore_mem>> -> memref<1x!tpu.dma_semaphore, #tpu.memory_space<semaphore_mem>>
    %dma_start3A_57 = tpu.memref_squeeze %dma_start3A_56 : memref<1x!tpu.dma_semaphore, #tpu.memory_space<semaphore_mem>> -> memref<!tpu.dma_semaphore, #tpu.memory_space<semaphore_mem>>
    tpu.enqueue_indirect_dma source(%dma_start3A_55 : memref<10000x128xf32, #tpu.memory_space<hbm>>) target(%dma_start3A_49 : memref<128x128xf32, #tpu.memory_space<vmem>>) offsets(%dma_start3A_52 : memref<128xi32, #tpu.memory_space<vmem>>) semaphore(%dma_start3A_57 : memref<!tpu.dma_semaphore, #tpu.memory_space<semaphore_mem>>)
    %scan3A = arith.constant 0 : i32
    %scan3A_58 = arith.constant 39 : i32
    %scan3A_59 = arith.addi %scan3A, %scan3A_58 : i32
    %scan3A_60 = arith.constant 1 : i32
    scf.for %scan3A_167 = %scan3A to %scan3A_59 step %scan3A_60  : i32 {
      %mul3A_168 = arith.constant 1 : i32
      %mul3A_169 = arith.muli %scan3A_167, %mul3A_168 : i32
      %add3A_170 = arith.constant 0 : i32
      %add3A_171 = arith.addi %add3A_170, %mul3A_169 : i32
      %mul3A_172 = arith.constant 2 : i32
      %mul3A_173 = arith.muli %add3A_171, %mul3A_172 : i32
      %add3A_174 = arith.constant 0 : i32
      %add3A_175 = arith.addi %mul3A_173, %add3A_174 : i32
      %dma_wait3A_176 = arith.constant 0 : i32
      %dma_wait3A_177 = arith.constant 0 : i32
      %dma_wait3A_178 = arith.constant 0 : i32
      %dma_wait3A_179 = arith.constant 0 : i32
      %dma_wait3A_180 = tpu.memref_slice %arg10[%dma_wait3A_176, %dma_wait3A_178, %dma_wait3A_179] : memref<2x128x128xf32, #tpu.memory_space<vmem>> -> memref<1x128x128xf32, #tpu.memory_space<vmem>>
      %dma_wait3A_181 = tpu.memref_squeeze %dma_wait3A_180 : memref<1x128x128xf32, #tpu.memory_space<vmem>> -> memref<128x128xf32, #tpu.memory_space<vmem>>
      %dma_wait3A_182 = arith.constant 0 : i32
      %dma_wait3A_183 = tpu.memref_slice %arg7[%add3A_175, %dma_wait3A_182] : memref<80x128xi32, #tpu.memory_space<vmem>> -> memref<1x128xi32, #tpu.memory_space<vmem>>
      %dma_wait3A_184 = tpu.memref_squeeze %dma_wait3A_183 : memref<1x128xi32, #tpu.memory_space<vmem>> -> memref<128xi32, #tpu.memory_space<vmem>>
      %dma_wait3A_185 = arith.constant 0 : i32
      %dma_wait3A_186 = arith.constant 0 : i32
      %dma_wait3A_187 = tpu.memref_slice %arg2[%dma_wait3A_185, %dma_wait3A_186] : memref<10000x128xf32, #tpu.memory_space<hbm>> -> memref<10000x128xf32, #tpu.memory_space<hbm>>
      %dma_wait3A_188 = tpu.memref_slice %arg13[%dma_wait3A_177] : memref<2x!tpu.dma_semaphore, #tpu.memory_space<semaphore_mem>> -> memref<1x!tpu.dma_semaphore, #tpu.memory_space<semaphore_mem>>
      %dma_wait3A_189 = tpu.memref_squeeze %dma_wait3A_188 : memref<1x!tpu.dma_semaphore, #tpu.memory_space<semaphore_mem>> -> memref<!tpu.dma_semaphore, #tpu.memory_space<semaphore_mem>>
      tpu.wait_indirect_dma semaphore(%dma_wait3A_189 : memref<!tpu.dma_semaphore, #tpu.memory_space<semaphore_mem>>) src(%dma_wait3A_187 : memref<10000x128xf32, #tpu.memory_space<hbm>>) dst(%dma_wait3A_181 : memref<128x128xf32, #tpu.memory_space<vmem>>)
      %add3A_190 = arith.addi %mul3A_2, %add3A_175 : i32
      %dma_wait3A_191 = arith.constant 0 : i32
      %dma_wait3A_192 = arith.constant 0 : i32
      %dma_wait3A_193 = tpu.memref_slice %arg4[%add3A_190, %dma_wait3A_192] : memref<2560x128xi32, #tpu.memory_space<hbm>> -> memref<1x128xi32, #tpu.memory_space<hbm>>
      %dma_wait3A_194 = tpu.memref_squeeze %dma_wait3A_193 : memref<1x128xi32, #tpu.memory_space<hbm>> -> memref<128xi32, #tpu.memory_space<hbm>>
      %dma_wait3A_195 = tpu.memref_slice %arg12[%dma_wait3A_191] : memref<2x!tpu.dma_semaphore, #tpu.memory_space<semaphore_mem>> -> memref<1x!tpu.dma_semaphore, #tpu.memory_space<semaphore_mem>>
      %dma_wait3A_196 = tpu.memref_squeeze %dma_wait3A_195 : memref<1x!tpu.dma_semaphore, #tpu.memory_space<semaphore_mem>> -> memref<!tpu.dma_semaphore, #tpu.memory_space<semaphore_mem>>
      %dma_wait3A_197 = arith.constant 0 : i32
      %dma_wait3A_198 = tpu.memref_slice %arg4[%add3A_190, %dma_wait3A_197] : memref<2560x128xi32, #tpu.memory_space<hbm>> -> memref<1x128xi32, #tpu.memory_space<hbm>>
      %dma_wait3A_199 = tpu.memref_squeeze %dma_wait3A_198 : memref<1x128xi32, #tpu.memory_space<hbm>> -> memref<128xi32, #tpu.memory_space<hbm>>
      tpu.wait_dma2 semaphore(%dma_wait3A_196 : memref<!tpu.dma_semaphore, #tpu.memory_space<semaphore_mem>>) src(%dma_wait3A_199 : memref<128xi32, #tpu.memory_space<hbm>>) dst(%arg8 : memref<128xi32, #tpu.memory_space<vmem>>)
      %dma_start3A_200 = arith.constant 0 : i32
      %dma_start3A_201 = arith.constant 0 : i32
      %dma_start3A_202 = arith.constant 0 : i32
      %dma_start3A_203 = arith.constant 0 : i32
      %dma_start3A_204 = tpu.memref_slice %arg10[%dma_start3A_200, %dma_start3A_202, %dma_start3A_203] : memref<2x128x128xf32, #tpu.memory_space<vmem>> -> memref<1x128x128xf32, #tpu.memory_space<vmem>>
      %dma_start3A_205 = tpu.memref_squeeze %dma_start3A_204 : memref<1x128x128xf32, #tpu.memory_space<vmem>> -> memref<128x128xf32, #tpu.memory_space<vmem>>
      %dma_start3A_206 = arith.constant 0 : i32
      %dma_start3A_207 = arith.constant 0 : i32
      %dma_start3A_208 = tpu.memref_slice %arg11[%dma_start3A_206, %dma_start3A_207] : memref<10008x128xf32, #tpu.memory_space<vmem_shared>> -> memref<10008x128xf32, #tpu.memory_space<vmem_shared>>
      %dma_start3A_209 = tpu.memref_slice %arg14[%dma_start3A_201] : memref<2x!tpu.dma_semaphore, #tpu.memory_space<semaphore_mem>> -> memref<1x!tpu.dma_semaphore, #tpu.memory_space<semaphore_mem>>
      %dma_start3A_210 = tpu.memref_squeeze %dma_start3A_209 : memref<1x!tpu.dma_semaphore, #tpu.memory_space<semaphore_mem>> -> memref<!tpu.dma_semaphore, #tpu.memory_space<semaphore_mem>>
      tpu.enqueue_indirect_dma source(%dma_start3A_205 : memref<128x128xf32, #tpu.memory_space<vmem>>) target(%dma_start3A_208 : memref<10008x128xf32, #tpu.memory_space<vmem_shared>>) offsets(%arg8 : memref<128xi32, #tpu.memory_space<vmem>>) semaphore(%dma_start3A_210 : memref<!tpu.dma_semaphore, #tpu.memory_space<semaphore_mem>>) {add = true}
      %mul3A_211 = arith.constant 2 : i32
      %mul3A_212 = arith.muli %add3A_171, %mul3A_211 : i32
      %add3A_213 = arith.constant 1 : i32
      %add3A_214 = arith.addi %mul3A_212, %add3A_213 : i32
      %dma_wait3A_215 = arith.constant 1 : i32
      %dma_wait3A_216 = arith.constant 1 : i32
      %dma_wait3A_217 = arith.constant 0 : i32
      %dma_wait3A_218 = arith.constant 0 : i32
      %dma_wait3A_219 = tpu.memref_slice %arg10[%dma_wait3A_215, %dma_wait3A_217, %dma_wait3A_218] : memref<2x128x128xf32, #tpu.memory_space<vmem>> -> memref<1x128x128xf32, #tpu.memory_space<vmem>>
      %dma_wait3A_220 = tpu.memref_squeeze %dma_wait3A_219 : memref<1x128x128xf32, #tpu.memory_space<vmem>> -> memref<128x128xf32, #tpu.memory_space<vmem>>
      %dma_wait3A_221 = arith.constant 0 : i32
      %dma_wait3A_222 = tpu.memref_slice %arg7[%add3A_214, %dma_wait3A_221] : memref<80x128xi32, #tpu.memory_space<vmem>> -> memref<1x128xi32, #tpu.memory_space<vmem>>
      %dma_wait3A_223 = tpu.memref_squeeze %dma_wait3A_222 : memref<1x128xi32, #tpu.memory_space<vmem>> -> memref<128xi32, #tpu.memory_space<vmem>>
      %dma_wait3A_224 = arith.constant 0 : i32
      %dma_wait3A_225 = arith.constant 0 : i32
      %dma_wait3A_226 = tpu.memref_slice %arg2[%dma_wait3A_224, %dma_wait3A_225] : memref<10000x128xf32, #tpu.memory_space<hbm>> -> memref<10000x128xf32, #tpu.memory_space<hbm>>
      %dma_wait3A_227 = tpu.memref_slice %arg13[%dma_wait3A_216] : memref<2x!tpu.dma_semaphore, #tpu.memory_space<semaphore_mem>> -> memref<1x!tpu.dma_semaphore, #tpu.memory_space<semaphore_mem>>
      %dma_wait3A_228 = tpu.memref_squeeze %dma_wait3A_227 : memref<1x!tpu.dma_semaphore, #tpu.memory_space<semaphore_mem>> -> memref<!tpu.dma_semaphore, #tpu.memory_space<semaphore_mem>>
      tpu.wait_indirect_dma semaphore(%dma_wait3A_228 : memref<!tpu.dma_semaphore, #tpu.memory_space<semaphore_mem>>) src(%dma_wait3A_226 : memref<10000x128xf32, #tpu.memory_space<hbm>>) dst(%dma_wait3A_220 : memref<128x128xf32, #tpu.memory_space<vmem>>)
      %add3A_229 = arith.addi %mul3A_2, %add3A_214 : i32
      %dma_wait3A_230 = arith.constant 1 : i32
      %dma_wait3A_231 = arith.constant 0 : i32
      %dma_wait3A_232 = tpu.memref_slice %arg4[%add3A_229, %dma_wait3A_231] : memref<2560x128xi32, #tpu.memory_space<hbm>> -> memref<1x128xi32, #tpu.memory_space<hbm>>
      %dma_wait3A_233 = tpu.memref_squeeze %dma_wait3A_232 : memref<1x128xi32, #tpu.memory_space<hbm>> -> memref<128xi32, #tpu.memory_space<hbm>>
      %dma_wait3A_234 = tpu.memref_slice %arg12[%dma_wait3A_230] : memref<2x!tpu.dma_semaphore, #tpu.memory_space<semaphore_mem>> -> memref<1x!tpu.dma_semaphore, #tpu.memory_space<semaphore_mem>>
      %dma_wait3A_235 = tpu.memref_squeeze %dma_wait3A_234 : memref<1x!tpu.dma_semaphore, #tpu.memory_space<semaphore_mem>> -> memref<!tpu.dma_semaphore, #tpu.memory_space<semaphore_mem>>
      %dma_wait3A_236 = arith.constant 0 : i32
      %dma_wait3A_237 = tpu.memref_slice %arg4[%add3A_229, %dma_wait3A_236] : memref<2560x128xi32, #tpu.memory_space<hbm>> -> memref<1x128xi32, #tpu.memory_space<hbm>>
      %dma_wait3A_238 = tpu.memref_squeeze %dma_wait3A_237 : memref<1x128xi32, #tpu.memory_space<hbm>> -> memref<128xi32, #tpu.memory_space<hbm>>
      tpu.wait_dma2 semaphore(%dma_wait3A_235 : memref<!tpu.dma_semaphore, #tpu.memory_space<semaphore_mem>>) src(%dma_wait3A_238 : memref<128xi32, #tpu.memory_space<hbm>>) dst(%arg9 : memref<128xi32, #tpu.memory_space<vmem>>)
      %dma_start3A_239 = arith.constant 1 : i32
      %dma_start3A_240 = arith.constant 1 : i32
      %dma_start3A_241 = arith.constant 0 : i32
      %dma_start3A_242 = arith.constant 0 : i32
      %dma_start3A_243 = tpu.memref_slice %arg10[%dma_start3A_239, %dma_start3A_241, %dma_start3A_242] : memref<2x128x128xf32, #tpu.memory_space<vmem>> -> memref<1x128x128xf32, #tpu.memory_space<vmem>>
      %dma_start3A_244 = tpu.memref_squeeze %dma_start3A_243 : memref<1x128x128xf32, #tpu.memory_space<vmem>> -> memref<128x128xf32, #tpu.memory_space<vmem>>
      %dma_start3A_245 = arith.constant 0 : i32
      %dma_start3A_246 = arith.constant 0 : i32
      %dma_start3A_247 = tpu.memref_slice %arg11[%dma_start3A_245, %dma_start3A_246] : memref<10008x128xf32, #tpu.memory_space<vmem_shared>> -> memref<10008x128xf32, #tpu.memory_space<vmem_shared>>
      %dma_start3A_248 = tpu.memref_slice %arg14[%dma_start3A_240] : memref<2x!tpu.dma_semaphore, #tpu.memory_space<semaphore_mem>> -> memref<1x!tpu.dma_semaphore, #tpu.memory_space<semaphore_mem>>
      %dma_start3A_249 = tpu.memref_squeeze %dma_start3A_248 : memref<1x!tpu.dma_semaphore, #tpu.memory_space<semaphore_mem>> -> memref<!tpu.dma_semaphore, #tpu.memory_space<semaphore_mem>>
      tpu.enqueue_indirect_dma source(%dma_start3A_244 : memref<128x128xf32, #tpu.memory_space<vmem>>) target(%dma_start3A_247 : memref<10008x128xf32, #tpu.memory_space<vmem_shared>>) offsets(%arg9 : memref<128xi32, #tpu.memory_space<vmem>>) semaphore(%dma_start3A_249 : memref<!tpu.dma_semaphore, #tpu.memory_space<semaphore_mem>>) {add = true}
      %dma_wait3A_250 = arith.constant 0 : i32
      %dma_wait3A_251 = arith.constant 0 : i32
      %dma_wait3A_252 = arith.constant 0 : i32
      %dma_wait3A_253 = arith.constant 0 : i32
      %dma_wait3A_254 = tpu.memref_slice %arg10[%dma_wait3A_250, %dma_wait3A_252, %dma_wait3A_253] : memref<2x128x128xf32, #tpu.memory_space<vmem>> -> memref<1x128x128xf32, #tpu.memory_space<vmem>>
      %dma_wait3A_255 = tpu.memref_squeeze %dma_wait3A_254 : memref<1x128x128xf32, #tpu.memory_space<vmem>> -> memref<128x128xf32, #tpu.memory_space<vmem>>
      %dma_wait3A_256 = arith.constant 0 : i32
      %dma_wait3A_257 = arith.constant 0 : i32
      %dma_wait3A_258 = tpu.memref_slice %arg11[%dma_wait3A_256, %dma_wait3A_257] : memref<10008x128xf32, #tpu.memory_space<vmem_shared>> -> memref<10008x128xf32, #tpu.memory_space<vmem_shared>>
      %dma_wait3A_259 = tpu.memref_slice %arg14[%dma_wait3A_251] : memref<2x!tpu.dma_semaphore, #tpu.memory_space<semaphore_mem>> -> memref<1x!tpu.dma_semaphore, #tpu.memory_space<semaphore_mem>>
      %dma_wait3A_260 = tpu.memref_squeeze %dma_wait3A_259 : memref<1x!tpu.dma_semaphore, #tpu.memory_space<semaphore_mem>> -> memref<!tpu.dma_semaphore, #tpu.memory_space<semaphore_mem>>
      tpu.wait_indirect_dma semaphore(%dma_wait3A_260 : memref<!tpu.dma_semaphore, #tpu.memory_space<semaphore_mem>>) src(%dma_wait3A_255 : memref<128x128xf32, #tpu.memory_space<vmem>>) dst(%dma_wait3A_258 : memref<10008x128xf32, #tpu.memory_space<vmem_shared>>)
      %mul3A_261 = arith.constant 2 : i32
      %mul3A_262 = arith.muli %add3A_171, %mul3A_261 : i32
      %add3A_263 = arith.constant 0 : i32
      %add3A_264 = arith.addi %mul3A_262, %add3A_263 : i32
      %add3A_265 = arith.constant 2 : i32
      %add3A_266 = arith.addi %add3A_264, %add3A_265 : i32
      %add3A_267 = arith.addi %mul3A_2, %add3A_266 : i32
      %dma_start3A_268 = arith.constant 0 : i32
      %dma_start3A_269 = arith.constant 0 : i32
      %dma_start3A_270 = tpu.memref_slice %arg4[%add3A_267, %dma_start3A_269] : memref<2560x128xi32, #tpu.memory_space<hbm>> -> memref<1x128xi32, #tpu.memory_space<hbm>>
      %dma_start3A_271 = tpu.memref_squeeze %dma_start3A_270 : memref<1x128xi32, #tpu.memory_space<hbm>> -> memref<128xi32, #tpu.memory_space<hbm>>
      %dma_start3A_272 = tpu.memref_slice %arg12[%dma_start3A_268] : memref<2x!tpu.dma_semaphore, #tpu.memory_space<semaphore_mem>> -> memref<1x!tpu.dma_semaphore, #tpu.memory_space<semaphore_mem>>
      %dma_start3A_273 = tpu.memref_squeeze %dma_start3A_272 : memref<1x!tpu.dma_semaphore, #tpu.memory_space<semaphore_mem>> -> memref<!tpu.dma_semaphore, #tpu.memory_space<semaphore_mem>>
      %dma_start3A_274 = arith.constant 0 : i32
      %dma_start3A_275 = tpu.memref_slice %arg4[%add3A_267, %dma_start3A_274] : memref<2560x128xi32, #tpu.memory_space<hbm>> -> memref<1x128xi32, #tpu.memory_space<hbm>>
      %dma_start3A_276 = tpu.memref_squeeze %dma_start3A_275 : memref<1x128xi32, #tpu.memory_space<hbm>> -> memref<128xi32, #tpu.memory_space<hbm>>
      tpu.enqueue_dma source(%dma_start3A_276 : memref<128xi32, #tpu.memory_space<hbm>>) target(%arg8 : memref<128xi32, #tpu.memory_space<vmem>>) target_semaphore(%dma_start3A_273 : memref<!tpu.dma_semaphore, #tpu.memory_space<semaphore_mem>>)
      %dma_start3A_277 = arith.constant 0 : i32
      %dma_start3A_278 = arith.constant 0 : i32
      %dma_start3A_279 = arith.constant 0 : i32
      %dma_start3A_280 = arith.constant 0 : i32
      %dma_start3A_281 = tpu.memref_slice %arg10[%dma_start3A_277, %dma_start3A_279, %dma_start3A_280] : memref<2x128x128xf32, #tpu.memory_space<vmem>> -> memref<1x128x128xf32, #tpu.memory_space<vmem>>
      %dma_start3A_282 = tpu.memref_squeeze %dma_start3A_281 : memref<1x128x128xf32, #tpu.memory_space<vmem>> -> memref<128x128xf32, #tpu.memory_space<vmem>>
      %dma_start3A_283 = arith.constant 0 : i32
      %dma_start3A_284 = tpu.memref_slice %arg7[%add3A_266, %dma_start3A_283] : memref<80x128xi32, #tpu.memory_space<vmem>> -> memref<1x128xi32, #tpu.memory_space<vmem>>
      %dma_start3A_285 = tpu.memref_squeeze %dma_start3A_284 : memref<1x128xi32, #tpu.memory_space<vmem>> -> memref<128xi32, #tpu.memory_space<vmem>>
      %dma_start3A_286 = arith.constant 0 : i32
      %dma_start3A_287 = arith.constant 0 : i32
      %dma_start3A_288 = tpu.memref_slice %arg2[%dma_start3A_286, %dma_start3A_287] : memref<10000x128xf32, #tpu.memory_space<hbm>> -> memref<10000x128xf32, #tpu.memory_space<hbm>>
      %dma_start3A_289 = tpu.memref_slice %arg13[%dma_start3A_278] : memref<2x!tpu.dma_semaphore, #tpu.memory_space<semaphore_mem>> -> memref<1x!tpu.dma_semaphore, #tpu.memory_space<semaphore_mem>>
      %dma_start3A_290 = tpu.memref_squeeze %dma_start3A_289 : memref<1x!tpu.dma_semaphore, #tpu.memory_space<semaphore_mem>> -> memref<!tpu.dma_semaphore, #tpu.memory_space<semaphore_mem>>
      tpu.enqueue_indirect_dma source(%dma_start3A_288 : memref<10000x128xf32, #tpu.memory_space<hbm>>) target(%dma_start3A_282 : memref<128x128xf32, #tpu.memory_space<vmem>>) offsets(%dma_start3A_285 : memref<128xi32, #tpu.memory_space<vmem>>) semaphore(%dma_start3A_290 : memref<!tpu.dma_semaphore, #tpu.memory_space<semaphore_mem>>)
      %dma_wait3A_291 = arith.constant 1 : i32
      %dma_wait3A_292 = arith.constant 1 : i32
      %dma_wait3A_293 = arith.constant 0 : i32
      %dma_wait3A_294 = arith.constant 0 : i32
      %dma_wait3A_295 = tpu.memref_slice %arg10[%dma_wait3A_291, %dma_wait3A_293, %dma_wait3A_294] : memref<2x128x128xf32, #tpu.memory_space<vmem>> -> memref<1x128x128xf32, #tpu.memory_space<vmem>>
      %dma_wait3A_296 = tpu.memref_squeeze %dma_wait3A_295 : memref<1x128x128xf32, #tpu.memory_space<vmem>> -> memref<128x128xf32, #tpu.memory_space<vmem>>
      %dma_wait3A_297 = arith.constant 0 : i32
      %dma_wait3A_298 = arith.constant 0 : i32
      %dma_wait3A_299 = tpu.memref_slice %arg11[%dma_wait3A_297, %dma_wait3A_298] : memref<10008x128xf32, #tpu.memory_space<vmem_shared>> -> memref<10008x128xf32, #tpu.memory_space<vmem_shared>>
      %dma_wait3A_300 = tpu.memref_slice %arg14[%dma_wait3A_292] : memref<2x!tpu.dma_semaphore, #tpu.memory_space<semaphore_mem>> -> memref<1x!tpu.dma_semaphore, #tpu.memory_space<semaphore_mem>>
      %dma_wait3A_301 = tpu.memref_squeeze %dma_wait3A_300 : memref<1x!tpu.dma_semaphore, #tpu.memory_space<semaphore_mem>> -> memref<!tpu.dma_semaphore, #tpu.memory_space<semaphore_mem>>
      tpu.wait_indirect_dma semaphore(%dma_wait3A_301 : memref<!tpu.dma_semaphore, #tpu.memory_space<semaphore_mem>>) src(%dma_wait3A_296 : memref<128x128xf32, #tpu.memory_space<vmem>>) dst(%dma_wait3A_299 : memref<10008x128xf32, #tpu.memory_space<vmem_shared>>)
      %mul3A_302 = arith.constant 2 : i32
      %mul3A_303 = arith.muli %add3A_171, %mul3A_302 : i32
      %add3A_304 = arith.constant 1 : i32
      %add3A_305 = arith.addi %mul3A_303, %add3A_304 : i32
      %add3A_306 = arith.constant 2 : i32
      %add3A_307 = arith.addi %add3A_305, %add3A_306 : i32
      %add3A_308 = arith.addi %mul3A_2, %add3A_307 : i32
      %dma_start3A_309 = arith.constant 1 : i32
      %dma_start3A_310 = arith.constant 0 : i32
      %dma_start3A_311 = tpu.memref_slice %arg4[%add3A_308, %dma_start3A_310] : memref<2560x128xi32, #tpu.memory_space<hbm>> -> memref<1x128xi32, #tpu.memory_space<hbm>>
      %dma_start3A_312 = tpu.memref_squeeze %dma_start3A_311 : memref<1x128xi32, #tpu.memory_space<hbm>> -> memref<128xi32, #tpu.memory_space<hbm>>
      %dma_start3A_313 = tpu.memref_slice %arg12[%dma_start3A_309] : memref<2x!tpu.dma_semaphore, #tpu.memory_space<semaphore_mem>> -> memref<1x!tpu.dma_semaphore, #tpu.memory_space<semaphore_mem>>
      %dma_start3A_314 = tpu.memref_squeeze %dma_start3A_313 : memref<1x!tpu.dma_semaphore, #tpu.memory_space<semaphore_mem>> -> memref<!tpu.dma_semaphore, #tpu.memory_space<semaphore_mem>>
      %dma_start3A_315 = arith.constant 0 : i32
      %dma_start3A_316 = tpu.memref_slice %arg4[%add3A_308, %dma_start3A_315] : memref<2560x128xi32, #tpu.memory_space<hbm>> -> memref<1x128xi32, #tpu.memory_space<hbm>>
      %dma_start3A_317 = tpu.memref_squeeze %dma_start3A_316 : memref<1x128xi32, #tpu.memory_space<hbm>> -> memref<128xi32, #tpu.memory_space<hbm>>
      tpu.enqueue_dma source(%dma_start3A_317 : memref<128xi32, #tpu.memory_space<hbm>>) target(%arg9 : memref<128xi32, #tpu.memory_space<vmem>>) target_semaphore(%dma_start3A_314 : memref<!tpu.dma_semaphore, #tpu.memory_space<semaphore_mem>>)
      %dma_start3A_318 = arith.constant 1 : i32
      %dma_start3A_319 = arith.constant 1 : i32
      %dma_start3A_320 = arith.constant 0 : i32
      %dma_start3A_321 = arith.constant 0 : i32
      %dma_start3A_322 = tpu.memref_slice %arg10[%dma_start3A_318, %dma_start3A_320, %dma_start3A_321] : memref<2x128x128xf32, #tpu.memory_space<vmem>> -> memref<1x128x128xf32, #tpu.memory_space<vmem>>
      %dma_start3A_323 = tpu.memref_squeeze %dma_start3A_322 : memref<1x128x128xf32, #tpu.memory_space<vmem>> -> memref<128x128xf32, #tpu.memory_space<vmem>>
      %dma_start3A_324 = arith.constant 0 : i32
      %dma_start3A_325 = tpu.memref_slice %arg7[%add3A_307, %dma_start3A_324] : memref<80x128xi32, #tpu.memory_space<vmem>> -> memref<1x128xi32, #tpu.memory_space<vmem>>
      %dma_start3A_326 = tpu.memref_squeeze %dma_start3A_325 : memref<1x128xi32, #tpu.memory_space<vmem>> -> memref<128xi32, #tpu.memory_space<vmem>>
      %dma_start3A_327 = arith.constant 0 : i32
      %dma_start3A_328 = arith.constant 0 : i32
      %dma_start3A_329 = tpu.memref_slice %arg2[%dma_start3A_327, %dma_start3A_328] : memref<10000x128xf32, #tpu.memory_space<hbm>> -> memref<10000x128xf32, #tpu.memory_space<hbm>>
      %dma_start3A_330 = tpu.memref_slice %arg13[%dma_start3A_319] : memref<2x!tpu.dma_semaphore, #tpu.memory_space<semaphore_mem>> -> memref<1x!tpu.dma_semaphore, #tpu.memory_space<semaphore_mem>>
      %dma_start3A_331 = tpu.memref_squeeze %dma_start3A_330 : memref<1x!tpu.dma_semaphore, #tpu.memory_space<semaphore_mem>> -> memref<!tpu.dma_semaphore, #tpu.memory_space<semaphore_mem>>
      tpu.enqueue_indirect_dma source(%dma_start3A_329 : memref<10000x128xf32, #tpu.memory_space<hbm>>) target(%dma_start3A_323 : memref<128x128xf32, #tpu.memory_space<vmem>>) offsets(%dma_start3A_326 : memref<128xi32, #tpu.memory_space<vmem>>) semaphore(%dma_start3A_331 : memref<!tpu.dma_semaphore, #tpu.memory_space<semaphore_mem>>)
    }
    %scan3A_61 = arith.constant 39 : i32
    %dma_wait3A = arith.constant 78 : i32
    %dma_wait3A_62 = arith.constant 0 : i32
    %dma_wait3A_63 = arith.constant 0 : i32
    %dma_wait3A_64 = arith.constant 0 : i32
    %dma_wait3A_65 = arith.constant 0 : i32
    %dma_wait3A_66 = tpu.memref_slice %arg10[%dma_wait3A_62, %dma_wait3A_64, %dma_wait3A_65] : memref<2x128x128xf32, #tpu.memory_space<vmem>> -> memref<1x128x128xf32, #tpu.memory_space<vmem>>
    %dma_wait3A_67 = tpu.memref_squeeze %dma_wait3A_66 : memref<1x128x128xf32, #tpu.memory_space<vmem>> -> memref<128x128xf32, #tpu.memory_space<vmem>>
    %dma_wait3A_68 = arith.constant 0 : i32
    %dma_wait3A_69 = tpu.memref_slice %arg7[%dma_wait3A, %dma_wait3A_68] : memref<80x128xi32, #tpu.memory_space<vmem>> -> memref<1x128xi32, #tpu.memory_space<vmem>>
    %dma_wait3A_70 = tpu.memref_squeeze %dma_wait3A_69 : memref<1x128xi32, #tpu.memory_space<vmem>> -> memref<128xi32, #tpu.memory_space<vmem>>
    %dma_wait3A_71 = arith.constant 0 : i32
    %dma_wait3A_72 = arith.constant 0 : i32
    %dma_wait3A_73 = tpu.memref_slice %arg2[%dma_wait3A_71, %dma_wait3A_72] : memref<10000x128xf32, #tpu.memory_space<hbm>> -> memref<10000x128xf32, #tpu.memory_space<hbm>>
    %dma_wait3A_74 = tpu.memref_slice %arg13[%dma_wait3A_63] : memref<2x!tpu.dma_semaphore, #tpu.memory_space<semaphore_mem>> -> memref<1x!tpu.dma_semaphore, #tpu.memory_space<semaphore_mem>>
    %dma_wait3A_75 = tpu.memref_squeeze %dma_wait3A_74 : memref<1x!tpu.dma_semaphore, #tpu.memory_space<semaphore_mem>> -> memref<!tpu.dma_semaphore, #tpu.memory_space<semaphore_mem>>
    tpu.wait_indirect_dma semaphore(%dma_wait3A_75 : memref<!tpu.dma_semaphore, #tpu.memory_space<semaphore_mem>>) src(%dma_wait3A_73 : memref<10000x128xf32, #tpu.memory_space<hbm>>) dst(%dma_wait3A_67 : memref<128x128xf32, #tpu.memory_space<vmem>>)
    %add3A_76 = arith.constant 78 : i32
    %add3A_77 = arith.addi %mul3A_2, %add3A_76 : i32
    %dma_wait3A_78 = arith.constant 0 : i32
    %dma_wait3A_79 = arith.constant 0 : i32
    %dma_wait3A_80 = tpu.memref_slice %arg4[%add3A_77, %dma_wait3A_79] : memref<2560x128xi32, #tpu.memory_space<hbm>> -> memref<1x128xi32, #tpu.memory_space<hbm>>
    %dma_wait3A_81 = tpu.memref_squeeze %dma_wait3A_80 : memref<1x128xi32, #tpu.memory_space<hbm>> -> memref<128xi32, #tpu.memory_space<hbm>>
    %dma_wait3A_82 = tpu.memref_slice %arg12[%dma_wait3A_78] : memref<2x!tpu.dma_semaphore, #tpu.memory_space<semaphore_mem>> -> memref<1x!tpu.dma_semaphore, #tpu.memory_space<semaphore_mem>>
    %dma_wait3A_83 = tpu.memref_squeeze %dma_wait3A_82 : memref<1x!tpu.dma_semaphore, #tpu.memory_space<semaphore_mem>> -> memref<!tpu.dma_semaphore, #tpu.memory_space<semaphore_mem>>
    %dma_wait3A_84 = arith.constant 0 : i32
    %dma_wait3A_85 = tpu.memref_slice %arg4[%add3A_77, %dma_wait3A_84] : memref<2560x128xi32, #tpu.memory_space<hbm>> -> memref<1x128xi32, #tpu.memory_space<hbm>>
    %dma_wait3A_86 = tpu.memref_squeeze %dma_wait3A_85 : memref<1x128xi32, #tpu.memory_space<hbm>> -> memref<128xi32, #tpu.memory_space<hbm>>
    tpu.wait_dma2 semaphore(%dma_wait3A_83 : memref<!tpu.dma_semaphore, #tpu.memory_space<semaphore_mem>>) src(%dma_wait3A_86 : memref<128xi32, #tpu.memory_space<hbm>>) dst(%arg8 : memref<128xi32, #tpu.memory_space<vmem>>)
    %dma_start3A_87 = arith.constant 0 : i32
    %dma_start3A_88 = arith.constant 0 : i32
    %dma_start3A_89 = arith.constant 0 : i32
    %dma_start3A_90 = arith.constant 0 : i32
    %dma_start3A_91 = tpu.memref_slice %arg10[%dma_start3A_87, %dma_start3A_89, %dma_start3A_90] : memref<2x128x128xf32, #tpu.memory_space<vmem>> -> memref<1x128x128xf32, #tpu.memory_space<vmem>>
    %dma_start3A_92 = tpu.memref_squeeze %dma_start3A_91 : memref<1x128x128xf32, #tpu.memory_space<vmem>> -> memref<128x128xf32, #tpu.memory_space<vmem>>
    %dma_start3A_93 = arith.constant 0 : i32
    %dma_start3A_94 = arith.constant 0 : i32
    %dma_start3A_95 = tpu.memref_slice %arg11[%dma_start3A_93, %dma_start3A_94] : memref<10008x128xf32, #tpu.memory_space<vmem_shared>> -> memref<10008x128xf32, #tpu.memory_space<vmem_shared>>
    %dma_start3A_96 = tpu.memref_slice %arg14[%dma_start3A_88] : memref<2x!tpu.dma_semaphore, #tpu.memory_space<semaphore_mem>> -> memref<1x!tpu.dma_semaphore, #tpu.memory_space<semaphore_mem>>
    %dma_start3A_97 = tpu.memref_squeeze %dma_start3A_96 : memref<1x!tpu.dma_semaphore, #tpu.memory_space<semaphore_mem>> -> memref<!tpu.dma_semaphore, #tpu.memory_space<semaphore_mem>>
    tpu.enqueue_indirect_dma source(%dma_start3A_92 : memref<128x128xf32, #tpu.memory_space<vmem>>) target(%dma_start3A_95 : memref<10008x128xf32, #tpu.memory_space<vmem_shared>>) offsets(%arg8 : memref<128xi32, #tpu.memory_space<vmem>>) semaphore(%dma_start3A_97 : memref<!tpu.dma_semaphore, #tpu.memory_space<semaphore_mem>>) {add = true}
    %dma_wait3A_98 = arith.constant 79 : i32
    %dma_wait3A_99 = arith.constant 1 : i32
    %dma_wait3A_100 = arith.constant 1 : i32
    %dma_wait3A_101 = arith.constant 0 : i32
    %dma_wait3A_102 = arith.constant 0 : i32
    %dma_wait3A_103 = tpu.memref_slice %arg10[%dma_wait3A_99, %dma_wait3A_101, %dma_wait3A_102] : memref<2x128x128xf32, #tpu.memory_space<vmem>> -> memref<1x128x128xf32, #tpu.memory_space<vmem>>
    %dma_wait3A_104 = tpu.memref_squeeze %dma_wait3A_103 : memref<1x128x128xf32, #tpu.memory_space<vmem>> -> memref<128x128xf32, #tpu.memory_space<vmem>>
    %dma_wait3A_105 = arith.constant 0 : i32
    %dma_wait3A_106 = tpu.memref_slice %arg7[%dma_wait3A_98, %dma_wait3A_105] : memref<80x128xi32, #tpu.memory_space<vmem>> -> memref<1x128xi32, #tpu.memory_space<vmem>>
    %dma_wait3A_107 = tpu.memref_squeeze %dma_wait3A_106 : memref<1x128xi32, #tpu.memory_space<vmem>> -> memref<128xi32, #tpu.memory_space<vmem>>
    %dma_wait3A_108 = arith.constant 0 : i32
    %dma_wait3A_109 = arith.constant 0 : i32
    %dma_wait3A_110 = tpu.memref_slice %arg2[%dma_wait3A_108, %dma_wait3A_109] : memref<10000x128xf32, #tpu.memory_space<hbm>> -> memref<10000x128xf32, #tpu.memory_space<hbm>>
    %dma_wait3A_111 = tpu.memref_slice %arg13[%dma_wait3A_100] : memref<2x!tpu.dma_semaphore, #tpu.memory_space<semaphore_mem>> -> memref<1x!tpu.dma_semaphore, #tpu.memory_space<semaphore_mem>>
    %dma_wait3A_112 = tpu.memref_squeeze %dma_wait3A_111 : memref<1x!tpu.dma_semaphore, #tpu.memory_space<semaphore_mem>> -> memref<!tpu.dma_semaphore, #tpu.memory_space<semaphore_mem>>
    tpu.wait_indirect_dma semaphore(%dma_wait3A_112 : memref<!tpu.dma_semaphore, #tpu.memory_space<semaphore_mem>>) src(%dma_wait3A_110 : memref<10000x128xf32, #tpu.memory_space<hbm>>) dst(%dma_wait3A_104 : memref<128x128xf32, #tpu.memory_space<vmem>>)
    %add3A_113 = arith.constant 79 : i32
    %add3A_114 = arith.addi %mul3A_2, %add3A_113 : i32
    %dma_wait3A_115 = arith.constant 1 : i32
    %dma_wait3A_116 = arith.constant 0 : i32
    %dma_wait3A_117 = tpu.memref_slice %arg4[%add3A_114, %dma_wait3A_116] : memref<2560x128xi32, #tpu.memory_space<hbm>> -> memref<1x128xi32, #tpu.memory_space<hbm>>
    %dma_wait3A_118 = tpu.memref_squeeze %dma_wait3A_117 : memref<1x128xi32, #tpu.memory_space<hbm>> -> memref<128xi32, #tpu.memory_space<hbm>>
    %dma_wait3A_119 = tpu.memref_slice %arg12[%dma_wait3A_115] : memref<2x!tpu.dma_semaphore, #tpu.memory_space<semaphore_mem>> -> memref<1x!tpu.dma_semaphore, #tpu.memory_space<semaphore_mem>>
    %dma_wait3A_120 = tpu.memref_squeeze %dma_wait3A_119 : memref<1x!tpu.dma_semaphore, #tpu.memory_space<semaphore_mem>> -> memref<!tpu.dma_semaphore, #tpu.memory_space<semaphore_mem>>
    %dma_wait3A_121 = arith.constant 0 : i32
    %dma_wait3A_122 = tpu.memref_slice %arg4[%add3A_114, %dma_wait3A_121] : memref<2560x128xi32, #tpu.memory_space<hbm>> -> memref<1x128xi32, #tpu.memory_space<hbm>>
    %dma_wait3A_123 = tpu.memref_squeeze %dma_wait3A_122 : memref<1x128xi32, #tpu.memory_space<hbm>> -> memref<128xi32, #tpu.memory_space<hbm>>
    tpu.wait_dma2 semaphore(%dma_wait3A_120 : memref<!tpu.dma_semaphore, #tpu.memory_space<semaphore_mem>>) src(%dma_wait3A_123 : memref<128xi32, #tpu.memory_space<hbm>>) dst(%arg9 : memref<128xi32, #tpu.memory_space<vmem>>)
    %dma_start3A_124 = arith.constant 1 : i32
    %dma_start3A_125 = arith.constant 1 : i32
    %dma_start3A_126 = arith.constant 0 : i32
    %dma_start3A_127 = arith.constant 0 : i32
    %dma_start3A_128 = tpu.memref_slice %arg10[%dma_start3A_124, %dma_start3A_126, %dma_start3A_127] : memref<2x128x128xf32, #tpu.memory_space<vmem>> -> memref<1x128x128xf32, #tpu.memory_space<vmem>>
    %dma_start3A_129 = tpu.memref_squeeze %dma_start3A_128 : memref<1x128x128xf32, #tpu.memory_space<vmem>> -> memref<128x128xf32, #tpu.memory_space<vmem>>
    %dma_start3A_130 = arith.constant 0 : i32
    %dma_start3A_131 = arith.constant 0 : i32
    %dma_start3A_132 = tpu.memref_slice %arg11[%dma_start3A_130, %dma_start3A_131] : memref<10008x128xf32, #tpu.memory_space<vmem_shared>> -> memref<10008x128xf32, #tpu.memory_space<vmem_shared>>
    %dma_start3A_133 = tpu.memref_slice %arg14[%dma_start3A_125] : memref<2x!tpu.dma_semaphore, #tpu.memory_space<semaphore_mem>> -> memref<1x!tpu.dma_semaphore, #tpu.memory_space<semaphore_mem>>
    %dma_start3A_134 = tpu.memref_squeeze %dma_start3A_133 : memref<1x!tpu.dma_semaphore, #tpu.memory_space<semaphore_mem>> -> memref<!tpu.dma_semaphore, #tpu.memory_space<semaphore_mem>>
    tpu.enqueue_indirect_dma source(%dma_start3A_129 : memref<128x128xf32, #tpu.memory_space<vmem>>) target(%dma_start3A_132 : memref<10008x128xf32, #tpu.memory_space<vmem_shared>>) offsets(%arg9 : memref<128xi32, #tpu.memory_space<vmem>>) semaphore(%dma_start3A_134 : memref<!tpu.dma_semaphore, #tpu.memory_space<semaphore_mem>>) {add = true}
    %dma_wait3A_135 = arith.constant 0 : i32
    %dma_wait3A_136 = arith.constant 0 : i32
    %dma_wait3A_137 = arith.constant 0 : i32
    %dma_wait3A_138 = arith.constant 0 : i32
    %dma_wait3A_139 = tpu.memref_slice %arg10[%dma_wait3A_135, %dma_wait3A_137, %dma_wait3A_138] : memref<2x128x128xf32, #tpu.memory_space<vmem>> -> memref<1x128x128xf32, #tpu.memory_space<vmem>>
    %dma_wait3A_140 = tpu.memref_squeeze %dma_wait3A_139 : memref<1x128x128xf32, #tpu.memory_space<vmem>> -> memref<128x128xf32, #tpu.memory_space<vmem>>
    %dma_wait3A_141 = arith.constant 0 : i32
    %dma_wait3A_142 = arith.constant 0 : i32
    %dma_wait3A_143 = tpu.memref_slice %arg11[%dma_wait3A_141, %dma_wait3A_142] : memref<10008x128xf32, #tpu.memory_space<vmem_shared>> -> memref<10008x128xf32, #tpu.memory_space<vmem_shared>>
    %dma_wait3A_144 = tpu.memref_slice %arg14[%dma_wait3A_136] : memref<2x!tpu.dma_semaphore, #tpu.memory_space<semaphore_mem>> -> memref<1x!tpu.dma_semaphore, #tpu.memory_space<semaphore_mem>>
    %dma_wait3A_145 = tpu.memref_squeeze %dma_wait3A_144 : memref<1x!tpu.dma_semaphore, #tpu.memory_space<semaphore_mem>> -> memref<!tpu.dma_semaphore, #tpu.memory_space<semaphore_mem>>
    tpu.wait_indirect_dma semaphore(%dma_wait3A_145 : memref<!tpu.dma_semaphore, #tpu.memory_space<semaphore_mem>>) src(%dma_wait3A_140 : memref<128x128xf32, #tpu.memory_space<vmem>>) dst(%dma_wait3A_143 : memref<10008x128xf32, #tpu.memory_space<vmem_shared>>)
    %dma_wait3A_146 = arith.constant 1 : i32
    %dma_wait3A_147 = arith.constant 1 : i32
    %dma_wait3A_148 = arith.constant 0 : i32
    %dma_wait3A_149 = arith.constant 0 : i32
    %dma_wait3A_150 = tpu.memref_slice %arg10[%dma_wait3A_146, %dma_wait3A_148, %dma_wait3A_149] : memref<2x128x128xf32, #tpu.memory_space<vmem>> -> memref<1x128x128xf32, #tpu.memory_space<vmem>>
    %dma_wait3A_151 = tpu.memref_squeeze %dma_wait3A_150 : memref<1x128x128xf32, #tpu.memory_space<vmem>> -> memref<128x128xf32, #tpu.memory_space<vmem>>
    %dma_wait3A_152 = arith.constant 0 : i32
    %dma_wait3A_153 = arith.constant 0 : i32
    %dma_wait3A_154 = tpu.memref_slice %arg11[%dma_wait3A_152, %dma_wait3A_153] : memref<10008x128xf32, #tpu.memory_space<vmem_shared>> -> memref<10008x128xf32, #tpu.memory_space<vmem_shared>>
    %dma_wait3A_155 = tpu.memref_slice %arg14[%dma_wait3A_147] : memref<2x!tpu.dma_semaphore, #tpu.memory_space<semaphore_mem>> -> memref<1x!tpu.dma_semaphore, #tpu.memory_space<semaphore_mem>>
    %dma_wait3A_156 = tpu.memref_squeeze %dma_wait3A_155 : memref<1x!tpu.dma_semaphore, #tpu.memory_space<semaphore_mem>> -> memref<!tpu.dma_semaphore, #tpu.memory_space<semaphore_mem>>
    tpu.wait_indirect_dma semaphore(%dma_wait3A_156 : memref<!tpu.dma_semaphore, #tpu.memory_space<semaphore_mem>>) src(%dma_wait3A_151 : memref<128x128xf32, #tpu.memory_space<vmem>>) dst(%dma_wait3A_154 : memref<10008x128xf32, #tpu.memory_space<vmem_shared>>)
    %barrier3A_157 = arith.constant 0 : index
    tpu.barrier barrier_id(%barrier3A_157)
    %mul3A_158 = arith.constant 624 : i32
    %mul3A_159 = arith.muli %arg1, %mul3A_158 : i32
    %mul3A_160 = arith.constant 624 : i32
    %mul3A_161 = arith.muli %arg1, %mul3A_160 : i32
    "tpu.region"() ({
      %run_scoped3A = tpu.sem_alloc : memref<!tpu.dma_semaphore, #tpu.memory_space<semaphore_mem>>
      %dma_start3A_167 = arith.constant 0 : i32
      %dma_start3A_168 = tpu.memref_slice %arg6[%arg0, %mul3A_161, %dma_start3A_167] : memref<2x10000x128xf32, #tpu.memory_space<hbm>> -> memref<1x624x128xf32, #tpu.memory_space<hbm>>
      %dma_start3A_169 = tpu.memref_squeeze %dma_start3A_168 : memref<1x624x128xf32, #tpu.memory_space<hbm>> -> memref<624x128xf32, #tpu.memory_space<hbm>>
      %dma_start3A_170 = arith.constant 0 : i32
      %dma_start3A_171 = tpu.memref_slice %arg11[%mul3A_159, %dma_start3A_170] : memref<10008x128xf32, #tpu.memory_space<vmem_shared>> -> memref<624x128xf32, #tpu.memory_space<vmem_shared>>
      tpu.enqueue_dma source(%dma_start3A_171 : memref<624x128xf32, #tpu.memory_space<vmem_shared>>) target(%dma_start3A_169 : memref<624x128xf32, #tpu.memory_space<hbm>>) target_semaphore(%run_scoped3A : memref<!tpu.dma_semaphore, #tpu.memory_space<semaphore_mem>>)
      %dma_wait3A_172 = arith.constant 0 : i32
      %dma_wait3A_173 = tpu.memref_slice %arg6[%arg0, %mul3A_161, %dma_wait3A_172] : memref<2x10000x128xf32, #tpu.memory_space<hbm>> -> memref<1x624x128xf32, #tpu.memory_space<hbm>>
      %dma_wait3A_174 = tpu.memref_squeeze %dma_wait3A_173 : memref<1x624x128xf32, #tpu.memory_space<hbm>> -> memref<624x128xf32, #tpu.memory_space<hbm>>
      %dma_wait3A_175 = arith.constant 0 : i32
      %dma_wait3A_176 = tpu.memref_slice %arg11[%mul3A_159, %dma_wait3A_175] : memref<10008x128xf32, #tpu.memory_space<vmem_shared>> -> memref<624x128xf32, #tpu.memory_space<vmem_shared>>
      tpu.wait_dma2 semaphore(%run_scoped3A : memref<!tpu.dma_semaphore, #tpu.memory_space<semaphore_mem>>) src(%dma_wait3A_176 : memref<624x128xf32, #tpu.memory_space<vmem_shared>>) dst(%dma_wait3A_174 : memref<624x128xf32, #tpu.memory_space<hbm>>)
      tpu.yield
    }) : () -> ()
    %eq3A_162 = arith.constant 0 : i32
    %eq3A_163 = arith.cmpi eq, %arg1, %eq3A_162 : i32
    %convert_element_type3A_164 = arith.extui %eq3A_163 : i1 to i32
    %cond3A_165 = arith.constant 0 : i32
    %cond3A_166 = arith.cmpi ne, %convert_element_type3A_164, %cond3A_165 : i32
    scf.if %cond3A_166 {
      "tpu.region"() ({
        %run_scoped3A = tpu.sem_alloc : memref<!tpu.dma_semaphore, #tpu.memory_space<semaphore_mem>>
        %dma_start3A_167 = arith.constant 9984 : i32
        %dma_start3A_168 = arith.constant 0 : i32
        %dma_start3A_169 = tpu.memref_slice %arg6[%arg0, %dma_start3A_167, %dma_start3A_168] : memref<2x10000x128xf32, #tpu.memory_space<hbm>> -> memref<1x16x128xf32, #tpu.memory_space<hbm>>
        %dma_start3A_170 = tpu.memref_squeeze %dma_start3A_169 : memref<1x16x128xf32, #tpu.memory_space<hbm>> -> memref<16x128xf32, #tpu.memory_space<hbm>>
        %dma_start3A_171 = arith.constant 9984 : i32
        %dma_start3A_172 = arith.constant 0 : i32
        %dma_start3A_173 = tpu.memref_slice %arg11[%dma_start3A_171, %dma_start3A_172] : memref<10008x128xf32, #tpu.memory_space<vmem_shared>> -> memref<16x128xf32, #tpu.memory_space<vmem_shared>>
        tpu.enqueue_dma source(%dma_start3A_173 : memref<16x128xf32, #tpu.memory_space<vmem_shared>>) target(%dma_start3A_170 : memref<16x128xf32, #tpu.memory_space<hbm>>) target_semaphore(%run_scoped3A : memref<!tpu.dma_semaphore, #tpu.memory_space<semaphore_mem>>)
        %dma_wait3A_174 = arith.constant 9984 : i32
        %dma_wait3A_175 = arith.constant 0 : i32
        %dma_wait3A_176 = tpu.memref_slice %arg6[%arg0, %dma_wait3A_174, %dma_wait3A_175] : memref<2x10000x128xf32, #tpu.memory_space<hbm>> -> memref<1x16x128xf32, #tpu.memory_space<hbm>>
        %dma_wait3A_177 = tpu.memref_squeeze %dma_wait3A_176 : memref<1x16x128xf32, #tpu.memory_space<hbm>> -> memref<16x128xf32, #tpu.memory_space<hbm>>
        %dma_wait3A_178 = arith.constant 9984 : i32
        %dma_wait3A_179 = arith.constant 0 : i32
        %dma_wait3A_180 = tpu.memref_slice %arg11[%dma_wait3A_178, %dma_wait3A_179] : memref<10008x128xf32, #tpu.memory_space<vmem_shared>> -> memref<16x128xf32, #tpu.memory_space<vmem_shared>>
        tpu.wait_dma2 semaphore(%run_scoped3A : memref<!tpu.dma_semaphore, #tpu.memory_space<semaphore_mem>>) src(%dma_wait3A_180 : memref<16x128xf32, #tpu.memory_space<vmem_shared>>) dst(%dma_wait3A_177 : memref<16x128xf32, #tpu.memory_space<hbm>>)
        tpu.yield
      }) : () -> ()
    } else {
    }
    return
  }
}

module attributes {stable_mosaic.version = 14 : i64} {
  func.func @body(%arg0: i32, %arg1: memref<1000x128xf32, #tpu.memory_space<vmem>>, %arg2: memref<1000x128xf32, #tpu.memory_space<vmem>>, %arg3: memref<1000x128xf32, #tpu.memory_space<vmem>>, %arg4: memref<1000x128xf32, #tpu.memory_space<vmem>>, %arg5: memref<1000x128xf32, #tpu.memory_space<vmem>>, %arg6: memref<128x128xf32, #tpu.memory_space<vmem>>, %arg7: memref<128x128xf32, #tpu.memory_space<vmem>>, %arg8: memref<1x128xf32, #tpu.memory_space<vmem>>, %arg9: memref<1000x128xf32, #tpu.memory_space<vmem>>, %arg10: memref<1000x1xf32, #tpu.memory_space<vmem>>) attributes {dimension_semantics = [#tpu.dimension_semantics<arbitrary>], iteration_bounds = array<i64: 10>, scalar_prefetch = 0 : i64, scratch_operands = 0 : i64, tpu.core_type = #tpu.core_type<tc>, window_params = [{transform_indices = @transform_0, window_bounds = array<i64: 1000, 128>}, {transform_indices = @transform_1, window_bounds = array<i64: 1000, 128>}, {transform_indices = @transform_2, window_bounds = array<i64: 1000, 128>}, {transform_indices = @transform_3, window_bounds = array<i64: 1000, 128>}, {transform_indices = @transform_4, window_bounds = array<i64: 1000, 128>}, {pipeline_mode = #tpu.pipeline_mode<synchronous>, transform_indices = @transform_5, window_bounds = array<i64: 128, 128>}, {pipeline_mode = #tpu.pipeline_mode<synchronous>, transform_indices = @transform_6, window_bounds = array<i64: 128, 128>}, {pipeline_mode = #tpu.pipeline_mode<synchronous>, transform_indices = @transform_7, window_bounds = array<i64: 1, 128>}, {transform_indices = @transform_8, window_bounds = array<i64: 1000, 128>}, {transform_indices = @transform_9, window_bounds = array<i64: 1000, 1>}]} {
    %get3A = arith.constant 0 : index
    %get3A_0 = arith.constant 0 : index
    %get3A_1 = vector.load %arg4[%get3A, %get3A_0] : memref<1000x128xf32, #tpu.memory_space<vmem>>, vector<1000x128xf32>
    %slice3A = vector.extract_strided_slice %get3A_1 {offsets = [0, 0], sizes = [1000, 1], strides = [1, 1]} : vector<1000x128xf32> to vector<1000x1xf32>
    %get3A_2 = arith.constant 0 : index
    %get3A_3 = arith.constant 0 : index
    %get3A_4 = vector.load %arg5[%get3A_2, %get3A_3] : memref<1000x128xf32, #tpu.memory_space<vmem>>, vector<1000x128xf32>
    %slice3A_5 = vector.extract_strided_slice %get3A_4 {offsets = [0, 0], sizes = [1000, 1], strides = [1, 1]} : vector<1000x128xf32> to vector<1000x1xf32>
    %add3A = arith.addf %slice3A, %slice3A_5 : vector<1000x1xf32>
    %max3A = arith.constant 1.000000e+00 : f32
    %max3A_6 = vector.broadcast %max3A : f32 to vector<1000x1xf32>
    %max3A_7 = arith.maximumf %add3A, %max3A_6 : vector<1000x1xf32>
    %div3A = arith.constant 1.000000e+00 : f32
    %div3A_8 = vector.broadcast %div3A : f32 to vector<1000x1xf32>
    %div3A_9 = arith.divf %div3A_8, %max3A_7 : vector<1000x1xf32>
    %swap3A = arith.constant 0 : index
    %swap3A_10 = arith.constant 0 : index
    %swap3A_11 = vector.load %arg10[%swap3A, %swap3A_10] : memref<1000x1xf32, #tpu.memory_space<vmem>>, vector<1000x1xf32>
    tpu.vector_store %arg10[%swap3A, %swap3A_10], %div3A_9 {strides = array<i32>} : memref<1000x1xf32, #tpu.memory_space<vmem>>, vector<1000x1xf32>,
    %get3A_12 = arith.constant 0 : index
    %get3A_13 = arith.constant 0 : index
    %get3A_14 = vector.load %arg2[%get3A_12, %get3A_13] : memref<1000x128xf32, #tpu.memory_space<vmem>>, vector<1000x128xf32>
    %get3A_15 = arith.constant 0 : index
    %get3A_16 = arith.constant 0 : index
    %get3A_17 = vector.load %arg3[%get3A_15, %get3A_16] : memref<1000x128xf32, #tpu.memory_space<vmem>>, vector<1000x128xf32>
    %add3A_18 = arith.addf %get3A_14, %get3A_17 : vector<1000x128xf32>
    %mul3A = vector.broadcast %div3A_9 : vector<1000x1xf32> to vector<1000x128xf32>
    %mul3A_19 = arith.mulf %add3A_18, %mul3A : vector<1000x128xf32>
    %get3A_20 = arith.constant 0 : index
    %get3A_21 = arith.constant 0 : index
    %get3A_22 = vector.load %arg1[%get3A_20, %get3A_21] : memref<1000x128xf32, #tpu.memory_space<vmem>>, vector<1000x128xf32>
    %get3A_23 = arith.constant 0 : index
    %get3A_24 = arith.constant 0 : index
    %get3A_25 = vector.load %arg6[%get3A_23, %get3A_24] : memref<128x128xf32, #tpu.memory_space<vmem>>, vector<128x128xf32>
    %dot_general3A = arith.constant dense<0.000000e+00> : vector<1000x128xf32>
    %dot_general3A_26 = tpu.matmul %get3A_22, %get3A_25, %dot_general3A {dimension_numbers = #tpu.dot_dimension_numbers<[1], [0], [0], [1], [0, 0, 1, 1], [], []>, transpose_lhs_hint = false} : vector<1000x128xf32>, vector<128x128xf32>, vector<1000x128xf32> -> vector<1000x128xf32>
    %get3A_27 = arith.constant 0 : index
    %get3A_28 = arith.constant 0 : index
    %get3A_29 = vector.load %arg7[%get3A_27, %get3A_28] : memref<128x128xf32, #tpu.memory_space<vmem>>, vector<128x128xf32>
    %dot_general3A_30 = arith.constant dense<0.000000e+00> : vector<1000x128xf32>
    %dot_general3A_31 = tpu.matmul %mul3A_19, %get3A_29, %dot_general3A_30 {dimension_numbers = #tpu.dot_dimension_numbers<[1], [0], [0], [1], [0, 0, 1, 1], [], []>, transpose_lhs_hint = false} : vector<1000x128xf32>, vector<128x128xf32>, vector<1000x128xf32> -> vector<1000x128xf32>
    %add3A_32 = arith.addf %dot_general3A_26, %dot_general3A_31 : vector<1000x128xf32>
    %get3A_33 = arith.constant 0 : index
    %get3A_34 = arith.constant 0 : index
    %get3A_35 = vector.load %arg8[%get3A_33, %get3A_34] : memref<1x128xf32, #tpu.memory_space<vmem>>, vector<1x128xf32>
    %add3A_36 = vector.broadcast %get3A_35 : vector<1x128xf32> to vector<1000x128xf32>
    %add3A_37 = arith.addf %add3A_32, %add3A_36 : vector<1000x128xf32>
    %max3A_38 = arith.constant 0.000000e+00 : f32
    %max3A_39 = vector.broadcast %max3A_38 : f32 to vector<1000x128xf32>
    %max3A_40 = arith.maximumf %add3A_37, %max3A_39 : vector<1000x128xf32>
    %swap3A_41 = arith.constant 0 : index
    %swap3A_42 = arith.constant 0 : index
    %swap3A_43 = vector.load %arg9[%swap3A_41, %swap3A_42] : memref<1000x128xf32, #tpu.memory_space<vmem>>, vector<1000x128xf32>
    tpu.vector_store %arg9[%swap3A_41, %swap3A_42], %max3A_40 {strides = array<i32>} : memref<1000x128xf32, #tpu.memory_space<vmem>>, vector<1000x128xf32>,
    return
  }
  func.func @transform_0(%arg0: i32) -> (i32, i32) {
    %c0_i32 = arith.constant 0 : i32
    %c0_i32_0 = arith.constant 0 : i32
    return %arg0, %c0_i32 : i32, i32
  }
  func.func @transform_1(%arg0: i32) -> (i32, i32) {
    %c0_i32 = arith.constant 0 : i32
    %c0_i32_0 = arith.constant 0 : i32
    return %arg0, %c0_i32 : i32, i32
  }
  func.func @transform_2(%arg0: i32) -> (i32, i32) {
    %c0_i32 = arith.constant 0 : i32
    %c0_i32_0 = arith.constant 0 : i32
    return %arg0, %c0_i32 : i32, i32
  }
  func.func @transform_3(%arg0: i32) -> (i32, i32) {
    %c0_i32 = arith.constant 0 : i32
    %c0_i32_0 = arith.constant 0 : i32
    return %arg0, %c0_i32 : i32, i32
  }
  func.func @transform_4(%arg0: i32) -> (i32, i32) {
    %c0_i32 = arith.constant 0 : i32
    %c0_i32_0 = arith.constant 0 : i32
    return %arg0, %c0_i32 : i32, i32
  }
  func.func @transform_5(%arg0: i32) -> (i32, i32) {
    %c0_i32 = arith.constant 0 : i32
    %c0_i32_0 = arith.constant 0 : i32
    %c0_i32_1 = arith.constant 0 : i32
    return %c0_i32, %c0_i32_0 : i32, i32
  }
  func.func @transform_6(%arg0: i32) -> (i32, i32) {
    %c0_i32 = arith.constant 0 : i32
    %c0_i32_0 = arith.constant 0 : i32
    %c0_i32_1 = arith.constant 0 : i32
    return %c0_i32, %c0_i32_0 : i32, i32
  }
  func.func @transform_7(%arg0: i32) -> (i32, i32) {
    %c0_i32 = arith.constant 0 : i32
    %c0_i32_0 = arith.constant 0 : i32
    %c0_i32_1 = arith.constant 0 : i32
    return %c0_i32, %c0_i32_0 : i32, i32
  }
  func.func @transform_8(%arg0: i32) -> (i32, i32) {
    %c0_i32 = arith.constant 0 : i32
    %c0_i32_0 = arith.constant 0 : i32
    return %arg0, %c0_i32 : i32, i32
  }
  func.func @transform_9(%arg0: i32) -> (i32, i32) {
    %c0_i32 = arith.constant 0 : i32
    %c0_i32_0 = arith.constant 0 : i32
    return %arg0, %c0_i32 : i32, i32
  }
}

module attributes {stable_mosaic.version = 14 : i64} {
  func.func @body(%arg0: i32, %arg1: memref<1000x128xf32, #tpu.memory_space<vmem>>, %arg2: memref<1000x128xf32, #tpu.memory_space<vmem>>, %arg3: memref<1000x128xf32, #tpu.memory_space<vmem>>, %arg4: memref<1000x1xf32, #tpu.memory_space<vmem>>, %arg5: memref<128x128xf32, #tpu.memory_space<vmem>>, %arg6: memref<128x128xf32, #tpu.memory_space<vmem>>, %arg7: memref<1x128xf32, #tpu.memory_space<vmem>>, %arg8: memref<1000x128xf32, #tpu.memory_space<vmem>>) attributes {dimension_semantics = [#tpu.dimension_semantics<arbitrary>], iteration_bounds = array<i64: 10>, scalar_prefetch = 0 : i64, scratch_operands = 0 : i64, tpu.core_type = #tpu.core_type<tc>, window_params = [{transform_indices = @transform_0, window_bounds = array<i64: 1000, 128>}, {transform_indices = @transform_1, window_bounds = array<i64: 1000, 128>}, {transform_indices = @transform_2, window_bounds = array<i64: 1000, 128>}, {transform_indices = @transform_3, window_bounds = array<i64: 1000, 1>}, {pipeline_mode = #tpu.pipeline_mode<synchronous>, transform_indices = @transform_4, window_bounds = array<i64: 128, 128>}, {pipeline_mode = #tpu.pipeline_mode<synchronous>, transform_indices = @transform_5, window_bounds = array<i64: 128, 128>}, {pipeline_mode = #tpu.pipeline_mode<synchronous>, transform_indices = @transform_6, window_bounds = array<i64: 1, 128>}, {transform_indices = @transform_7, window_bounds = array<i64: 1000, 128>}]} {
    %get3A = arith.constant 0 : index
    %get3A_0 = arith.constant 0 : index
    %get3A_1 = vector.load %arg2[%get3A, %get3A_0] : memref<1000x128xf32, #tpu.memory_space<vmem>>, vector<1000x128xf32>
    %get3A_2 = arith.constant 0 : index
    %get3A_3 = arith.constant 0 : index
    %get3A_4 = vector.load %arg3[%get3A_2, %get3A_3] : memref<1000x128xf32, #tpu.memory_space<vmem>>, vector<1000x128xf32>
    %add3A = arith.addf %get3A_1, %get3A_4 : vector<1000x128xf32>
    %get3A_5 = arith.constant 0 : index
    %get3A_6 = arith.constant 0 : index
    %get3A_7 = vector.load %arg4[%get3A_5, %get3A_6] : memref<1000x1xf32, #tpu.memory_space<vmem>>, vector<1000x1xf32>
    %mul3A = vector.broadcast %get3A_7 : vector<1000x1xf32> to vector<1000x128xf32>
    %mul3A_8 = arith.mulf %add3A, %mul3A : vector<1000x128xf32>
    %get3A_9 = arith.constant 0 : index
    %get3A_10 = arith.constant 0 : index
    %get3A_11 = vector.load %arg1[%get3A_9, %get3A_10] : memref<1000x128xf32, #tpu.memory_space<vmem>>, vector<1000x128xf32>
    %get3A_12 = arith.constant 0 : index
    %get3A_13 = arith.constant 0 : index
    %get3A_14 = vector.load %arg5[%get3A_12, %get3A_13] : memref<128x128xf32, #tpu.memory_space<vmem>>, vector<128x128xf32>
    %dot_general3A = arith.constant dense<0.000000e+00> : vector<1000x128xf32>
    %dot_general3A_15 = tpu.matmul %get3A_11, %get3A_14, %dot_general3A {dimension_numbers = #tpu.dot_dimension_numbers<[1], [0], [0], [1], [0, 0, 1, 1], [], []>, transpose_lhs_hint = false} : vector<1000x128xf32>, vector<128x128xf32>, vector<1000x128xf32> -> vector<1000x128xf32>
    %get3A_16 = arith.constant 0 : index
    %get3A_17 = arith.constant 0 : index
    %get3A_18 = vector.load %arg6[%get3A_16, %get3A_17] : memref<128x128xf32, #tpu.memory_space<vmem>>, vector<128x128xf32>
    %dot_general3A_19 = arith.constant dense<0.000000e+00> : vector<1000x128xf32>
    %dot_general3A_20 = tpu.matmul %mul3A_8, %get3A_18, %dot_general3A_19 {dimension_numbers = #tpu.dot_dimension_numbers<[1], [0], [0], [1], [0, 0, 1, 1], [], []>, transpose_lhs_hint = false} : vector<1000x128xf32>, vector<128x128xf32>, vector<1000x128xf32> -> vector<1000x128xf32>
    %add3A_21 = arith.addf %dot_general3A_15, %dot_general3A_20 : vector<1000x128xf32>
    %get3A_22 = arith.constant 0 : index
    %get3A_23 = arith.constant 0 : index
    %get3A_24 = vector.load %arg7[%get3A_22, %get3A_23] : memref<1x128xf32, #tpu.memory_space<vmem>>, vector<1x128xf32>
    %add3A_25 = vector.broadcast %get3A_24 : vector<1x128xf32> to vector<1000x128xf32>
    %add3A_26 = arith.addf %add3A_21, %add3A_25 : vector<1000x128xf32>
    %max3A = arith.constant 0.000000e+00 : f32
    %max3A_27 = vector.broadcast %max3A : f32 to vector<1000x128xf32>
    %max3A_28 = arith.maximumf %add3A_26, %max3A_27 : vector<1000x128xf32>
    %swap3A = arith.constant 0 : index
    %swap3A_29 = arith.constant 0 : index
    %swap3A_30 = vector.load %arg8[%swap3A, %swap3A_29] : memref<1000x128xf32, #tpu.memory_space<vmem>>, vector<1000x128xf32>
    tpu.vector_store %arg8[%swap3A, %swap3A_29], %max3A_28 {strides = array<i32>} : memref<1000x128xf32, #tpu.memory_space<vmem>>, vector<1000x128xf32>,
    return
  }
  func.func @transform_0(%arg0: i32) -> (i32, i32) {
    %c0_i32 = arith.constant 0 : i32
    %c0_i32_0 = arith.constant 0 : i32
    return %arg0, %c0_i32 : i32, i32
  }
  func.func @transform_1(%arg0: i32) -> (i32, i32) {
    %c0_i32 = arith.constant 0 : i32
    %c0_i32_0 = arith.constant 0 : i32
    return %arg0, %c0_i32 : i32, i32
  }
  func.func @transform_2(%arg0: i32) -> (i32, i32) {
    %c0_i32 = arith.constant 0 : i32
    %c0_i32_0 = arith.constant 0 : i32
    return %arg0, %c0_i32 : i32, i32
  }
  func.func @transform_3(%arg0: i32) -> (i32, i32) {
    %c0_i32 = arith.constant 0 : i32
    %c0_i32_0 = arith.constant 0 : i32
    return %arg0, %c0_i32 : i32, i32
  }
  func.func @transform_4(%arg0: i32) -> (i32, i32) {
    %c0_i32 = arith.constant 0 : i32
    %c0_i32_0 = arith.constant 0 : i32
    %c0_i32_1 = arith.constant 0 : i32
    return %c0_i32, %c0_i32_0 : i32, i32
  }
  func.func @transform_5(%arg0: i32) -> (i32, i32) {
    %c0_i32 = arith.constant 0 : i32
    %c0_i32_0 = arith.constant 0 : i32
    %c0_i32_1 = arith.constant 0 : i32
    return %c0_i32, %c0_i32_0 : i32, i32
  }
  func.func @transform_6(%arg0: i32) -> (i32, i32) {
    %c0_i32 = arith.constant 0 : i32
    %c0_i32_0 = arith.constant 0 : i32
    %c0_i32_1 = arith.constant 0 : i32
    return %c0_i32, %c0_i32_0 : i32, i32
  }
  func.func @transform_7(%arg0: i32) -> (i32, i32) {
    %c0_i32 = arith.constant 0 : i32
    %c0_i32_0 = arith.constant 0 : i32
    return %arg0, %c0_i32 : i32, i32
  }
}

module attributes {stable_mosaic.version = 14 : i64} {
  func.func @body(%arg0: i32, %arg1: memref<1000x128xf32, #tpu.memory_space<vmem>>, %arg2: memref<1000x128xf32, #tpu.memory_space<vmem>>, %arg3: memref<1000x128xf32, #tpu.memory_space<vmem>>, %arg4: memref<1000x1xf32, #tpu.memory_space<vmem>>, %arg5: memref<128x128xf32, #tpu.memory_space<vmem>>, %arg6: memref<128x128xf32, #tpu.memory_space<vmem>>, %arg7: memref<1x128xf32, #tpu.memory_space<vmem>>, %arg8: memref<1000x128xf32, #tpu.memory_space<vmem>>) attributes {dimension_semantics = [#tpu.dimension_semantics<arbitrary>], iteration_bounds = array<i64: 10>, scalar_prefetch = 0 : i64, scratch_operands = 0 : i64, tpu.core_type = #tpu.core_type<tc>, window_params = [{transform_indices = @transform_0, window_bounds = array<i64: 1000, 128>}, {transform_indices = @transform_1, window_bounds = array<i64: 1000, 128>}, {transform_indices = @transform_2, window_bounds = array<i64: 1000, 128>}, {transform_indices = @transform_3, window_bounds = array<i64: 1000, 1>}, {pipeline_mode = #tpu.pipeline_mode<synchronous>, transform_indices = @transform_4, window_bounds = array<i64: 128, 128>}, {pipeline_mode = #tpu.pipeline_mode<synchronous>, transform_indices = @transform_5, window_bounds = array<i64: 128, 128>}, {pipeline_mode = #tpu.pipeline_mode<synchronous>, transform_indices = @transform_6, window_bounds = array<i64: 1, 128>}, {transform_indices = @transform_7, window_bounds = array<i64: 1000, 128>}]} {
    %get3A = arith.constant 0 : index
    %get3A_0 = arith.constant 0 : index
    %get3A_1 = vector.load %arg2[%get3A, %get3A_0] : memref<1000x128xf32, #tpu.memory_space<vmem>>, vector<1000x128xf32>
    %get3A_2 = arith.constant 0 : index
    %get3A_3 = arith.constant 0 : index
    %get3A_4 = vector.load %arg3[%get3A_2, %get3A_3] : memref<1000x128xf32, #tpu.memory_space<vmem>>, vector<1000x128xf32>
    %add3A = arith.addf %get3A_1, %get3A_4 : vector<1000x128xf32>
    %get3A_5 = arith.constant 0 : index
    %get3A_6 = arith.constant 0 : index
    %get3A_7 = vector.load %arg4[%get3A_5, %get3A_6] : memref<1000x1xf32, #tpu.memory_space<vmem>>, vector<1000x1xf32>
    %mul3A = vector.broadcast %get3A_7 : vector<1000x1xf32> to vector<1000x128xf32>
    %mul3A_8 = arith.mulf %add3A, %mul3A : vector<1000x128xf32>
    %get3A_9 = arith.constant 0 : index
    %get3A_10 = arith.constant 0 : index
    %get3A_11 = vector.load %arg1[%get3A_9, %get3A_10] : memref<1000x128xf32, #tpu.memory_space<vmem>>, vector<1000x128xf32>
    %get3A_12 = arith.constant 0 : index
    %get3A_13 = arith.constant 0 : index
    %get3A_14 = vector.load %arg5[%get3A_12, %get3A_13] : memref<128x128xf32, #tpu.memory_space<vmem>>, vector<128x128xf32>
    %dot_general3A = arith.constant dense<0.000000e+00> : vector<1000x128xf32>
    %dot_general3A_15 = tpu.matmul %get3A_11, %get3A_14, %dot_general3A {dimension_numbers = #tpu.dot_dimension_numbers<[1], [0], [0], [1], [0, 0, 1, 1], [], []>, transpose_lhs_hint = false} : vector<1000x128xf32>, vector<128x128xf32>, vector<1000x128xf32> -> vector<1000x128xf32>
    %get3A_16 = arith.constant 0 : index
    %get3A_17 = arith.constant 0 : index
    %get3A_18 = vector.load %arg6[%get3A_16, %get3A_17] : memref<128x128xf32, #tpu.memory_space<vmem>>, vector<128x128xf32>
    %dot_general3A_19 = arith.constant dense<0.000000e+00> : vector<1000x128xf32>
    %dot_general3A_20 = tpu.matmul %mul3A_8, %get3A_18, %dot_general3A_19 {dimension_numbers = #tpu.dot_dimension_numbers<[1], [0], [0], [1], [0, 0, 1, 1], [], []>, transpose_lhs_hint = false} : vector<1000x128xf32>, vector<128x128xf32>, vector<1000x128xf32> -> vector<1000x128xf32>
    %add3A_21 = arith.addf %dot_general3A_15, %dot_general3A_20 : vector<1000x128xf32>
    %get3A_22 = arith.constant 0 : index
    %get3A_23 = arith.constant 0 : index
    %get3A_24 = vector.load %arg7[%get3A_22, %get3A_23] : memref<1x128xf32, #tpu.memory_space<vmem>>, vector<1x128xf32>
    %add3A_25 = vector.broadcast %get3A_24 : vector<1x128xf32> to vector<1000x128xf32>
    %add3A_26 = arith.addf %add3A_21, %add3A_25 : vector<1000x128xf32>
    %swap3A = arith.constant 0 : index
    %swap3A_27 = arith.constant 0 : index
    %swap3A_28 = vector.load %arg8[%swap3A, %swap3A_27] : memref<1000x128xf32, #tpu.memory_space<vmem>>, vector<1000x128xf32>
    tpu.vector_store %arg8[%swap3A, %swap3A_27], %add3A_26 {strides = array<i32>} : memref<1000x128xf32, #tpu.memory_space<vmem>>, vector<1000x128xf32>,
    return
  }
  func.func @transform_0(%arg0: i32) -> (i32, i32) {
    %c0_i32 = arith.constant 0 : i32
    %c0_i32_0 = arith.constant 0 : i32
    return %arg0, %c0_i32 : i32, i32
  }
  func.func @transform_1(%arg0: i32) -> (i32, i32) {
    %c0_i32 = arith.constant 0 : i32
    %c0_i32_0 = arith.constant 0 : i32
    return %arg0, %c0_i32 : i32, i32
  }
  func.func @transform_2(%arg0: i32) -> (i32, i32) {
    %c0_i32 = arith.constant 0 : i32
    %c0_i32_0 = arith.constant 0 : i32
    return %arg0, %c0_i32 : i32, i32
  }
  func.func @transform_3(%arg0: i32) -> (i32, i32) {
    %c0_i32 = arith.constant 0 : i32
    %c0_i32_0 = arith.constant 0 : i32
    return %arg0, %c0_i32 : i32, i32
  }
  func.func @transform_4(%arg0: i32) -> (i32, i32) {
    %c0_i32 = arith.constant 0 : i32
    %c0_i32_0 = arith.constant 0 : i32
    %c0_i32_1 = arith.constant 0 : i32
    return %c0_i32, %c0_i32_0 : i32, i32
  }
  func.func @transform_5(%arg0: i32) -> (i32, i32) {
    %c0_i32 = arith.constant 0 : i32
    %c0_i32_0 = arith.constant 0 : i32
    %c0_i32_1 = arith.constant 0 : i32
    return %c0_i32, %c0_i32_0 : i32, i32
  }
  func.func @transform_6(%arg0: i32) -> (i32, i32) {
    %c0_i32 = arith.constant 0 : i32
    %c0_i32_0 = arith.constant 0 : i32
    %c0_i32_1 = arith.constant 0 : i32
    return %c0_i32, %c0_i32_0 : i32, i32
  }
  func.func @transform_7(%arg0: i32) -> (i32, i32) {
    %c0_i32 = arith.constant 0 : i32
    %c0_i32_0 = arith.constant 0 : i32
    return %arg0, %c0_i32 : i32, i32
  }
}

</mosaic_0001>

<sc_bundles>
// kernel: kernel.12.cloned.1.call-start
scs
__scs_entry_jumppad:
0x0: {  	(pc) =	sbr.rel $0x88, $3  }
0x1: {  	(tag) =	ssettag $0x0;
	lr =	simm.s32 $0x1  }
0x2: {  	[smem:$0x3F96] =	sst lr;
	_ =	strace $0xD0000000  }
0x3: {  	_ = 	snop  }
0x4: {  	_ = 	snop  }
0x5: {  	_ = 	snop  }
0x6: {  	_ = 	snop  }
0x7: {  	_ = 	snop  }
__scs_overlays_trampoline_lowered:
0x8: {  	[smem:$0x3FA5] =	sst s0  }
0x9: {  	[smem:$0x3FA6] =	sst s1  }
0xa: {  	[smem:$0x3FA7] =	sst s2  }
0xb: {  	[smem:$0x3FA8] =	sst s3  }
0xc: {  	[smem:$0x3FA9] =	sst s4  }
0xd: {  	[smem:$0x3FAA] =	sst s5  }
0xe: {  	[smem:$0x3FAB] =	sst s6  }
0xf: {  	[smem:$0x3FAC] =	sst s7  }
0x10: {  	[smem:$0x3FAD] =	sst s8  }
0x11: {  	[smem:$0x3FAE] =	sst s9;
	s0 =	simm.s32 @!p0 $0x0  }
0x12: {  	s1 =	sld [smem:$0x3F94];
	s0 =	simm.s32 @p0 $0x1  }
0x13: {  	[smem:$0x3FAF] =	sst s0;
	s0 =	simm.s32 @!p1 $0x0  }
0x14: {  	s2 =	sld [smem:$0x3F93];
	s0 =	simm.s32 @p1 $0x1  }
0x15: {  	[smem:$0x3FB0] =	sst s0;
	s0 =	simm.s32 @!p2 $0x0  }
0x16: {  	s3 =	sld [smem:$0x3FDB];
	s0 =	simm.s32 @p2 $0x1  }
0x17: {  	s4 =	simm.s32 $0x1BF5;
	[smem:$0x3FB2] =	sst s0  }
0x18: {  	s0 =	sld [smem:$0x3F95];
	_ =	swait.ge [sflag:s4], $0x0  }
0x19: {  	s7 =	sld [smem:$0x3F96]  }
0x1a: {  	s8 =	sadd.s32 $0xFFFFE003, lr  }
0x1b: {  	s9 =	sadd.s32 $0xFFFFFEF7, lr;
	s5 =	simm.s32 $0xFFFFFFFF;
	p2 =	slt.u32 s8, $0xFFFFF086  }
0x1c: {  	p1 =	slt.u32 s9, $0xF7A;
	s5 =	simm.s32 @!p2 $0x0  }
0x1d: {  	s5 =	simm.s32 @p1 $0x1;
	p0 =	seq.s32 s7, s2  }
0x1e: {  	s7 =	smul.u32 @!p0 $0xF7A, s2;
	p2 =	seq.s32 @!p0 s5, $0x0  }
0x1f: {  	s9 =	smul.u32 $0xF7A, s1;
	s8 =	simm.s32 @!p0 $0x1BF5;
	p2 =	por !p2, p0  }
0x20: {  	[sflag:s8] =	ssyncset.s32 @!p0 $0xFFFFF086;
	s6 =	sadd.s32 @!p0 s3, s7;
	s7 =	simm.s32 @!p0 $0x108  }
0x21: {  	s3 =	sadd.s32 s3, s9;
	s6 =	sadd.s32 @!p0 $0x88, s6;
	s7 =	simm.s32 @p2 $0x1082  }
0x22: {  	[simem:s7], [sflag:s8] =	dma.local @!p0 [hbm:s6], $0xF7A  }
0x23: {  	s9 =	sor.u32 $0xD0000000, s2;
	s6 =	simm.s32 $0x108;
	_ =	swait.ge @!p0 [sflag:s8], $0x0  }
0x24: {  	s3 =	sadd.s32 $0x88, s3;
	s6 =	simm.s32 @!p1 $0x1082;
	[sflag:s4] =	ssyncset.s32 $0xFFFFF086  }
0x25: {  	[simem:s6], [sflag:s4] =	dma.local [hbm:s3], $0xF7A  }
0x26: {  	[smem:$0x3F96] =	sst s1;
	(tag) =	ssettag s2;
	_ =	strace s9  }
0x27: {  	s1 =	sld [smem:$0x3FA6]  }
0x28: {  	s2 =	sld [smem:$0x3FA7]  }
0x29: {  	s4 =	sld [smem:$0x3FA9]  }
0x2a: {  	p0 =	seq.s32 s5, $0x0;
	s5 =	sld [smem:$0x3FAA]  }
0x2b: {  	s6 =	sld [smem:$0x3FAB]  }
0x2c: {  	s7 =	sld [smem:$0x3FAC]  }
0x2d: {  	s3 =	simm.s32 $0x108;
	s8 =	sld [smem:$0x3FAD]  }
0x2e: {  	s3 =	simm.s32 @!p0 $0x1082;
	s9 =	sld [smem:$0x3FAE]  }
0x2f: {  	lr =	sadd.s32 s0, s3;
	s0 =	sld [smem:$0x3FA5]  }
0x30: {  	s3 =	sld [smem:$0x3FA8]  }
0x31: {  	[smem:$0x3FB1] =	sst s10  }
0x32: {  	s10 =	sld [smem:$0x3FAF];
	_ =	sdelay $0x3  }
0x33: {  	p0 =	seq.s32 s10, $0x1;
	s10 =	sld [smem:$0x3FB1];
	_ =	sdelay $0x3  }
0x34: {  	[smem:$0x3FB1] =	sst s10  }
0x35: {  	s10 =	sld [smem:$0x3FB0];
	_ =	sdelay $0x3  }
0x36: {  	p1 =	seq.s32 s10, $0x1;
	s10 =	sld [smem:$0x3FB1];
	_ =	sdelay $0x3  }
0x37: {  	[smem:$0x3FB1] =	sst s10  }
0x38: {  	s10 =	sld [smem:$0x3FB2]  }
0x39: {  	_ = 	snop;
	(pc) =	sbr.ind lr, $3  }
0x3a: {  	_ = 	snop  }
0x3b: {  	_ = 	snop  }
0x3c: {  	p2 =	seq.s32 s10, $0x1;
	s10 =	sld [smem:$0x3FB1]  }
0x3d: {  	_ =	shalt  }
0x3e: {  	_ =	shalt  }
0x3f: {  	_ =	shalt  }
0x40: {  	_ =	shalt  }
0x41: {  	_ =	shalt  }
0x42: {  	_ =	shalt  }
0x43: {  	_ =	shalt  }
0x44: {  	_ =	shalt  }
0x45: {  	_ =	shalt  }
0x46: {  	_ =	shalt  }
0x47: {  	_ =	shalt  }
0x48: {  	_ =	shalt  }
0x49: {  	_ =	shalt  }
0x4a: {  	_ =	shalt  }
0x4b: {  	_ =	shalt  }
0x4c: {  	_ =	shalt  }
0x4d: {  	_ =	shalt  }
0x4e: {  	_ =	shalt  }
0x4f: {  	_ =	shalt  }
0x50: {  	_ =	shalt  }
0x51: {  	_ =	shalt  }
0x52: {  	_ =	shalt  }
0x53: {  	_ =	shalt  }
0x54: {  	_ =	shalt  }
0x55: {  	_ =	shalt  }
0x56: {  	_ =	shalt  }
0x57: {  	_ =	shalt  }
0x58: {  	_ =	shalt  }
0x59: {  	_ =	shalt  }
0x5a: {  	_ =	shalt  }
0x5b: {  	_ =	shalt  }
0x5c: {  	_ =	shalt  }
0x5d: {  	_ =	shalt  }
0x5e: {  	_ =	shalt  }
0x5f: {  	_ =	shalt  }
0x60: {  	_ =	shalt  }
0x61: {  	_ =	shalt  }
0x62: {  	_ =	shalt  }
0x63: {  	_ =	shalt  }
0x64: {  	_ =	shalt  }
0x65: {  	_ =	shalt  }
0x66: {  	_ =	shalt  }
0x67: {  	_ =	shalt  }
0x68: {  	_ =	shalt  }
0x69: {  	_ =	shalt  }
0x6a: {  	_ =	shalt  }
0x6b: {  	_ =	shalt  }
0x6c: {  	_ =	shalt  }
0x6d: {  	_ =	shalt  }
0x6e: {  	_ =	shalt  }
0x6f: {  	_ =	shalt  }
0x70: {  	_ =	shalt  }
0x71: {  	_ =	shalt  }
0x72: {  	_ =	shalt  }
0x73: {  	_ =	shalt  }
0x74: {  	_ =	shalt  }
0x75: {  	_ =	shalt  }
0x76: {  	_ =	shalt  }
0x77: {  	_ =	shalt  }
0x78: {  	_ =	shalt  }
0x79: {  	_ =	shalt  }
0x7a: {  	_ =	shalt  }
0x7b: {  	_ =	shalt  }
0x7c: {  	_ =	shalt  }
0x7d: {  	_ =	shalt  }
0x7e: {  	_ =	shalt  }
0x7f: {  	_ =	shalt  }
0x80: {  	_ =	shalt  }
0x81: {  	_ =	shalt  }
0x82: {  	_ =	shalt  }
0x83: {  	_ =	shalt  }
0x84: {  	_ =	shalt  }
0x85: {  	_ =	shalt  }
0x86: {  	_ =	shalt  }
0x87: {  	_ =	shalt  }
.Lfunc_end0:
.L_simem_size_0:
called_computation.1_lowered:
.L_overlay_start_0:
0x88: {  	s2 =	sld [smem:$0x3FD9]  }
0x89: {  	s3 =	sld [smem:$0x3FFE];
	_ =	sdelay $0x1  }
0x8a: {  	s1 =	srdreg.scid  }
0x8b: {  	s0 =	sand.u32 $0x1, s1  }
0x8c: {  	s17 =	sshll.u32 s0, $0xA;
	s2 =	sadd.s32 s3, s2  }
0x8d: {  	s2 =	sadd.s32 s2, s17  }
0x8e: {  	[smem:$0x3FBD] =	sst s2  }
0x8f: {  	_ = 	snop  }
0x90: {  	s2 =	sld [smem:$0x3FC9];
	(tm) =	ssettm $0x1  }
0x91: {  	s18 =	sld [smem:$0x3FFB];
	_ =	sdelay $0x3  }
0x92: {  	_ =	strace s18  }
0x93: {  	s3 =	sld [smem:$0x3FFC];
	_ =	sdelay $0x3  }
0x94: {  	_ =	strace s3  }
0x95: {  	s3 =	sld [smem:$0x3FFD];
	_ =	sdelay $0x3  }
0x96: {  	_ =	strace s3  }
0x97: {  	_ =	strace $0x8FFFFFFF  }
0x98: {  	s19 =	sld [smem:$0x3FDB];
	_ =	sdelay $0x1  }
0x99: {  	s4 =	simm.s32 $_scs_section_size  }
0x9a: {  	s5 =	simm.s32 $_size__tile_overlayer_lowered;
	s6 =	simm.s32 $_tile_overlayer_lowered  }
0x9b: {  	s22 =	simm.s32 $0x1BFF;
	s21 =	sshll.u32 s6, $0x1;
	s3 =	sadd.s32 s4, s19  }
0x9c: {  	s7 =	simm.s32 $0x0;
	s20 =	sshll.u32 s5, $0x1;
	s5 =	sadd.s32 s21, s3  }
0x9d: {  	[timem:s7], [sflag:s22] =	dma.local [hbm:s5], s20  }
0x9e: {  	_ =	swait.ge [sflag:s22], s20  }
0x9f: {  	s4 =	ssub.s32 $0x0, s20;
	[sflag:s22] =	ssyncset.done $0x0  }
0xa0: {  	[sflag:s22] =	ssyncadd.s32 s4;
	_ =	sdelay $0x1  }
0xa1: {  	s23 =	simm.s32 $0x1B8B  }
0xa2: {  	_ =	swait.ge [sflag:s23], $0x1  }
0xa3: {  	[sflag:s23] =	ssyncset.done $0x0  }
0xa4: {  	s25 =	simm.s32 $0x1B8E;
	s24 =	sld [smem:$0x3FFE];
	[sflag:s23] =	ssyncadd.s32 $0xFFFFFFFF  }
0xa5: {  	s26 =	simm.s32 $execute0_lowered;
	[smem:$0x3FD2] =	sst s25  }
0xa6: {  	s5 =	sshll.u32 s26, $0x1;
	_ =	strace $0x80000046;
	[dreg:$0x1] =	wrdreg $0xFFFFFFFF  }
0xa7: {  	s28 =	simm.s32 $_size_execute0_lowered;
	s3 =	sadd.s32 s3, s5;
	[dreg:$0x0] =	wrdreg $0x0  }
0xa8: {  	s5 =	sshll.u32 s28, $0x1;
	[dreg:$0x2] =	wrdreg s3  }
0xa9: {  	[dreg:$0x3] =	wrdreg s5  }
0xaa: {  	[dreg:$0x4] =	wrdreg $0xC0  }
0xab: {  	_ =	task [dreg:s7], $0x5FFFF  }
0xac: {  	[dreg:$0x1] =	wrdreg $0xFFFFFFFF  }
0xad: {  	[dreg:$0x0] =	wrdreg $0x60  }
0xae: {  	[dreg:$0x2] =	wrdreg s2  }
0xaf: {  	[dreg:$0x3] =	wrdreg s24  }
0xb0: {  	[dreg:$0x4] =	wrdreg $0xA9000  }
0xb1: {  	[dreg:$0x5] =	wrdreg $0xA  }
0xb2: {  	_ =	task.clear_ibuf [dreg:s7], $0x6FFFF;
	_ =	strace $0x90000046  }
0xb3: {  	s29 =	simm.s32 $0xA;
	_ =	strace $0x80000048  }
0xb4: {  	_ =	swait.ge [sflag:s29], $0x1  }
0xb5: {  	[sflag:s29] =	ssyncadd.s32 $0xFFFFFFFF  }
0xb6: {  	_ =	strace $0x90000048  }
0xb7: {  	_ =	sfence  }
0xb8: {  	s30 =	sld [smem:$0x0];
	_ =	sdelay $0x2  }
0xb9: {  	s31 =	sshll.u32 s1, $0xD;
	s1 =	sshrl.u32 s1, $0x2  }
0xba: {  	s3 =	sand.u32 $0x4000, s31;
	s1 =	sadd.s32 s1, s30  }
0xbb: {  	s0 =	sor.u32 s3, s0;
	s1 =	sshll.u32 s1, $0x11  }
0xbc: {  	s0 =	sor.u32 s1, s0  }
0xbd: {  	s0 =	sadd.s32 $0x8F2B, s0  }
0xbe: {  	[sflag:s0] =	ssyncadd.remote.s32 $0x1  }
0xbf: {  	_ =	sfence.sel $0xFFFF  }
0xc0: {  	[dreg:$0x0] =	wrdreg $0xFFFFFFFF;
	(pc) =	sbr.abs _section_cstart, $3  }
0xc1: {  	[dreg:$0x1] =	wrdreg $0xFFFFFFFF  }
0xc2: {  	_ =	task.clear_ibuf [dreg:s7], $0x2FFFF;
	_ =	strace $0x9FFFFFFF  }
0xc3: {  	(tm) =	ssettm $0x7FFFFFFF  }
tec
execute0_lowered:
.L_overlay_start_1:
0x0: {  	(tag) =	ssettag $0x1  }
0x1: {  	s0 =	rddreg [dreg:$0x0]  }
0x2: {  	s1 =	srdreg.scid;
	s6 =	rddreg [dreg:$0x1]  }
0x3: {  	s14 =	stileid.u32;
	s2 =	rddreg [dreg:$0x2];
	s17 =	simm.s32 $0x2800  }
0x4: {  	s28 =	simm.s32 $0x6;
	s29 =	simm.s32 $0x0;
	s10 =	smul.u32 $0x4E000, s14  }
0x5: {  	s1 =	sand.u32 $0x1, s1;
	s5 =	sadd.s32 $0x18600, s6;
	s20 =	smul.u32 $0x13800, s14  }
0x6: {  	s11 =	sadd.s32 $0x1AE00, s6;
	s16 =	sadd.s32 $0x138000, s2;
	s26 =	smul.u32 $0x500, s14  }
0x7: {  	p0 =	sne.s32 s14, $0x0;
	s31 =	sshll.u32 s14, $0x6;
	s12 =	smul.u32 $0x138800, s1  }
0x8: {  	s3 =	sshll.u32 s1, $0x4;
	s9 =	ssub.s32 $0x2, s1;
	s1 =	smul.u32 $0x5000, s1  }
0x9: {  	s16 =	sshrl.u32 @!p0 s16, $0x3;
	s4 =	sor.u32 s14, s3;
	s3 =	simm.s32 $0x0  }
0xa: {  	s18 =	sshrl.u32 s9, $0x1;
	s19 =	sshrl.u32 s10, $0x2;
	s14 =	sor.u32 $0x1C07, s31  }
0xb: {  	s7 =	smul.u32 $0x500, s4;
	[smem:$0x7FF] =	sst s3;
	s4 =	sadd.s32 $0x4600, s6  }
0xc: {  	s13 =	ssub.s32 s9, s18;
	s15 =	sadd.s32 s19, s2;
	s23 =	sadd.s32 s20, s12  }
0xd: {  	s25 =	sshrl.u32 s12, $0x3;
	s12 =	sadd.s32 s26, s1;
	s18 =	simm.s32 $0x80  }
0xe: {  	s19 =	simm.s32 $0x2900;
	s20 =	simm.s32 $0x2880;
	s26 =	simm.s32 $0x5  }
0xf: {  	_ =	strace $0x80000047;
	s24 =	sshrl.u32 s23, $0x3;
	s10 =	sadd.s32 s11, s25  }
0x10: {  	s15 =	sshrl.u32 s15, $0x3;
	s23 =	simm.s32 $0x1;
	s25 =	simm.s32 $0x2  }
0x11: {  	s8 =	sadd.s32 s7, s6;
	s22 =	sadd.s32 s4, s7;
	s30 =	sadd.s32 s11, s24  }
0x12: {  	s10 =	sadd.s32 $0x27000, s10;
	s11 =	smax.u32 s13, $0x1;
	s13 =	simm.s32 $0x7  }
0x13: {  	s24 =	simm.s32 $0x4;
	s21 =	sadd.s32 $0xE600, s8;
	[dreg:$0x6] =	wrdreg s30  }
0x14: {  	s9 =	smov.u32 s22;
	s6 =	sadd.s32 $0x10, s22;
	[dreg:$0x4] =	wrdreg s21  }
0x15: {  	s22 =	simm.s32 $0x3;
	[dreg:$0x5] =	wrdreg s6;
	s21 =	simm.s32 $0x6900  }
.LBB2_1:
0x16: {  	s1 =	rddreg [dreg:$0x4]  }
0x17: {  	[tilespmem:s3], [sflag:$0x7] =	stream.linear.gather [hbm4b:s1+s3], $0x2800, $0x38;
	[tilespmem:$0x1E1C0] =	vst v63  }
0x18: {  	_ =	swait.ge [sflag:s13], $0x2800  }
0x19: {  	[sflag:s13] =	ssyncset.done $0x0  }
0x1a: {  	[sflag:s13] =	ssyncadd.s32 $0xFFFFD800  }
0x1b: {  	[spmem:s15], [sflag:s14] =	dma.local [hbm:s5], $0x2700  }
0x1c: {  	_ =	swait.ge [sflag:s13], $0x2700  }
0x1d: {  	[sflag:s13] =	ssyncset.done $0x0  }
0x1e: {  	s1 =	simm.s32 @!p0 $0x7;
	[sflag:s13] =	ssyncadd.s32 $0xFFFFD900  }
0x1f: {  	[spmem:s16], [sflag:s14] =	dma.local @!p0 [hbm:s5], $0x180  }
0x20: {  	_ =	swait.ge @!p0 [sflag:s1], $0x180  }
0x21: {  	[sflag:s1] =	ssyncset.done @!p0 $0x0  }
0x22: {  	[sflag:s1] =	ssyncadd.s32 @!p0 $0xFFFFFE80  }
0x23: {  	[bflag:$0x0] =	sbarrier.arrive $0xFFFF  }
0x24: {  	[tilespmem:s17], [sflag:$0x1] =	stream.linear.gather [hbm4b:s9+s3], $0x80, $0x38;
	[tilespmem:$0x1E1C0] =	vst v63  }
0x25: {  	_ = 	snop  }
0x26: {  	[tilespmem:s19], [sflag:$0x3] =	stream.indirect.gather [hbm4b:s0+s18], $0x80, s3, s18, $0xb8;
	[tilespmem:$0x1E1C0] =	vst v63  }
0x27: {  	s7 =	rddreg [dreg:$0x5]  }
0x28: {  	[tilespmem:s20], [sflag:$0x2] =	stream.linear.gather [hbm4b:s7+s3], $0x80, $0x38;
	[tilespmem:$0x1E1C0] =	vst v63  }
0x29: {  	_ = 	snop  }
0x2a: {  	[tilespmem:s21], [sflag:$0x4] =	stream.indirect.gather [hbm4b:s0+s18], $0x80, s18, s18, $0xb8;
	[tilespmem:$0x1E1C0] =	vst v63  }
0x2b: {  	_ =	swait.ge [sflag:s22], $0x4000  }
0x2c: {  	[sflag:s22] =	ssyncset.done $0x0  }
0x2d: {  	[sflag:s22] =	ssyncadd.s32 $0xFFFFC000  }
0x2e: {  	_ =	swait.ge [sflag:s23], $0x80  }
0x2f: {  	[sflag:s23] =	ssyncset.done $0x0  }
0x30: {  	[sflag:s23] =	ssyncadd.s32 $0xFFFFFF80  }
0x31: {  	[spmem:s2] =	stream.indirect.scatter.add.f32 [tilespmem:s19], [sflag:$0x5], $0x80, s17, s18, $0xb8;
	[tilespmem:$0x1E1C0] =	vst v63  }
0x32: {  	_ =	swait.ge [sflag:s24], $0x4000  }
0x33: {  	[sflag:s24] =	ssyncset.done $0x0  }
0x34: {  	[sflag:s24] =	ssyncadd.s32 $0xFFFFC000  }
0x35: {  	_ =	swait.ge [sflag:s25], $0x80  }
0x36: {  	[sflag:s25] =	ssyncset.done $0x0  }
0x37: {  	s8 =	sadd.s32 $0x30, s12;
	s30 =	simm.s32 $0x20;
	[sflag:s25] =	ssyncadd.s32 $0xFFFFFF80  }
0x38: {  	[spmem:s2] =	stream.indirect.scatter.add.f32 [tilespmem:s21], [sflag:$0x6], $0x80, s20, s18, $0xb8;
	[tilespmem:$0x1E1C0] =	vst v63  }
0x39: {  	s31 =	sadd.s32 $0xFFFFFFF0, s8;
	s30 =	sand.u32 $0x60, s30;
	_ =	swait.ge [sflag:s26], $0x4000  }
0x3a: {  	s31 =	sand.u32 $0xFFFFF80, s31;
	s30 =	sadd.s32 s4, s30;
	[sflag:s26] =	ssyncset.done $0x0  }
0x3b: {  	s30 =	sadd.s32 s31, s30;
	[sflag:s26] =	ssyncadd.s32 $0xFFFFC000  }
0x3c: {  	[tilespmem:s17], [sflag:$0x1] =	stream.linear.gather [hbm4b:s30+s3], $0x80, $0x38;
	[tilespmem:$0x1E1C0] =	vst v63  }
0x3d: {  	s31 =	simm.s32 $0x100;
	s30 =	simm.s32 $0x30  }
0x3e: {  	[tilespmem:s19], [sflag:$0x3] =	stream.indirect.gather [hbm4b:s0+s18], $0x80, s31, s18, $0xb8;
	[tilespmem:$0x1E1C0] =	vst v63  }
0x3f: {  	s30 =	sand.u32 $0x70, s30;
	_ =	swait.ge [sflag:s28], $0x4000  }
0x40: {  	s1 =	sand.u32 $0xFFFFF80, s8;
	s30 =	sadd.s32 s4, s30;
	[sflag:s28] =	ssyncset.done $0x0  }
0x41: {  	s1 =	sadd.s32 s1, s30;
	[sflag:s28] =	ssyncadd.s32 $0xFFFFC000  }
0x42: {  	[tilespmem:s20], [sflag:$0x2] =	stream.linear.gather [hbm4b:s1+s3], $0x80, $0x38;
	[tilespmem:$0x1E1C0] =	vst v63  }
0x43: {  	s31 =	simm.s32 $0x200;
	s30 =	simm.s32 $0x50;
	s1 =	simm.s32 $0x180  }
.LBB2_2:
0x44: {  	[tilespmem:s21], [sflag:$0x4] =	stream.indirect.gather [hbm4b:s0+s18], $0x80, s1, s18, $0xb8;
	[tilespmem:$0x1E1C0] =	vst v63  }
0x45: {  	s1 =	smov.u32 s30  }
0x46: {  	p1 =	sne.s32 s30, $0x4F0;
	s30 =	sadd.s32 $0x20, s30;
	_ =	swait.ge [sflag:s22], $0x4000  }
0x47: {  	[sflag:s22] =	ssyncset.done $0x0  }
0x48: {  	[sflag:s22] =	ssyncadd.s32 $0xFFFFC000  }
0x49: {  	_ =	swait.ge [sflag:s23], $0x80  }
0x4a: {  	[sflag:s23] =	ssyncset.done $0x0  }
0x4b: {  	[sflag:s23] =	ssyncadd.s32 $0xFFFFFF80  }
0x4c: {  	[spmem:s2] =	stream.indirect.scatter.add.f32 [tilespmem:s19], [sflag:$0x5], $0x80, s17, s18, $0xb8;
	[tilespmem:$0x1E1C0] =	vst v63  }
0x4d: {  	_ =	swait.ge [sflag:s24], $0x4000  }
0x4e: {  	[sflag:s24] =	ssyncset.done $0x0  }
0x4f: {  	[sflag:s24] =	ssyncadd.s32 $0xFFFFC000  }
0x50: {  	_ =	swait.ge [sflag:s25], $0x80  }
0x51: {  	[sflag:s25] =	ssyncset.done $0x0  }
0x52: {  	s6 =	sadd.s32 s1, s12;
	s8 =	sadd.s32 $0xFFFFFFF0, s1;
	[sflag:s25] =	ssyncadd.s32 $0xFFFFFF80  }
0x53: {  	[spmem:s2] =	stream.indirect.scatter.add.f32 [tilespmem:s21], [sflag:$0x6], $0x80, s20, s18, $0xb8;
	[tilespmem:$0x1E1C0] =	vst v63  }
0x54: {  	s7 =	sadd.s32 $0xFFFFFFF0, s6;
	s8 =	sand.u32 $0x60, s8;
	_ =	swait.ge [sflag:s26], $0x4000  }
0x55: {  	s7 =	sand.u32 $0xFFFFF80, s7;
	s8 =	sadd.s32 s4, s8;
	[sflag:s26] =	ssyncset.done $0x0  }
0x56: {  	s6 =	sand.u32 $0xFFFFF80, s6;
	s7 =	sadd.s32 s7, s8;
	[sflag:s26] =	ssyncadd.s32 $0xFFFFC000  }
0x57: {  	[tilespmem:s17], [sflag:$0x1] =	stream.linear.gather [hbm4b:s7+s3], $0x80, $0x38;
	[tilespmem:$0x1E1C0] =	vst v63  }
0x58: {  	_ = 	snop  }
0x59: {  	[tilespmem:s19], [sflag:$0x3] =	stream.indirect.gather [hbm4b:s0+s18], $0x80, s31, s18, $0xb8;
	[tilespmem:$0x1E1C0] =	vst v63  }
.Ltmp0:
0x5a: {  	s1 =	sand.u32 $0x70, s1;
	_ =	swait.ge [sflag:s28], $0x4000;
	(pc) =	sbr.rel @p1 .LBB2_2-.Ltmp0, $4  }
0x5b: {  	s1 =	sadd.s32 s4, s1;
	[sflag:s28] =	ssyncset.done $0x0  }
0x5c: {  	s1 =	sadd.s32 s6, s1;
	[sflag:s28] =	ssyncadd.s32 $0xFFFFC000  }
0x5d: {  	[tilespmem:s20], [sflag:$0x2] =	stream.linear.gather [hbm4b:s1+s3], $0x80, $0x38;
	[tilespmem:$0x1E1C0] =	vst v63  }
0x5e: {  	s1 =	sadd.s32 $0x80, s31;
	s31 =	sadd.s32 $0x100, s31  }
0x5f: {  	[tilespmem:s21], [sflag:$0x4] =	stream.indirect.gather [hbm4b:s0+s18], $0x80, s1, s18, $0xb8;
	[tilespmem:$0x1E1C0] =	vst v63  }
0x60: {  	_ =	swait.ge [sflag:s22], $0x4000  }
0x61: {  	[sflag:s22] =	ssyncset.done $0x0  }
0x62: {  	[sflag:s22] =	ssyncadd.s32 $0xFFFFC000  }
0x63: {  	_ =	swait.ge [sflag:s23], $0x80  }
0x64: {  	[sflag:s23] =	ssyncset.done $0x0  }
0x65: {  	[sflag:s23] =	ssyncadd.s32 $0xFFFFFF80  }
0x66: {  	[spmem:s2] =	stream.indirect.scatter.add.f32 [tilespmem:s19], [sflag:$0x5], $0x80, s17, s18, $0xb8;
	[tilespmem:$0x1E1C0] =	vst v63  }
0x67: {  	_ =	swait.ge [sflag:s24], $0x4000  }
0x68: {  	[sflag:s24] =	ssyncset.done $0x0  }
0x69: {  	[sflag:s24] =	ssyncadd.s32 $0xFFFFC000  }
0x6a: {  	_ =	swait.ge [sflag:s25], $0x80  }
0x6b: {  	[sflag:s25] =	ssyncset.done $0x0  }
0x6c: {  	[sflag:s25] =	ssyncadd.s32 $0xFFFFFF80  }
0x6d: {  	[spmem:s2] =	stream.indirect.scatter.add.f32 [tilespmem:s21], [sflag:$0x6], $0x80, s20, s18, $0xb8;
	[tilespmem:$0x1E1C0] =	vst v63  }
0x6e: {  	_ =	swait.ge [sflag:s26], $0x4000  }
0x6f: {  	[sflag:s26] =	ssyncset.done $0x0  }
0x70: {  	[sflag:s26] =	ssyncadd.s32 $0xFFFFC000  }
0x71: {  	_ =	swait.ge [sflag:s28], $0x4000  }
0x72: {  	[sflag:s28] =	ssyncset.done $0x0  }
0x73: {  	[sflag:s28] =	ssyncadd.s32 $0xFFFFC000  }
0x74: {  	[bflag:$0x0] =	sbarrier.arrive $0xFFFF  }
0x75: {  	s31 =	rddreg [dreg:$0x6]  }
0x76: {  	[hbm:s31], [sflag:s14] =	dma.local [spmem:s15], $0x2700  }
0x77: {  	s29 =	sadd.s32 $0x1, s29;
	_ =	swait.ge [sflag:s13], $0x2700  }
0x78: {  	p1 =	sne.s32 s29, s11;
	[sflag:s13] =	ssyncset.done $0x0  }
.Ltmp1:
0x79: {  	s1 =	simm.s32 @!p0 $0x7;
	[sflag:s13] =	ssyncadd.s32 $0xFFFFD900;
	(pc) =	sbr.rel @p1 .LBB2_1-.Ltmp1, $4  }
0x7a: {  	[hbm:s10], [sflag:s14] =	dma.local @!p0 [spmem:s16], $0x100  }
0x7b: {  	_ =	swait.ge @!p0 [sflag:s1], $0x100  }
0x7c: {  	[sflag:s1] =	ssyncset.done @!p0 $0x0  }
0x7d: {  	[sflag:s1] =	ssyncadd.s32 @!p0 $0xFFFFFF00  }
0x7e: {  	_ =	sfence.sel $0x180000  }
0x7f: {  	[bflag:$0x0] =	sbarrier.arrive $0xFFFF  }
0x80: {  	_ =	strace $0x90000047  }
0x81: {  	[bflag:$0x2] =	sbarrier.arrive $0xFFFF  }
0x82: {  	s0 =	rddreg [dreg:$0x3]  }
0x83: {  	s0 =	sadd.s32 @!p0 $0x100000, s0  }
0x84: {  	[sflag:s0] =	ssyncadd.tile.s32 @!p0 $0x1;
	_ =	shalt  }
.Lfunc_end2:
_tile_overlayer_lowered:
.L_overlay_start_2:
0x85: {  	(tag) =	ssettag $0x2  }
0x86: {  	s0 =	rddreg [dreg:$0x0];
	s2 =	stileid.u32  }
0x87: {  	s1 =	rddreg [dreg:$0x1];
	p0 =	sne.s32 s2, $0x0  }
0x88: {  	s3 =	rddreg [dreg:$0x2];
	[bflag:$0x3] =	sbarrier.arrive $0xFFFF;
	s2 =	simm.s32 @!p0 $0x1C07  }
0x89: {  	[timem:s3], [sflag:s2] =	dma.local @!p0 [hbm:s0], s1  }
0x8a: {  	s0 =	simm.s32 @!p0 $0x7  }
0x8b: {  	_ =	swait.ge @!p0 [sflag:s0], s1  }
0x8c: {  	s1 =	ssub.s32 @!p0 $0x0, s1;
	[sflag:s0] =	ssyncset.done @!p0 $0x0  }
0x8d: {  	[sflag:s0] =	ssyncadd.s32 @!p0 s1  }
0x8e: {  	[bflag:$0x3] =	sbarrier.arrive $0xFFFF  }
0x8f: {  	_ =	shalt  }

// kernel: kernel.15.cloned.1.call-start
scs
__scs_entry_jumppad:
0x0: {  	(pc) =	sbr.rel $0x88, $3  }
0x1: {  	(tag) =	ssettag $0x0;
	lr =	simm.s32 $0x1  }
0x2: {  	[smem:$0x3F96] =	sst lr;
	_ =	strace $0xD0000000  }
0x3: {  	_ = 	snop  }
0x4: {  	_ = 	snop  }
0x5: {  	_ = 	snop  }
0x6: {  	_ = 	snop  }
0x7: {  	_ = 	snop  }
__scs_overlays_trampoline_lowered:
0x8: {  	[smem:$0x3FA5] =	sst s0  }
0x9: {  	[smem:$0x3FA6] =	sst s1  }
0xa: {  	[smem:$0x3FA7] =	sst s2  }
0xb: {  	[smem:$0x3FA8] =	sst s3  }
0xc: {  	[smem:$0x3FA9] =	sst s4  }
0xd: {  	[smem:$0x3FAA] =	sst s5  }
0xe: {  	[smem:$0x3FAB] =	sst s6  }
0xf: {  	[smem:$0x3FAC] =	sst s7  }
0x10: {  	[smem:$0x3FAD] =	sst s8  }
0x11: {  	[smem:$0x3FAE] =	sst s9;
	s0 =	simm.s32 @!p0 $0x0  }
0x12: {  	s1 =	sld [smem:$0x3F94];
	s0 =	simm.s32 @p0 $0x1  }
0x13: {  	[smem:$0x3FAF] =	sst s0;
	s0 =	simm.s32 @!p1 $0x0  }
0x14: {  	s2 =	sld [smem:$0x3F93];
	s0 =	simm.s32 @p1 $0x1  }
0x15: {  	[smem:$0x3FB0] =	sst s0;
	s0 =	simm.s32 @!p2 $0x0  }
0x16: {  	s3 =	sld [smem:$0x3FDB];
	s0 =	simm.s32 @p2 $0x1  }
0x17: {  	s4 =	simm.s32 $0x1BF5;
	[smem:$0x3FB2] =	sst s0  }
0x18: {  	s0 =	sld [smem:$0x3F95];
	_ =	swait.ge [sflag:s4], $0x0  }
0x19: {  	s7 =	sld [smem:$0x3F96]  }
0x1a: {  	s8 =	sadd.s32 $0xFFFFE003, lr  }
0x1b: {  	s9 =	sadd.s32 $0xFFFFFEF7, lr;
	s5 =	simm.s32 $0xFFFFFFFF;
	p2 =	slt.u32 s8, $0xFFFFF086  }
0x1c: {  	p1 =	slt.u32 s9, $0xF7A;
	s5 =	simm.s32 @!p2 $0x0  }
0x1d: {  	s5 =	simm.s32 @p1 $0x1;
	p0 =	seq.s32 s7, s2  }
0x1e: {  	s7 =	smul.u32 @!p0 $0xF7A, s2;
	p2 =	seq.s32 @!p0 s5, $0x0  }
0x1f: {  	s9 =	smul.u32 $0xF7A, s1;
	s8 =	simm.s32 @!p0 $0x1BF5;
	p2 =	por !p2, p0  }
0x20: {  	[sflag:s8] =	ssyncset.s32 @!p0 $0xFFFFF086;
	s6 =	sadd.s32 @!p0 s3, s7;
	s7 =	simm.s32 @!p0 $0x108  }
0x21: {  	s3 =	sadd.s32 s3, s9;
	s6 =	sadd.s32 @!p0 $0x88, s6;
	s7 =	simm.s32 @p2 $0x1082  }
0x22: {  	[simem:s7], [sflag:s8] =	dma.local @!p0 [hbm:s6], $0xF7A  }
0x23: {  	s9 =	sor.u32 $0xD0000000, s2;
	s6 =	simm.s32 $0x108;
	_ =	swait.ge @!p0 [sflag:s8], $0x0  }
0x24: {  	s3 =	sadd.s32 $0x88, s3;
	s6 =	simm.s32 @!p1 $0x1082;
	[sflag:s4] =	ssyncset.s32 $0xFFFFF086  }
0x25: {  	[simem:s6], [sflag:s4] =	dma.local [hbm:s3], $0xF7A  }
0x26: {  	[smem:$0x3F96] =	sst s1;
	(tag) =	ssettag s2;
	_ =	strace s9  }
0x27: {  	s1 =	sld [smem:$0x3FA6]  }
0x28: {  	s2 =	sld [smem:$0x3FA7]  }
0x29: {  	s4 =	sld [smem:$0x3FA9]  }
0x2a: {  	p0 =	seq.s32 s5, $0x0;
	s5 =	sld [smem:$0x3FAA]  }
0x2b: {  	s6 =	sld [smem:$0x3FAB]  }
0x2c: {  	s7 =	sld [smem:$0x3FAC]  }
0x2d: {  	s3 =	simm.s32 $0x108;
	s8 =	sld [smem:$0x3FAD]  }
0x2e: {  	s3 =	simm.s32 @!p0 $0x1082;
	s9 =	sld [smem:$0x3FAE]  }
0x2f: {  	lr =	sadd.s32 s0, s3;
	s0 =	sld [smem:$0x3FA5]  }
0x30: {  	s3 =	sld [smem:$0x3FA8]  }
0x31: {  	[smem:$0x3FB1] =	sst s10  }
0x32: {  	s10 =	sld [smem:$0x3FAF];
	_ =	sdelay $0x3  }
0x33: {  	p0 =	seq.s32 s10, $0x1;
	s10 =	sld [smem:$0x3FB1];
	_ =	sdelay $0x3  }
0x34: {  	[smem:$0x3FB1] =	sst s10  }
0x35: {  	s10 =	sld [smem:$0x3FB0];
	_ =	sdelay $0x3  }
0x36: {  	p1 =	seq.s32 s10, $0x1;
	s10 =	sld [smem:$0x3FB1];
	_ =	sdelay $0x3  }
0x37: {  	[smem:$0x3FB1] =	sst s10  }
0x38: {  	s10 =	sld [smem:$0x3FB2]  }
0x39: {  	_ = 	snop;
	(pc) =	sbr.ind lr, $3  }
0x3a: {  	_ = 	snop  }
0x3b: {  	_ = 	snop  }
0x3c: {  	p2 =	seq.s32 s10, $0x1;
	s10 =	sld [smem:$0x3FB1]  }
0x3d: {  	_ =	shalt  }
0x3e: {  	_ =	shalt  }
0x3f: {  	_ =	shalt  }
0x40: {  	_ =	shalt  }
0x41: {  	_ =	shalt  }
0x42: {  	_ =	shalt  }
0x43: {  	_ =	shalt  }
0x44: {  	_ =	shalt  }
0x45: {  	_ =	shalt  }
0x46: {  	_ =	shalt  }
0x47: {  	_ =	shalt  }
0x48: {  	_ =	shalt  }
0x49: {  	_ =	shalt  }
0x4a: {  	_ =	shalt  }
0x4b: {  	_ =	shalt  }
0x4c: {  	_ =	shalt  }
0x4d: {  	_ =	shalt  }
0x4e: {  	_ =	shalt  }
0x4f: {  	_ =	shalt  }
0x50: {  	_ =	shalt  }
0x51: {  	_ =	shalt  }
0x52: {  	_ =	shalt  }
0x53: {  	_ =	shalt  }
0x54: {  	_ =	shalt  }
0x55: {  	_ =	shalt  }
0x56: {  	_ =	shalt  }
0x57: {  	_ =	shalt  }
0x58: {  	_ =	shalt  }
0x59: {  	_ =	shalt  }
0x5a: {  	_ =	shalt  }
0x5b: {  	_ =	shalt  }
0x5c: {  	_ =	shalt  }
0x5d: {  	_ =	shalt  }
0x5e: {  	_ =	shalt  }
0x5f: {  	_ =	shalt  }
0x60: {  	_ =	shalt  }
0x61: {  	_ =	shalt  }
0x62: {  	_ =	shalt  }
0x63: {  	_ =	shalt  }
0x64: {  	_ =	shalt  }
0x65: {  	_ =	shalt  }
0x66: {  	_ =	shalt  }
0x67: {  	_ =	shalt  }
0x68: {  	_ =	shalt  }
0x69: {  	_ =	shalt  }
0x6a: {  	_ =	shalt  }
0x6b: {  	_ =	shalt  }
0x6c: {  	_ =	shalt  }
0x6d: {  	_ =	shalt  }
0x6e: {  	_ =	shalt  }
0x6f: {  	_ =	shalt  }
0x70: {  	_ =	shalt  }
0x71: {  	_ =	shalt  }
0x72: {  	_ =	shalt  }
0x73: {  	_ =	shalt  }
0x74: {  	_ =	shalt  }
0x75: {  	_ =	shalt  }
0x76: {  	_ =	shalt  }
0x77: {  	_ =	shalt  }
0x78: {  	_ =	shalt  }
0x79: {  	_ =	shalt  }
0x7a: {  	_ =	shalt  }
0x7b: {  	_ =	shalt  }
0x7c: {  	_ =	shalt  }
0x7d: {  	_ =	shalt  }
0x7e: {  	_ =	shalt  }
0x7f: {  	_ =	shalt  }
0x80: {  	_ =	shalt  }
0x81: {  	_ =	shalt  }
0x82: {  	_ =	shalt  }
0x83: {  	_ =	shalt  }
0x84: {  	_ =	shalt  }
0x85: {  	_ =	shalt  }
0x86: {  	_ =	shalt  }
0x87: {  	_ =	shalt  }
.Lfunc_end0:
.L_simem_size_0:
called_computation.2_lowered:
.L_overlay_start_0:
0x88: {  	s2 =	sld [smem:$0x3FD9]  }
0x89: {  	s3 =	sld [smem:$0x3FFE];
	_ =	sdelay $0x1  }
0x8a: {  	s1 =	srdreg.scid  }
0x8b: {  	s0 =	sand.u32 $0x1, s1  }
0x8c: {  	s17 =	sshll.u32 s0, $0xA;
	s2 =	sadd.s32 s3, s2  }
0x8d: {  	s2 =	sadd.s32 s2, s17  }
0x8e: {  	[smem:$0x3FBD] =	sst s2  }
0x8f: {  	_ = 	snop  }
0x90: {  	s2 =	sld [smem:$0x3FD0];
	(tm) =	ssettm $0x1  }
0x91: {  	s18 =	sld [smem:$0x3FFB];
	_ =	sdelay $0x3  }
0x92: {  	_ =	strace s18  }
0x93: {  	s3 =	sld [smem:$0x3FFC];
	_ =	sdelay $0x3  }
0x94: {  	_ =	strace s3  }
0x95: {  	s3 =	sld [smem:$0x3FFD];
	_ =	sdelay $0x3  }
0x96: {  	_ =	strace s3  }
0x97: {  	_ =	strace $0x8FFFFFFF  }
0x98: {  	s19 =	sld [smem:$0x3FDB];
	_ =	sdelay $0x1  }
0x99: {  	s4 =	simm.s32 $_scs_section_size  }
0x9a: {  	s5 =	simm.s32 $_size__tile_overlayer_lowered;
	s6 =	simm.s32 $_tile_overlayer_lowered  }
0x9b: {  	s22 =	simm.s32 $0x1BFF;
	s21 =	sshll.u32 s6, $0x1;
	s3 =	sadd.s32 s4, s19  }
0x9c: {  	s7 =	simm.s32 $0x0;
	s20 =	sshll.u32 s5, $0x1;
	s5 =	sadd.s32 s21, s3  }
0x9d: {  	[timem:s7], [sflag:s22] =	dma.local [hbm:s5], s20  }
0x9e: {  	_ =	swait.ge [sflag:s22], s20  }
0x9f: {  	s4 =	ssub.s32 $0x0, s20;
	[sflag:s22] =	ssyncset.done $0x0  }
0xa0: {  	[sflag:s22] =	ssyncadd.s32 s4;
	_ =	sdelay $0x1  }
0xa1: {  	s23 =	simm.s32 $0x1B8B  }
0xa2: {  	_ =	swait.ge [sflag:s23], $0x1  }
0xa3: {  	[sflag:s23] =	ssyncset.done $0x0  }
0xa4: {  	s25 =	simm.s32 $0x1B8E;
	s24 =	sld [smem:$0x3FFE];
	[sflag:s23] =	ssyncadd.s32 $0xFFFFFFFF  }
0xa5: {  	s26 =	simm.s32 $execute0_lowered;
	[smem:$0x3FD2] =	sst s25  }
0xa6: {  	s5 =	sshll.u32 s26, $0x1;
	_ =	strace $0x8000004C;
	[dreg:$0x1] =	wrdreg $0xFFFFFFFF  }
0xa7: {  	s28 =	simm.s32 $_size_execute0_lowered;
	s3 =	sadd.s32 s3, s5;
	[dreg:$0x0] =	wrdreg $0x0  }
0xa8: {  	s5 =	sshll.u32 s28, $0x1;
	[dreg:$0x2] =	wrdreg s3  }
0xa9: {  	[dreg:$0x3] =	wrdreg s5  }
0xaa: {  	[dreg:$0x4] =	wrdreg $0xC0  }
0xab: {  	_ =	task [dreg:s7], $0x5FFFF  }
0xac: {  	[dreg:$0x1] =	wrdreg $0xFFFFFFFF  }
0xad: {  	[dreg:$0x0] =	wrdreg $0x60  }
0xae: {  	[dreg:$0x2] =	wrdreg s2  }
0xaf: {  	[dreg:$0x3] =	wrdreg s24  }
0xb0: {  	[dreg:$0x4] =	wrdreg $0xA9000  }
0xb1: {  	[dreg:$0x5] =	wrdreg $0x9  }
0xb2: {  	_ =	task.clear_ibuf [dreg:s7], $0x6FFFF;
	_ =	strace $0x9000004C  }
0xb3: {  	s29 =	simm.s32 $0x9;
	_ =	strace $0x8000004E  }
0xb4: {  	_ =	swait.ge [sflag:s29], $0x1  }
0xb5: {  	[sflag:s29] =	ssyncadd.s32 $0xFFFFFFFF  }
0xb6: {  	_ =	strace $0x9000004E  }
0xb7: {  	_ =	sfence  }
0xb8: {  	s30 =	sld [smem:$0x0];
	_ =	sdelay $0x2  }
0xb9: {  	s31 =	sshll.u32 s1, $0xD;
	s1 =	sshrl.u32 s1, $0x2  }
0xba: {  	s3 =	sand.u32 $0x4000, s31;
	s1 =	sadd.s32 s1, s30  }
0xbb: {  	s0 =	sor.u32 s3, s0;
	s1 =	sshll.u32 s1, $0x11  }
0xbc: {  	s0 =	sor.u32 s1, s0  }
0xbd: {  	s0 =	sadd.s32 $0x8F2B, s0  }
0xbe: {  	[sflag:s0] =	ssyncadd.remote.s32 $0x1  }
0xbf: {  	_ =	sfence.sel $0xFFFF  }
0xc0: {  	[dreg:$0x0] =	wrdreg $0xFFFFFFFF;
	(pc) =	sbr.abs _section_cstart, $3  }
0xc1: {  	[dreg:$0x1] =	wrdreg $0xFFFFFFFF  }
0xc2: {  	_ =	task.clear_ibuf [dreg:s7], $0x2FFFF;
	_ =	strace $0x9FFFFFFF  }
0xc3: {  	(tm) =	ssettm $0x7FFFFFFF  }
tec
execute0_lowered:
.L_overlay_start_1:
0x0: {  	(tag) =	ssettag $0x1  }
0x1: {  	s0 =	rddreg [dreg:$0x0]  }
0x2: {  	s1 =	srdreg.scid;
	s6 =	rddreg [dreg:$0x1]  }
0x3: {  	s14 =	stileid.u32;
	s2 =	rddreg [dreg:$0x2];
	s17 =	simm.s32 $0x2800  }
0x4: {  	s28 =	simm.s32 $0x6;
	s29 =	simm.s32 $0x0;
	s10 =	smul.u32 $0x4E000, s14  }
0x5: {  	s1 =	sand.u32 $0x1, s1;
	s5 =	sadd.s32 $0x18600, s6;
	s20 =	smul.u32 $0x13800, s14  }
0x6: {  	s11 =	sadd.s32 $0x42000, s6;
	s16 =	sadd.s32 $0x138000, s2;
	s26 =	smul.u32 $0x500, s14  }
0x7: {  	p0 =	sne.s32 s14, $0x0;
	s31 =	sshll.u32 s14, $0x6;
	s12 =	smul.u32 $0x138800, s1  }
0x8: {  	s3 =	sshll.u32 s1, $0x4;
	s9 =	ssub.s32 $0x2, s1;
	s1 =	smul.u32 $0x5000, s1  }
0x9: {  	s16 =	sshrl.u32 @!p0 s16, $0x3;
	s4 =	sor.u32 s14, s3;
	s3 =	simm.s32 $0x0  }
0xa: {  	s18 =	sshrl.u32 s9, $0x1;
	s19 =	sshrl.u32 s10, $0x2;
	s14 =	sor.u32 $0x1C07, s31  }
0xb: {  	s7 =	smul.u32 $0x500, s4;
	[smem:$0x7FF] =	sst s3;
	s4 =	sadd.s32 $0x4600, s6  }
0xc: {  	s13 =	ssub.s32 s9, s18;
	s15 =	sadd.s32 s19, s2;
	s23 =	sadd.s32 s20, s12  }
0xd: {  	s25 =	sshrl.u32 s12, $0x3;
	s12 =	sadd.s32 s26, s1;
	s18 =	simm.s32 $0x80  }
0xe: {  	s19 =	simm.s32 $0x2900;
	s20 =	simm.s32 $0x2880;
	s26 =	simm.s32 $0x5  }
0xf: {  	_ =	strace $0x8000004D;
	s24 =	sshrl.u32 s23, $0x3;
	s10 =	sadd.s32 s11, s25  }
0x10: {  	s15 =	sshrl.u32 s15, $0x3;
	s23 =	simm.s32 $0x1;
	s25 =	simm.s32 $0x2  }
0x11: {  	s8 =	sadd.s32 s7, s6;
	s22 =	sadd.s32 s4, s7;
	s30 =	sadd.s32 s11, s24  }
0x12: {  	s10 =	sadd.s32 $0x27000, s10;
	s11 =	smax.u32 s13, $0x1;
	s13 =	simm.s32 $0x7  }
0x13: {  	s24 =	simm.s32 $0x4;
	s21 =	sadd.s32 $0xE600, s8;
	[dreg:$0x6] =	wrdreg s30  }
0x14: {  	s9 =	smov.u32 s22;
	s6 =	sadd.s32 $0x10, s22;
	[dreg:$0x4] =	wrdreg s21  }
0x15: {  	s22 =	simm.s32 $0x3;
	[dreg:$0x5] =	wrdreg s6;
	s21 =	simm.s32 $0x6900  }
.LBB2_1:
0x16: {  	s1 =	rddreg [dreg:$0x4]  }
0x17: {  	[tilespmem:s3], [sflag:$0x7] =	stream.linear.gather [hbm4b:s1+s3], $0x2800, $0x38;
	[tilespmem:$0x1E1C0] =	vst v63  }
0x18: {  	_ =	swait.ge [sflag:s13], $0x2800  }
0x19: {  	[sflag:s13] =	ssyncset.done $0x0  }
0x1a: {  	[sflag:s13] =	ssyncadd.s32 $0xFFFFD800  }
0x1b: {  	[spmem:s15], [sflag:s14] =	dma.local [hbm:s5], $0x2700  }
0x1c: {  	_ =	swait.ge [sflag:s13], $0x2700  }
0x1d: {  	[sflag:s13] =	ssyncset.done $0x0  }
0x1e: {  	s1 =	simm.s32 @!p0 $0x7;
	[sflag:s13] =	ssyncadd.s32 $0xFFFFD900  }
0x1f: {  	[spmem:s16], [sflag:s14] =	dma.local @!p0 [hbm:s5], $0x180  }
0x20: {  	_ =	swait.ge @!p0 [sflag:s1], $0x180  }
0x21: {  	[sflag:s1] =	ssyncset.done @!p0 $0x0  }
0x22: {  	[sflag:s1] =	ssyncadd.s32 @!p0 $0xFFFFFE80  }
0x23: {  	[bflag:$0x0] =	sbarrier.arrive $0xFFFF  }
0x24: {  	[tilespmem:s17], [sflag:$0x1] =	stream.linear.gather [hbm4b:s9+s3], $0x80, $0x38;
	[tilespmem:$0x1E1C0] =	vst v63  }
0x25: {  	_ = 	snop  }
0x26: {  	[tilespmem:s19], [sflag:$0x3] =	stream.indirect.gather [hbm4b:s0+s18], $0x80, s3, s18, $0xb8;
	[tilespmem:$0x1E1C0] =	vst v63  }
0x27: {  	s7 =	rddreg [dreg:$0x5]  }
0x28: {  	[tilespmem:s20], [sflag:$0x2] =	stream.linear.gather [hbm4b:s7+s3], $0x80, $0x38;
	[tilespmem:$0x1E1C0] =	vst v63  }
0x29: {  	_ = 	snop  }
0x2a: {  	[tilespmem:s21], [sflag:$0x4] =	stream.indirect.gather [hbm4b:s0+s18], $0x80, s18, s18, $0xb8;
	[tilespmem:$0x1E1C0] =	vst v63  }
0x2b: {  	_ =	swait.ge [sflag:s22], $0x4000  }
0x2c: {  	[sflag:s22] =	ssyncset.done $0x0  }
0x2d: {  	[sflag:s22] =	ssyncadd.s32 $0xFFFFC000  }
0x2e: {  	_ =	swait.ge [sflag:s23], $0x80  }
0x2f: {  	[sflag:s23] =	ssyncset.done $0x0  }
0x30: {  	[sflag:s23] =	ssyncadd.s32 $0xFFFFFF80  }
0x31: {  	[spmem:s2] =	stream.indirect.scatter.add.f32 [tilespmem:s19], [sflag:$0x5], $0x80, s17, s18, $0xb8;
	[tilespmem:$0x1E1C0] =	vst v63  }
0x32: {  	_ =	swait.ge [sflag:s24], $0x4000  }
0x33: {  	[sflag:s24] =	ssyncset.done $0x0  }
0x34: {  	[sflag:s24] =	ssyncadd.s32 $0xFFFFC000  }
0x35: {  	_ =	swait.ge [sflag:s25], $0x80  }
0x36: {  	[sflag:s25] =	ssyncset.done $0x0  }
0x37: {  	s8 =	sadd.s32 $0x30, s12;
	s30 =	simm.s32 $0x20;
	[sflag:s25] =	ssyncadd.s32 $0xFFFFFF80  }
0x38: {  	[spmem:s2] =	stream.indirect.scatter.add.f32 [tilespmem:s21], [sflag:$0x6], $0x80, s20, s18, $0xb8;
	[tilespmem:$0x1E1C0] =	vst v63  }
0x39: {  	s31 =	sadd.s32 $0xFFFFFFF0, s8;
	s30 =	sand.u32 $0x60, s30;
	_ =	swait.ge [sflag:s26], $0x4000  }
0x3a: {  	s31 =	sand.u32 $0xFFFFF80, s31;
	s30 =	sadd.s32 s4, s30;
	[sflag:s26] =	ssyncset.done $0x0  }
0x3b: {  	s30 =	sadd.s32 s31, s30;
	[sflag:s26] =	ssyncadd.s32 $0xFFFFC000  }
0x3c: {  	[tilespmem:s17], [sflag:$0x1] =	stream.linear.gather [hbm4b:s30+s3], $0x80, $0x38;
	[tilespmem:$0x1E1C0] =	vst v63  }
0x3d: {  	s31 =	simm.s32 $0x100;
	s30 =	simm.s32 $0x30  }
0x3e: {  	[tilespmem:s19], [sflag:$0x3] =	stream.indirect.gather [hbm4b:s0+s18], $0x80, s31, s18, $0xb8;
	[tilespmem:$0x1E1C0] =	vst v63  }
0x3f: {  	s30 =	sand.u32 $0x70, s30;
	_ =	swait.ge [sflag:s28], $0x4000  }
0x40: {  	s1 =	sand.u32 $0xFFFFF80, s8;
	s30 =	sadd.s32 s4, s30;
	[sflag:s28] =	ssyncset.done $0x0  }
0x41: {  	s1 =	sadd.s32 s1, s30;
	[sflag:s28] =	ssyncadd.s32 $0xFFFFC000  }
0x42: {  	[tilespmem:s20], [sflag:$0x2] =	stream.linear.gather [hbm4b:s1+s3], $0x80, $0x38;
	[tilespmem:$0x1E1C0] =	vst v63  }
0x43: {  	s31 =	simm.s32 $0x200;
	s30 =	simm.s32 $0x50;
	s1 =	simm.s32 $0x180  }
.LBB2_2:
0x44: {  	[tilespmem:s21], [sflag:$0x4] =	stream.indirect.gather [hbm4b:s0+s18], $0x80, s1, s18, $0xb8;
	[tilespmem:$0x1E1C0] =	vst v63  }
0x45: {  	s1 =	smov.u32 s30  }
0x46: {  	p1 =	sne.s32 s30, $0x4F0;
	s30 =	sadd.s32 $0x20, s30;
	_ =	swait.ge [sflag:s22], $0x4000  }
0x47: {  	[sflag:s22] =	ssyncset.done $0x0  }
0x48: {  	[sflag:s22] =	ssyncadd.s32 $0xFFFFC000  }
0x49: {  	_ =	swait.ge [sflag:s23], $0x80  }
0x4a: {  	[sflag:s23] =	ssyncset.done $0x0  }
0x4b: {  	[sflag:s23] =	ssyncadd.s32 $0xFFFFFF80  }
0x4c: {  	[spmem:s2] =	stream.indirect.scatter.add.f32 [tilespmem:s19], [sflag:$0x5], $0x80, s17, s18, $0xb8;
	[tilespmem:$0x1E1C0] =	vst v63  }
0x4d: {  	_ =	swait.ge [sflag:s24], $0x4000  }
0x4e: {  	[sflag:s24] =	ssyncset.done $0x0  }
0x4f: {  	[sflag:s24] =	ssyncadd.s32 $0xFFFFC000  }
0x50: {  	_ =	swait.ge [sflag:s25], $0x80  }
0x51: {  	[sflag:s25] =	ssyncset.done $0x0  }
0x52: {  	s6 =	sadd.s32 s1, s12;
	s8 =	sadd.s32 $0xFFFFFFF0, s1;
	[sflag:s25] =	ssyncadd.s32 $0xFFFFFF80  }
0x53: {  	[spmem:s2] =	stream.indirect.scatter.add.f32 [tilespmem:s21], [sflag:$0x6], $0x80, s20, s18, $0xb8;
	[tilespmem:$0x1E1C0] =	vst v63  }
0x54: {  	s7 =	sadd.s32 $0xFFFFFFF0, s6;
	s8 =	sand.u32 $0x60, s8;
	_ =	swait.ge [sflag:s26], $0x4000  }
0x55: {  	s7 =	sand.u32 $0xFFFFF80, s7;
	s8 =	sadd.s32 s4, s8;
	[sflag:s26] =	ssyncset.done $0x0  }
0x56: {  	s6 =	sand.u32 $0xFFFFF80, s6;
	s7 =	sadd.s32 s7, s8;
	[sflag:s26] =	ssyncadd.s32 $0xFFFFC000  }
0x57: {  	[tilespmem:s17], [sflag:$0x1] =	stream.linear.gather [hbm4b:s7+s3], $0x80, $0x38;
	[tilespmem:$0x1E1C0] =	vst v63  }
0x58: {  	_ = 	snop  }
0x59: {  	[tilespmem:s19], [sflag:$0x3] =	stream.indirect.gather [hbm4b:s0+s18], $0x80, s31, s18, $0xb8;
	[tilespmem:$0x1E1C0] =	vst v63  }
.Ltmp0:
0x5a: {  	s1 =	sand.u32 $0x70, s1;
	_ =	swait.ge [sflag:s28], $0x4000;
	(pc) =	sbr.rel @p1 .LBB2_2-.Ltmp0, $4  }
0x5b: {  	s1 =	sadd.s32 s4, s1;
	[sflag:s28] =	ssyncset.done $0x0  }
0x5c: {  	s1 =	sadd.s32 s6, s1;
	[sflag:s28] =	ssyncadd.s32 $0xFFFFC000  }
0x5d: {  	[tilespmem:s20], [sflag:$0x2] =	stream.linear.gather [hbm4b:s1+s3], $0x80, $0x38;
	[tilespmem:$0x1E1C0] =	vst v63  }
0x5e: {  	s1 =	sadd.s32 $0x80, s31;
	s31 =	sadd.s32 $0x100, s31  }
0x5f: {  	[tilespmem:s21], [sflag:$0x4] =	stream.indirect.gather [hbm4b:s0+s18], $0x80, s1, s18, $0xb8;
	[tilespmem:$0x1E1C0] =	vst v63  }
0x60: {  	_ =	swait.ge [sflag:s22], $0x4000  }
0x61: {  	[sflag:s22] =	ssyncset.done $0x0  }
0x62: {  	[sflag:s22] =	ssyncadd.s32 $0xFFFFC000  }
0x63: {  	_ =	swait.ge [sflag:s23], $0x80  }
0x64: {  	[sflag:s23] =	ssyncset.done $0x0  }
0x65: {  	[sflag:s23] =	ssyncadd.s32 $0xFFFFFF80  }
0x66: {  	[spmem:s2] =	stream.indirect.scatter.add.f32 [tilespmem:s19], [sflag:$0x5], $0x80, s17, s18, $0xb8;
	[tilespmem:$0x1E1C0] =	vst v63  }
0x67: {  	_ =	swait.ge [sflag:s24], $0x4000  }
0x68: {  	[sflag:s24] =	ssyncset.done $0x0  }
0x69: {  	[sflag:s24] =	ssyncadd.s32 $0xFFFFC000  }
0x6a: {  	_ =	swait.ge [sflag:s25], $0x80  }
0x6b: {  	[sflag:s25] =	ssyncset.done $0x0  }
0x6c: {  	[sflag:s25] =	ssyncadd.s32 $0xFFFFFF80  }
0x6d: {  	[spmem:s2] =	stream.indirect.scatter.add.f32 [tilespmem:s21], [sflag:$0x6], $0x80, s20, s18, $0xb8;
	[tilespmem:$0x1E1C0] =	vst v63  }
0x6e: {  	_ =	swait.ge [sflag:s26], $0x4000  }
0x6f: {  	[sflag:s26] =	ssyncset.done $0x0  }
0x70: {  	[sflag:s26] =	ssyncadd.s32 $0xFFFFC000  }
0x71: {  	_ =	swait.ge [sflag:s28], $0x4000  }
0x72: {  	[sflag:s28] =	ssyncset.done $0x0  }
0x73: {  	[sflag:s28] =	ssyncadd.s32 $0xFFFFC000  }
0x74: {  	[bflag:$0x0] =	sbarrier.arrive $0xFFFF  }
0x75: {  	s31 =	rddreg [dreg:$0x6]  }
0x76: {  	[hbm:s31], [sflag:s14] =	dma.local [spmem:s15], $0x2700  }
0x77: {  	s29 =	sadd.s32 $0x1, s29;
	_ =	swait.ge [sflag:s13], $0x2700  }
0x78: {  	p1 =	sne.s32 s29, s11;
	[sflag:s13] =	ssyncset.done $0x0  }
.Ltmp1:
0x79: {  	s1 =	simm.s32 @!p0 $0x7;
	[sflag:s13] =	ssyncadd.s32 $0xFFFFD900;
	(pc) =	sbr.rel @p1 .LBB2_1-.Ltmp1, $4  }
0x7a: {  	[hbm:s10], [sflag:s14] =	dma.local @!p0 [spmem:s16], $0x100  }
0x7b: {  	_ =	swait.ge @!p0 [sflag:s1], $0x100  }
0x7c: {  	[sflag:s1] =	ssyncset.done @!p0 $0x0  }
0x7d: {  	[sflag:s1] =	ssyncadd.s32 @!p0 $0xFFFFFF00  }
0x7e: {  	_ =	sfence.sel $0x180000  }
0x7f: {  	[bflag:$0x0] =	sbarrier.arrive $0xFFFF  }
0x80: {  	_ =	strace $0x9000004D  }
0x81: {  	[bflag:$0x2] =	sbarrier.arrive $0xFFFF  }
0x82: {  	s0 =	rddreg [dreg:$0x3]  }
0x83: {  	s0 =	sadd.s32 @!p0 $0x100000, s0  }
0x84: {  	[sflag:s0] =	ssyncadd.tile.s32 @!p0 $0x1;
	_ =	shalt  }
.Lfunc_end2:
_tile_overlayer_lowered:
.L_overlay_start_2:
0x85: {  	(tag) =	ssettag $0x2  }
0x86: {  	s0 =	rddreg [dreg:$0x0];
	s2 =	stileid.u32  }
0x87: {  	s1 =	rddreg [dreg:$0x1];
	p0 =	sne.s32 s2, $0x0  }
0x88: {  	s3 =	rddreg [dreg:$0x2];
	[bflag:$0x3] =	sbarrier.arrive $0xFFFF;
	s2 =	simm.s32 @!p0 $0x1C07  }
0x89: {  	[timem:s3], [sflag:s2] =	dma.local @!p0 [hbm:s0], s1  }
0x8a: {  	s0 =	simm.s32 @!p0 $0x7  }
0x8b: {  	_ =	swait.ge @!p0 [sflag:s0], s1  }
0x8c: {  	s1 =	ssub.s32 @!p0 $0x0, s1;
	[sflag:s0] =	ssyncset.done @!p0 $0x0  }
0x8d: {  	[sflag:s0] =	ssyncadd.s32 @!p0 s1  }
0x8e: {  	[bflag:$0x3] =	sbarrier.arrive $0xFFFF  }
0x8f: {  	_ =	shalt  }

// kernel: kernel.18.cloned.1.call-start
scs
__scs_entry_jumppad:
0x0: {  	(pc) =	sbr.rel $0x88, $3  }
0x1: {  	(tag) =	ssettag $0x0;
	lr =	simm.s32 $0x1  }
0x2: {  	[smem:$0x3F96] =	sst lr;
	_ =	strace $0xD0000000  }
0x3: {  	_ = 	snop  }
0x4: {  	_ = 	snop  }
0x5: {  	_ = 	snop  }
0x6: {  	_ = 	snop  }
0x7: {  	_ = 	snop  }
__scs_overlays_trampoline_lowered:
0x8: {  	[smem:$0x3FA5] =	sst s0  }
0x9: {  	[smem:$0x3FA6] =	sst s1  }
0xa: {  	[smem:$0x3FA7] =	sst s2  }
0xb: {  	[smem:$0x3FA8] =	sst s3  }
0xc: {  	[smem:$0x3FA9] =	sst s4  }
0xd: {  	[smem:$0x3FAA] =	sst s5  }
0xe: {  	[smem:$0x3FAB] =	sst s6  }
0xf: {  	[smem:$0x3FAC] =	sst s7  }
0x10: {  	[smem:$0x3FAD] =	sst s8  }
0x11: {  	[smem:$0x3FAE] =	sst s9;
	s0 =	simm.s32 @!p0 $0x0  }
0x12: {  	s1 =	sld [smem:$0x3F94];
	s0 =	simm.s32 @p0 $0x1  }
0x13: {  	[smem:$0x3FAF] =	sst s0;
	s0 =	simm.s32 @!p1 $0x0  }
0x14: {  	s2 =	sld [smem:$0x3F93];
	s0 =	simm.s32 @p1 $0x1  }
0x15: {  	[smem:$0x3FB0] =	sst s0;
	s0 =	simm.s32 @!p2 $0x0  }
0x16: {  	s3 =	sld [smem:$0x3FDB];
	s0 =	simm.s32 @p2 $0x1  }
0x17: {  	s4 =	simm.s32 $0x1BF5;
	[smem:$0x3FB2] =	sst s0  }
0x18: {  	s0 =	sld [smem:$0x3F95];
	_ =	swait.ge [sflag:s4], $0x0  }
0x19: {  	s7 =	sld [smem:$0x3F96]  }
0x1a: {  	s8 =	sadd.s32 $0xFFFFE003, lr  }
0x1b: {  	s9 =	sadd.s32 $0xFFFFFEF7, lr;
	s5 =	simm.s32 $0xFFFFFFFF;
	p2 =	slt.u32 s8, $0xFFFFF086  }
0x1c: {  	p1 =	slt.u32 s9, $0xF7A;
	s5 =	simm.s32 @!p2 $0x0  }
0x1d: {  	s5 =	simm.s32 @p1 $0x1;
	p0 =	seq.s32 s7, s2  }
0x1e: {  	s7 =	smul.u32 @!p0 $0xF7A, s2;
	p2 =	seq.s32 @!p0 s5, $0x0  }
0x1f: {  	s9 =	smul.u32 $0xF7A, s1;
	s8 =	simm.s32 @!p0 $0x1BF5;
	p2 =	por !p2, p0  }
0x20: {  	[sflag:s8] =	ssyncset.s32 @!p0 $0xFFFFF086;
	s6 =	sadd.s32 @!p0 s3, s7;
	s7 =	simm.s32 @!p0 $0x108  }
0x21: {  	s3 =	sadd.s32 s3, s9;
	s6 =	sadd.s32 @!p0 $0x88, s6;
	s7 =	simm.s32 @p2 $0x1082  }
0x22: {  	[simem:s7], [sflag:s8] =	dma.local @!p0 [hbm:s6], $0xF7A  }
0x23: {  	s9 =	sor.u32 $0xD0000000, s2;
	s6 =	simm.s32 $0x108;
	_ =	swait.ge @!p0 [sflag:s8], $0x0  }
0x24: {  	s3 =	sadd.s32 $0x88, s3;
	s6 =	simm.s32 @!p1 $0x1082;
	[sflag:s4] =	ssyncset.s32 $0xFFFFF086  }
0x25: {  	[simem:s6], [sflag:s4] =	dma.local [hbm:s3], $0xF7A  }
0x26: {  	[smem:$0x3F96] =	sst s1;
	(tag) =	ssettag s2;
	_ =	strace s9  }
0x27: {  	s1 =	sld [smem:$0x3FA6]  }
0x28: {  	s2 =	sld [smem:$0x3FA7]  }
0x29: {  	s4 =	sld [smem:$0x3FA9]  }
0x2a: {  	p0 =	seq.s32 s5, $0x0;
	s5 =	sld [smem:$0x3FAA]  }
0x2b: {  	s6 =	sld [smem:$0x3FAB]  }
0x2c: {  	s7 =	sld [smem:$0x3FAC]  }
0x2d: {  	s3 =	simm.s32 $0x108;
	s8 =	sld [smem:$0x3FAD]  }
0x2e: {  	s3 =	simm.s32 @!p0 $0x1082;
	s9 =	sld [smem:$0x3FAE]  }
0x2f: {  	lr =	sadd.s32 s0, s3;
	s0 =	sld [smem:$0x3FA5]  }
0x30: {  	s3 =	sld [smem:$0x3FA8]  }
0x31: {  	[smem:$0x3FB1] =	sst s10  }
0x32: {  	s10 =	sld [smem:$0x3FAF];
	_ =	sdelay $0x3  }
0x33: {  	p0 =	seq.s32 s10, $0x1;
	s10 =	sld [smem:$0x3FB1];
	_ =	sdelay $0x3  }
0x34: {  	[smem:$0x3FB1] =	sst s10  }
0x35: {  	s10 =	sld [smem:$0x3FB0];
	_ =	sdelay $0x3  }
0x36: {  	p1 =	seq.s32 s10, $0x1;
	s10 =	sld [smem:$0x3FB1];
	_ =	sdelay $0x3  }
0x37: {  	[smem:$0x3FB1] =	sst s10  }
0x38: {  	s10 =	sld [smem:$0x3FB2]  }
0x39: {  	_ = 	snop;
	(pc) =	sbr.ind lr, $3  }
0x3a: {  	_ = 	snop  }
0x3b: {  	_ = 	snop  }
0x3c: {  	p2 =	seq.s32 s10, $0x1;
	s10 =	sld [smem:$0x3FB1]  }
0x3d: {  	_ =	shalt  }
0x3e: {  	_ =	shalt  }
0x3f: {  	_ =	shalt  }
0x40: {  	_ =	shalt  }
0x41: {  	_ =	shalt  }
0x42: {  	_ =	shalt  }
0x43: {  	_ =	shalt  }
0x44: {  	_ =	shalt  }
0x45: {  	_ =	shalt  }
0x46: {  	_ =	shalt  }
0x47: {  	_ =	shalt  }
0x48: {  	_ =	shalt  }
0x49: {  	_ =	shalt  }
0x4a: {  	_ =	shalt  }
0x4b: {  	_ =	shalt  }
0x4c: {  	_ =	shalt  }
0x4d: {  	_ =	shalt  }
0x4e: {  	_ =	shalt  }
0x4f: {  	_ =	shalt  }
0x50: {  	_ =	shalt  }
0x51: {  	_ =	shalt  }
0x52: {  	_ =	shalt  }
0x53: {  	_ =	shalt  }
0x54: {  	_ =	shalt  }
0x55: {  	_ =	shalt  }
0x56: {  	_ =	shalt  }
0x57: {  	_ =	shalt  }
0x58: {  	_ =	shalt  }
0x59: {  	_ =	shalt  }
0x5a: {  	_ =	shalt  }
0x5b: {  	_ =	shalt  }
0x5c: {  	_ =	shalt  }
0x5d: {  	_ =	shalt  }
0x5e: {  	_ =	shalt  }
0x5f: {  	_ =	shalt  }
0x60: {  	_ =	shalt  }
0x61: {  	_ =	shalt  }
0x62: {  	_ =	shalt  }
0x63: {  	_ =	shalt  }
0x64: {  	_ =	shalt  }
0x65: {  	_ =	shalt  }
0x66: {  	_ =	shalt  }
0x67: {  	_ =	shalt  }
0x68: {  	_ =	shalt  }
0x69: {  	_ =	shalt  }
0x6a: {  	_ =	shalt  }
0x6b: {  	_ =	shalt  }
0x6c: {  	_ =	shalt  }
0x6d: {  	_ =	shalt  }
0x6e: {  	_ =	shalt  }
0x6f: {  	_ =	shalt  }
0x70: {  	_ =	shalt  }
0x71: {  	_ =	shalt  }
0x72: {  	_ =	shalt  }
0x73: {  	_ =	shalt  }
0x74: {  	_ =	shalt  }
0x75: {  	_ =	shalt  }
0x76: {  	_ =	shalt  }
0x77: {  	_ =	shalt  }
0x78: {  	_ =	shalt  }
0x79: {  	_ =	shalt  }
0x7a: {  	_ =	shalt  }
0x7b: {  	_ =	shalt  }
0x7c: {  	_ =	shalt  }
0x7d: {  	_ =	shalt  }
0x7e: {  	_ =	shalt  }
0x7f: {  	_ =	shalt  }
0x80: {  	_ =	shalt  }
0x81: {  	_ =	shalt  }
0x82: {  	_ =	shalt  }
0x83: {  	_ =	shalt  }
0x84: {  	_ =	shalt  }
0x85: {  	_ =	shalt  }
0x86: {  	_ =	shalt  }
0x87: {  	_ =	shalt  }
.Lfunc_end0:
.L_simem_size_0:
called_computation.3_lowered:
.L_overlay_start_0:
0x88: {  	s2 =	sld [smem:$0x3FD9]  }
0x89: {  	s3 =	sld [smem:$0x3FFE];
	_ =	sdelay $0x1  }
0x8a: {  	s1 =	srdreg.scid  }
0x8b: {  	s0 =	sand.u32 $0x1, s1  }
0x8c: {  	s17 =	sshll.u32 s0, $0xA;
	s2 =	sadd.s32 s3, s2  }
0x8d: {  	s2 =	sadd.s32 s2, s17  }
0x8e: {  	[smem:$0x3FBD] =	sst s2  }
0x8f: {  	_ = 	snop  }
0x90: {  	s2 =	sld [smem:$0x3FD0];
	(tm) =	ssettm $0x1  }
0x91: {  	s18 =	sld [smem:$0x3FFB];
	_ =	sdelay $0x3  }
0x92: {  	_ =	strace s18  }
0x93: {  	s3 =	sld [smem:$0x3FFC];
	_ =	sdelay $0x3  }
0x94: {  	_ =	strace s3  }
0x95: {  	s3 =	sld [smem:$0x3FFD];
	_ =	sdelay $0x3  }
0x96: {  	_ =	strace s3  }
0x97: {  	_ =	strace $0x8FFFFFFF  }
0x98: {  	s19 =	sld [smem:$0x3FDB];
	_ =	sdelay $0x1  }
0x99: {  	s4 =	simm.s32 $_scs_section_size  }
0x9a: {  	s5 =	simm.s32 $_size__tile_overlayer_lowered;
	s6 =	simm.s32 $_tile_overlayer_lowered  }
0x9b: {  	s22 =	simm.s32 $0x1BFF;
	s21 =	sshll.u32 s6, $0x1;
	s3 =	sadd.s32 s4, s19  }
0x9c: {  	s7 =	simm.s32 $0x0;
	s20 =	sshll.u32 s5, $0x1;
	s5 =	sadd.s32 s21, s3  }
0x9d: {  	[timem:s7], [sflag:s22] =	dma.local [hbm:s5], s20  }
0x9e: {  	_ =	swait.ge [sflag:s22], s20  }
0x9f: {  	s4 =	ssub.s32 $0x0, s20;
	[sflag:s22] =	ssyncset.done $0x0  }
0xa0: {  	[sflag:s22] =	ssyncadd.s32 s4;
	_ =	sdelay $0x1  }
0xa1: {  	s23 =	simm.s32 $0x1B8B  }
0xa2: {  	_ =	swait.ge [sflag:s23], $0x1  }
0xa3: {  	[sflag:s23] =	ssyncset.done $0x0  }
0xa4: {  	s25 =	simm.s32 $0x1B8E;
	s24 =	sld [smem:$0x3FFE];
	[sflag:s23] =	ssyncadd.s32 $0xFFFFFFFF  }
0xa5: {  	s26 =	simm.s32 $execute0_lowered;
	[smem:$0x3FD2] =	sst s25  }
0xa6: {  	s5 =	sshll.u32 s26, $0x1;
	_ =	strace $0x8000004F;
	[dreg:$0x1] =	wrdreg $0xFFFFFFFF  }
0xa7: {  	s28 =	simm.s32 $_size_execute0_lowered;
	s3 =	sadd.s32 s3, s5;
	[dreg:$0x0] =	wrdreg $0x0  }
0xa8: {  	s5 =	sshll.u32 s28, $0x1;
	[dreg:$0x2] =	wrdreg s3  }
0xa9: {  	[dreg:$0x3] =	wrdreg s5  }
0xaa: {  	[dreg:$0x4] =	wrdreg $0xC0  }
0xab: {  	_ =	task [dreg:s7], $0x5FFFF  }
0xac: {  	[dreg:$0x1] =	wrdreg $0xFFFFFFFF  }
0xad: {  	[dreg:$0x0] =	wrdreg $0x60  }
0xae: {  	[dreg:$0x2] =	wrdreg s2  }
0xaf: {  	[dreg:$0x3] =	wrdreg s24  }
0xb0: {  	[dreg:$0x4] =	wrdreg $0xA9000  }
0xb1: {  	[dreg:$0x5] =	wrdreg $0x9  }
0xb2: {  	_ =	task.clear_ibuf [dreg:s7], $0x6FFFF;
	_ =	strace $0x9000004F  }
0xb3: {  	s29 =	simm.s32 $0x9;
	_ =	strace $0x80000051  }
0xb4: {  	_ =	swait.ge [sflag:s29], $0x1  }
0xb5: {  	[sflag:s29] =	ssyncadd.s32 $0xFFFFFFFF  }
0xb6: {  	_ =	strace $0x90000051  }
0xb7: {  	_ =	sfence  }
0xb8: {  	s30 =	sld [smem:$0x0];
	_ =	sdelay $0x2  }
0xb9: {  	s31 =	sshll.u32 s1, $0xD;
	s1 =	sshrl.u32 s1, $0x2  }
0xba: {  	s3 =	sand.u32 $0x4000, s31;
	s1 =	sadd.s32 s1, s30  }
0xbb: {  	s0 =	sor.u32 s3, s0;
	s1 =	sshll.u32 s1, $0x11  }
0xbc: {  	s0 =	sor.u32 s1, s0  }
0xbd: {  	s0 =	sadd.s32 $0x8F2B, s0  }
0xbe: {  	[sflag:s0] =	ssyncadd.remote.s32 $0x1  }
0xbf: {  	_ =	sfence.sel $0xFFFF  }
0xc0: {  	[dreg:$0x0] =	wrdreg $0xFFFFFFFF;
	(pc) =	sbr.abs _section_cstart, $3  }
0xc1: {  	[dreg:$0x1] =	wrdreg $0xFFFFFFFF  }
0xc2: {  	_ =	task.clear_ibuf [dreg:s7], $0x2FFFF;
	_ =	strace $0x9FFFFFFF  }
0xc3: {  	(tm) =	ssettm $0x7FFFFFFF  }
tec
execute0_lowered:
.L_overlay_start_1:
0x0: {  	(tag) =	ssettag $0x1  }
0x1: {  	s0 =	rddreg [dreg:$0x0]  }
0x2: {  	s1 =	srdreg.scid;
	s6 =	rddreg [dreg:$0x1]  }
0x3: {  	s14 =	stileid.u32;
	s2 =	rddreg [dreg:$0x2];
	s17 =	simm.s32 $0x2800  }
0x4: {  	s28 =	simm.s32 $0x6;
	s29 =	simm.s32 $0x0;
	s10 =	smul.u32 $0x4E000, s14  }
0x5: {  	s1 =	sand.u32 $0x1, s1;
	s5 =	sadd.s32 $0x18600, s6;
	s20 =	smul.u32 $0x13800, s14  }
0x6: {  	s11 =	sadd.s32 $0x42000, s6;
	s16 =	sadd.s32 $0x138000, s2;
	s26 =	smul.u32 $0x500, s14  }
0x7: {  	p0 =	sne.s32 s14, $0x0;
	s31 =	sshll.u32 s14, $0x6;
	s12 =	smul.u32 $0x138800, s1  }
0x8: {  	s3 =	sshll.u32 s1, $0x4;
	s9 =	ssub.s32 $0x2, s1;
	s1 =	smul.u32 $0x5000, s1  }
0x9: {  	s16 =	sshrl.u32 @!p0 s16, $0x3;
	s4 =	sor.u32 s14, s3;
	s3 =	simm.s32 $0x0  }
0xa: {  	s18 =	sshrl.u32 s9, $0x1;
	s19 =	sshrl.u32 s10, $0x2;
	s14 =	sor.u32 $0x1C07, s31  }
0xb: {  	s7 =	smul.u32 $0x500, s4;
	[smem:$0x7FF] =	sst s3;
	s4 =	sadd.s32 $0x4600, s6  }
0xc: {  	s13 =	ssub.s32 s9, s18;
	s15 =	sadd.s32 s19, s2;
	s23 =	sadd.s32 s20, s12  }
0xd: {  	s25 =	sshrl.u32 s12, $0x3;
	s12 =	sadd.s32 s26, s1;
	s18 =	simm.s32 $0x80  }
0xe: {  	s19 =	simm.s32 $0x2900;
	s20 =	simm.s32 $0x2880;
	s26 =	simm.s32 $0x5  }
0xf: {  	_ =	strace $0x80000050;
	s24 =	sshrl.u32 s23, $0x3;
	s10 =	sadd.s32 s11, s25  }
0x10: {  	s15 =	sshrl.u32 s15, $0x3;
	s23 =	simm.s32 $0x1;
	s25 =	simm.s32 $0x2  }
0x11: {  	s8 =	sadd.s32 s7, s6;
	s22 =	sadd.s32 s4, s7;
	s30 =	sadd.s32 s11, s24  }
0x12: {  	s10 =	sadd.s32 $0x27000, s10;
	s11 =	smax.u32 s13, $0x1;
	s13 =	simm.s32 $0x7  }
0x13: {  	s24 =	simm.s32 $0x4;
	s21 =	sadd.s32 $0xE600, s8;
	[dreg:$0x6] =	wrdreg s30  }
0x14: {  	s9 =	smov.u32 s22;
	s6 =	sadd.s32 $0x10, s22;
	[dreg:$0x4] =	wrdreg s21  }
0x15: {  	s22 =	simm.s32 $0x3;
	[dreg:$0x5] =	wrdreg s6;
	s21 =	simm.s32 $0x6900  }
.LBB2_1:
0x16: {  	s1 =	rddreg [dreg:$0x4]  }
0x17: {  	[tilespmem:s3], [sflag:$0x7] =	stream.linear.gather [hbm4b:s1+s3], $0x2800, $0x38;
	[tilespmem:$0x1E1C0] =	vst v63  }
0x18: {  	_ =	swait.ge [sflag:s13], $0x2800  }
0x19: {  	[sflag:s13] =	ssyncset.done $0x0  }
0x1a: {  	[sflag:s13] =	ssyncadd.s32 $0xFFFFD800  }
0x1b: {  	[spmem:s15], [sflag:s14] =	dma.local [hbm:s5], $0x2700  }
0x1c: {  	_ =	swait.ge [sflag:s13], $0x2700  }
0x1d: {  	[sflag:s13] =	ssyncset.done $0x0  }
0x1e: {  	s1 =	simm.s32 @!p0 $0x7;
	[sflag:s13] =	ssyncadd.s32 $0xFFFFD900  }
0x1f: {  	[spmem:s16], [sflag:s14] =	dma.local @!p0 [hbm:s5], $0x180  }
0x20: {  	_ =	swait.ge @!p0 [sflag:s1], $0x180  }
0x21: {  	[sflag:s1] =	ssyncset.done @!p0 $0x0  }
0x22: {  	[sflag:s1] =	ssyncadd.s32 @!p0 $0xFFFFFE80  }
0x23: {  	[bflag:$0x0] =	sbarrier.arrive $0xFFFF  }
0x24: {  	[tilespmem:s17], [sflag:$0x1] =	stream.linear.gather [hbm4b:s9+s3], $0x80, $0x38;
	[tilespmem:$0x1E1C0] =	vst v63  }
0x25: {  	_ = 	snop  }
0x26: {  	[tilespmem:s19], [sflag:$0x3] =	stream.indirect.gather [hbm4b:s0+s18], $0x80, s3, s18, $0xb8;
	[tilespmem:$0x1E1C0] =	vst v63  }
0x27: {  	s7 =	rddreg [dreg:$0x5]  }
0x28: {  	[tilespmem:s20], [sflag:$0x2] =	stream.linear.gather [hbm4b:s7+s3], $0x80, $0x38;
	[tilespmem:$0x1E1C0] =	vst v63  }
0x29: {  	_ = 	snop  }
0x2a: {  	[tilespmem:s21], [sflag:$0x4] =	stream.indirect.gather [hbm4b:s0+s18], $0x80, s18, s18, $0xb8;
	[tilespmem:$0x1E1C0] =	vst v63  }
0x2b: {  	_ =	swait.ge [sflag:s22], $0x4000  }
0x2c: {  	[sflag:s22] =	ssyncset.done $0x0  }
0x2d: {  	[sflag:s22] =	ssyncadd.s32 $0xFFFFC000  }
0x2e: {  	_ =	swait.ge [sflag:s23], $0x80  }
0x2f: {  	[sflag:s23] =	ssyncset.done $0x0  }
0x30: {  	[sflag:s23] =	ssyncadd.s32 $0xFFFFFF80  }
0x31: {  	[spmem:s2] =	stream.indirect.scatter.add.f32 [tilespmem:s19], [sflag:$0x5], $0x80, s17, s18, $0xb8;
	[tilespmem:$0x1E1C0] =	vst v63  }
0x32: {  	_ =	swait.ge [sflag:s24], $0x4000  }
0x33: {  	[sflag:s24] =	ssyncset.done $0x0  }
0x34: {  	[sflag:s24] =	ssyncadd.s32 $0xFFFFC000  }
0x35: {  	_ =	swait.ge [sflag:s25], $0x80  }
0x36: {  	[sflag:s25] =	ssyncset.done $0x0  }
0x37: {  	s8 =	sadd.s32 $0x30, s12;
	s30 =	simm.s32 $0x20;
	[sflag:s25] =	ssyncadd.s32 $0xFFFFFF80  }
0x38: {  	[spmem:s2] =	stream.indirect.scatter.add.f32 [tilespmem:s21], [sflag:$0x6], $0x80, s20, s18, $0xb8;
	[tilespmem:$0x1E1C0] =	vst v63  }
0x39: {  	s31 =	sadd.s32 $0xFFFFFFF0, s8;
	s30 =	sand.u32 $0x60, s30;
	_ =	swait.ge [sflag:s26], $0x4000  }
0x3a: {  	s31 =	sand.u32 $0xFFFFF80, s31;
	s30 =	sadd.s32 s4, s30;
	[sflag:s26] =	ssyncset.done $0x0  }
0x3b: {  	s30 =	sadd.s32 s31, s30;
	[sflag:s26] =	ssyncadd.s32 $0xFFFFC000  }
0x3c: {  	[tilespmem:s17], [sflag:$0x1] =	stream.linear.gather [hbm4b:s30+s3], $0x80, $0x38;
	[tilespmem:$0x1E1C0] =	vst v63  }
0x3d: {  	s31 =	simm.s32 $0x100;
	s30 =	simm.s32 $0x30  }
0x3e: {  	[tilespmem:s19], [sflag:$0x3] =	stream.indirect.gather [hbm4b:s0+s18], $0x80, s31, s18, $0xb8;
	[tilespmem:$0x1E1C0] =	vst v63  }
0x3f: {  	s30 =	sand.u32 $0x70, s30;
	_ =	swait.ge [sflag:s28], $0x4000  }
0x40: {  	s1 =	sand.u32 $0xFFFFF80, s8;
	s30 =	sadd.s32 s4, s30;
	[sflag:s28] =	ssyncset.done $0x0  }
0x41: {  	s1 =	sadd.s32 s1, s30;
	[sflag:s28] =	ssyncadd.s32 $0xFFFFC000  }
0x42: {  	[tilespmem:s20], [sflag:$0x2] =	stream.linear.gather [hbm4b:s1+s3], $0x80, $0x38;
	[tilespmem:$0x1E1C0] =	vst v63  }
0x43: {  	s31 =	simm.s32 $0x200;
	s30 =	simm.s32 $0x50;
	s1 =	simm.s32 $0x180  }
.LBB2_2:
0x44: {  	[tilespmem:s21], [sflag:$0x4] =	stream.indirect.gather [hbm4b:s0+s18], $0x80, s1, s18, $0xb8;
	[tilespmem:$0x1E1C0] =	vst v63  }
0x45: {  	s1 =	smov.u32 s30  }
0x46: {  	p1 =	sne.s32 s30, $0x4F0;
	s30 =	sadd.s32 $0x20, s30;
	_ =	swait.ge [sflag:s22], $0x4000  }
0x47: {  	[sflag:s22] =	ssyncset.done $0x0  }
0x48: {  	[sflag:s22] =	ssyncadd.s32 $0xFFFFC000  }
0x49: {  	_ =	swait.ge [sflag:s23], $0x80  }
0x4a: {  	[sflag:s23] =	ssyncset.done $0x0  }
0x4b: {  	[sflag:s23] =	ssyncadd.s32 $0xFFFFFF80  }
0x4c: {  	[spmem:s2] =	stream.indirect.scatter.add.f32 [tilespmem:s19], [sflag:$0x5], $0x80, s17, s18, $0xb8;
	[tilespmem:$0x1E1C0] =	vst v63  }
0x4d: {  	_ =	swait.ge [sflag:s24], $0x4000  }
0x4e: {  	[sflag:s24] =	ssyncset.done $0x0  }
0x4f: {  	[sflag:s24] =	ssyncadd.s32 $0xFFFFC000  }
0x50: {  	_ =	swait.ge [sflag:s25], $0x80  }
0x51: {  	[sflag:s25] =	ssyncset.done $0x0  }
0x52: {  	s6 =	sadd.s32 s1, s12;
	s8 =	sadd.s32 $0xFFFFFFF0, s1;
	[sflag:s25] =	ssyncadd.s32 $0xFFFFFF80  }
0x53: {  	[spmem:s2] =	stream.indirect.scatter.add.f32 [tilespmem:s21], [sflag:$0x6], $0x80, s20, s18, $0xb8;
	[tilespmem:$0x1E1C0] =	vst v63  }
0x54: {  	s7 =	sadd.s32 $0xFFFFFFF0, s6;
	s8 =	sand.u32 $0x60, s8;
	_ =	swait.ge [sflag:s26], $0x4000  }
0x55: {  	s7 =	sand.u32 $0xFFFFF80, s7;
	s8 =	sadd.s32 s4, s8;
	[sflag:s26] =	ssyncset.done $0x0  }
0x56: {  	s6 =	sand.u32 $0xFFFFF80, s6;
	s7 =	sadd.s32 s7, s8;
	[sflag:s26] =	ssyncadd.s32 $0xFFFFC000  }
0x57: {  	[tilespmem:s17], [sflag:$0x1] =	stream.linear.gather [hbm4b:s7+s3], $0x80, $0x38;
	[tilespmem:$0x1E1C0] =	vst v63  }
0x58: {  	_ = 	snop  }
0x59: {  	[tilespmem:s19], [sflag:$0x3] =	stream.indirect.gather [hbm4b:s0+s18], $0x80, s31, s18, $0xb8;
	[tilespmem:$0x1E1C0] =	vst v63  }
.Ltmp0:
0x5a: {  	s1 =	sand.u32 $0x70, s1;
	_ =	swait.ge [sflag:s28], $0x4000;
	(pc) =	sbr.rel @p1 .LBB2_2-.Ltmp0, $4  }
0x5b: {  	s1 =	sadd.s32 s4, s1;
	[sflag:s28] =	ssyncset.done $0x0  }
0x5c: {  	s1 =	sadd.s32 s6, s1;
	[sflag:s28] =	ssyncadd.s32 $0xFFFFC000  }
0x5d: {  	[tilespmem:s20], [sflag:$0x2] =	stream.linear.gather [hbm4b:s1+s3], $0x80, $0x38;
	[tilespmem:$0x1E1C0] =	vst v63  }
0x5e: {  	s1 =	sadd.s32 $0x80, s31;
	s31 =	sadd.s32 $0x100, s31  }
0x5f: {  	[tilespmem:s21], [sflag:$0x4] =	stream.indirect.gather [hbm4b:s0+s18], $0x80, s1, s18, $0xb8;
	[tilespmem:$0x1E1C0] =	vst v63  }
0x60: {  	_ =	swait.ge [sflag:s22], $0x4000  }
0x61: {  	[sflag:s22] =	ssyncset.done $0x0  }
0x62: {  	[sflag:s22] =	ssyncadd.s32 $0xFFFFC000  }
0x63: {  	_ =	swait.ge [sflag:s23], $0x80  }
0x64: {  	[sflag:s23] =	ssyncset.done $0x0  }
0x65: {  	[sflag:s23] =	ssyncadd.s32 $0xFFFFFF80  }
0x66: {  	[spmem:s2] =	stream.indirect.scatter.add.f32 [tilespmem:s19], [sflag:$0x5], $0x80, s17, s18, $0xb8;
	[tilespmem:$0x1E1C0] =	vst v63  }
0x67: {  	_ =	swait.ge [sflag:s24], $0x4000  }
0x68: {  	[sflag:s24] =	ssyncset.done $0x0  }
0x69: {  	[sflag:s24] =	ssyncadd.s32 $0xFFFFC000  }
0x6a: {  	_ =	swait.ge [sflag:s25], $0x80  }
0x6b: {  	[sflag:s25] =	ssyncset.done $0x0  }
0x6c: {  	[sflag:s25] =	ssyncadd.s32 $0xFFFFFF80  }
0x6d: {  	[spmem:s2] =	stream.indirect.scatter.add.f32 [tilespmem:s21], [sflag:$0x6], $0x80, s20, s18, $0xb8;
	[tilespmem:$0x1E1C0] =	vst v63  }
0x6e: {  	_ =	swait.ge [sflag:s26], $0x4000  }
0x6f: {  	[sflag:s26] =	ssyncset.done $0x0  }
0x70: {  	[sflag:s26] =	ssyncadd.s32 $0xFFFFC000  }
0x71: {  	_ =	swait.ge [sflag:s28], $0x4000  }
0x72: {  	[sflag:s28] =	ssyncset.done $0x0  }
0x73: {  	[sflag:s28] =	ssyncadd.s32 $0xFFFFC000  }
0x74: {  	[bflag:$0x0] =	sbarrier.arrive $0xFFFF  }
0x75: {  	s31 =	rddreg [dreg:$0x6]  }
0x76: {  	[hbm:s31], [sflag:s14] =	dma.local [spmem:s15], $0x2700  }
0x77: {  	s29 =	sadd.s32 $0x1, s29;
	_ =	swait.ge [sflag:s13], $0x2700  }
0x78: {  	p1 =	sne.s32 s29, s11;
	[sflag:s13] =	ssyncset.done $0x0  }
.Ltmp1:
0x79: {  	s1 =	simm.s32 @!p0 $0x7;
	[sflag:s13] =	ssyncadd.s32 $0xFFFFD900;
	(pc) =	sbr.rel @p1 .LBB2_1-.Ltmp1, $4  }
0x7a: {  	[hbm:s10], [sflag:s14] =	dma.local @!p0 [spmem:s16], $0x100  }
0x7b: {  	_ =	swait.ge @!p0 [sflag:s1], $0x100  }
0x7c: {  	[sflag:s1] =	ssyncset.done @!p0 $0x0  }
0x7d: {  	[sflag:s1] =	ssyncadd.s32 @!p0 $0xFFFFFF00  }
0x7e: {  	_ =	sfence.sel $0x180000  }
0x7f: {  	[bflag:$0x0] =	sbarrier.arrive $0xFFFF  }
0x80: {  	_ =	strace $0x90000050  }
0x81: {  	[bflag:$0x2] =	sbarrier.arrive $0xFFFF  }
0x82: {  	s0 =	rddreg [dreg:$0x3]  }
0x83: {  	s0 =	sadd.s32 @!p0 $0x100000, s0  }
0x84: {  	[sflag:s0] =	ssyncadd.tile.s32 @!p0 $0x1;
	_ =	shalt  }
.Lfunc_end2:
_tile_overlayer_lowered:
.L_overlay_start_2:
0x85: {  	(tag) =	ssettag $0x2  }
0x86: {  	s0 =	rddreg [dreg:$0x0];
	s2 =	stileid.u32  }
0x87: {  	s1 =	rddreg [dreg:$0x1];
	p0 =	sne.s32 s2, $0x0  }
0x88: {  	s3 =	rddreg [dreg:$0x2];
	[bflag:$0x3] =	sbarrier.arrive $0xFFFF;
	s2 =	simm.s32 @!p0 $0x1C07  }
0x89: {  	[timem:s3], [sflag:s2] =	dma.local @!p0 [hbm:s0], s1  }
0x8a: {  	s0 =	simm.s32 @!p0 $0x7  }
0x8b: {  	_ =	swait.ge @!p0 [sflag:s0], s1  }
0x8c: {  	s1 =	ssub.s32 @!p0 $0x0, s1;
	[sflag:s0] =	ssyncset.done @!p0 $0x0  }
0x8d: {  	[sflag:s0] =	ssyncadd.s32 @!p0 s1  }
0x8e: {  	[bflag:$0x3] =	sbarrier.arrive $0xFFFF  }
0x8f: {  	_ =	shalt  }

// kernel: kernel.9.cloned.1.call-start
scs
__scs_entry_jumppad:
0x0: {  	(pc) =	sbr.rel $0x88, $3  }
0x1: {  	(tag) =	ssettag $0x0;
	lr =	simm.s32 $0x1  }
0x2: {  	[smem:$0x3F96] =	sst lr;
	_ =	strace $0xD0000000  }
0x3: {  	_ = 	snop  }
0x4: {  	_ = 	snop  }
0x5: {  	_ = 	snop  }
0x6: {  	_ = 	snop  }
0x7: {  	_ = 	snop  }
__scs_overlays_trampoline_lowered:
0x8: {  	[smem:$0x3FA5] =	sst s0  }
0x9: {  	[smem:$0x3FA6] =	sst s1  }
0xa: {  	[smem:$0x3FA7] =	sst s2  }
0xb: {  	[smem:$0x3FA8] =	sst s3  }
0xc: {  	[smem:$0x3FA9] =	sst s4  }
0xd: {  	[smem:$0x3FAA] =	sst s5  }
0xe: {  	[smem:$0x3FAB] =	sst s6  }
0xf: {  	[smem:$0x3FAC] =	sst s7  }
0x10: {  	[smem:$0x3FAD] =	sst s8  }
0x11: {  	[smem:$0x3FAE] =	sst s9;
	s0 =	simm.s32 @!p0 $0x0  }
0x12: {  	s1 =	sld [smem:$0x3F94];
	s0 =	simm.s32 @p0 $0x1  }
0x13: {  	[smem:$0x3FAF] =	sst s0;
	s0 =	simm.s32 @!p1 $0x0  }
0x14: {  	s2 =	sld [smem:$0x3F93];
	s0 =	simm.s32 @p1 $0x1  }
0x15: {  	[smem:$0x3FB0] =	sst s0;
	s0 =	simm.s32 @!p2 $0x0  }
0x16: {  	s3 =	sld [smem:$0x3FDB];
	s0 =	simm.s32 @p2 $0x1  }
0x17: {  	s4 =	simm.s32 $0x1BF5;
	[smem:$0x3FB2] =	sst s0  }
0x18: {  	s0 =	sld [smem:$0x3F95];
	_ =	swait.ge [sflag:s4], $0x0  }
0x19: {  	s7 =	sld [smem:$0x3F96]  }
0x1a: {  	s8 =	sadd.s32 $0xFFFFE003, lr  }
0x1b: {  	s9 =	sadd.s32 $0xFFFFFEF7, lr;
	s5 =	simm.s32 $0xFFFFFFFF;
	p2 =	slt.u32 s8, $0xFFFFF086  }
0x1c: {  	p1 =	slt.u32 s9, $0xF7A;
	s5 =	simm.s32 @!p2 $0x0  }
0x1d: {  	s5 =	simm.s32 @p1 $0x1;
	p0 =	seq.s32 s7, s2  }
0x1e: {  	s7 =	smul.u32 @!p0 $0xF7A, s2;
	p2 =	seq.s32 @!p0 s5, $0x0  }
0x1f: {  	s9 =	smul.u32 $0xF7A, s1;
	s8 =	simm.s32 @!p0 $0x1BF5;
	p2 =	por !p2, p0  }
0x20: {  	[sflag:s8] =	ssyncset.s32 @!p0 $0xFFFFF086;
	s6 =	sadd.s32 @!p0 s3, s7;
	s7 =	simm.s32 @!p0 $0x108  }
0x21: {  	s3 =	sadd.s32 s3, s9;
	s6 =	sadd.s32 @!p0 $0x88, s6;
	s7 =	simm.s32 @p2 $0x1082  }
0x22: {  	[simem:s7], [sflag:s8] =	dma.local @!p0 [hbm:s6], $0xF7A  }
0x23: {  	s9 =	sor.u32 $0xD0000000, s2;
	s6 =	simm.s32 $0x108;
	_ =	swait.ge @!p0 [sflag:s8], $0x0  }
0x24: {  	s3 =	sadd.s32 $0x88, s3;
	s6 =	simm.s32 @!p1 $0x1082;
	[sflag:s4] =	ssyncset.s32 $0xFFFFF086  }
0x25: {  	[simem:s6], [sflag:s4] =	dma.local [hbm:s3], $0xF7A  }
0x26: {  	[smem:$0x3F96] =	sst s1;
	(tag) =	ssettag s2;
	_ =	strace s9  }
0x27: {  	s1 =	sld [smem:$0x3FA6]  }
0x28: {  	s2 =	sld [smem:$0x3FA7]  }
0x29: {  	s4 =	sld [smem:$0x3FA9]  }
0x2a: {  	p0 =	seq.s32 s5, $0x0;
	s5 =	sld [smem:$0x3FAA]  }
0x2b: {  	s6 =	sld [smem:$0x3FAB]  }
0x2c: {  	s7 =	sld [smem:$0x3FAC]  }
0x2d: {  	s3 =	simm.s32 $0x108;
	s8 =	sld [smem:$0x3FAD]  }
0x2e: {  	s3 =	simm.s32 @!p0 $0x1082;
	s9 =	sld [smem:$0x3FAE]  }
0x2f: {  	lr =	sadd.s32 s0, s3;
	s0 =	sld [smem:$0x3FA5]  }
0x30: {  	s3 =	sld [smem:$0x3FA8]  }
0x31: {  	[smem:$0x3FB1] =	sst s10  }
0x32: {  	s10 =	sld [smem:$0x3FAF];
	_ =	sdelay $0x3  }
0x33: {  	p0 =	seq.s32 s10, $0x1;
	s10 =	sld [smem:$0x3FB1];
	_ =	sdelay $0x3  }
0x34: {  	[smem:$0x3FB1] =	sst s10  }
0x35: {  	s10 =	sld [smem:$0x3FB0];
	_ =	sdelay $0x3  }
0x36: {  	p1 =	seq.s32 s10, $0x1;
	s10 =	sld [smem:$0x3FB1];
	_ =	sdelay $0x3  }
0x37: {  	[smem:$0x3FB1] =	sst s10  }
0x38: {  	s10 =	sld [smem:$0x3FB2]  }
0x39: {  	_ = 	snop;
	(pc) =	sbr.ind lr, $3  }
0x3a: {  	_ = 	snop  }
0x3b: {  	_ = 	snop  }
0x3c: {  	p2 =	seq.s32 s10, $0x1;
	s10 =	sld [smem:$0x3FB1]  }
0x3d: {  	_ =	shalt  }
0x3e: {  	_ =	shalt  }
0x3f: {  	_ =	shalt  }
0x40: {  	_ =	shalt  }
0x41: {  	_ =	shalt  }
0x42: {  	_ =	shalt  }
0x43: {  	_ =	shalt  }
0x44: {  	_ =	shalt  }
0x45: {  	_ =	shalt  }
0x46: {  	_ =	shalt  }
0x47: {  	_ =	shalt  }
0x48: {  	_ =	shalt  }
0x49: {  	_ =	shalt  }
0x4a: {  	_ =	shalt  }
0x4b: {  	_ =	shalt  }
0x4c: {  	_ =	shalt  }
0x4d: {  	_ =	shalt  }
0x4e: {  	_ =	shalt  }
0x4f: {  	_ =	shalt  }
0x50: {  	_ =	shalt  }
0x51: {  	_ =	shalt  }
0x52: {  	_ =	shalt  }
0x53: {  	_ =	shalt  }
0x54: {  	_ =	shalt  }
0x55: {  	_ =	shalt  }
0x56: {  	_ =	shalt  }
0x57: {  	_ =	shalt  }
0x58: {  	_ =	shalt  }
0x59: {  	_ =	shalt  }
0x5a: {  	_ =	shalt  }
0x5b: {  	_ =	shalt  }
0x5c: {  	_ =	shalt  }
0x5d: {  	_ =	shalt  }
0x5e: {  	_ =	shalt  }
0x5f: {  	_ =	shalt  }
0x60: {  	_ =	shalt  }
0x61: {  	_ =	shalt  }
0x62: {  	_ =	shalt  }
0x63: {  	_ =	shalt  }
0x64: {  	_ =	shalt  }
0x65: {  	_ =	shalt  }
0x66: {  	_ =	shalt  }
0x67: {  	_ =	shalt  }
0x68: {  	_ =	shalt  }
0x69: {  	_ =	shalt  }
0x6a: {  	_ =	shalt  }
0x6b: {  	_ =	shalt  }
0x6c: {  	_ =	shalt  }
0x6d: {  	_ =	shalt  }
0x6e: {  	_ =	shalt  }
0x6f: {  	_ =	shalt  }
0x70: {  	_ =	shalt  }
0x71: {  	_ =	shalt  }
0x72: {  	_ =	shalt  }
0x73: {  	_ =	shalt  }
0x74: {  	_ =	shalt  }
0x75: {  	_ =	shalt  }
0x76: {  	_ =	shalt  }
0x77: {  	_ =	shalt  }
0x78: {  	_ =	shalt  }
0x79: {  	_ =	shalt  }
0x7a: {  	_ =	shalt  }
0x7b: {  	_ =	shalt  }
0x7c: {  	_ =	shalt  }
0x7d: {  	_ =	shalt  }
0x7e: {  	_ =	shalt  }
0x7f: {  	_ =	shalt  }
0x80: {  	_ =	shalt  }
0x81: {  	_ =	shalt  }
0x82: {  	_ =	shalt  }
0x83: {  	_ =	shalt  }
0x84: {  	_ =	shalt  }
0x85: {  	_ =	shalt  }
0x86: {  	_ =	shalt  }
0x87: {  	_ =	shalt  }
.Lfunc_end0:
.L_simem_size_0:
called_computation_lowered:
.L_overlay_start_0:
0x88: {  	s2 =	sld [smem:$0x3FD9]  }
0x89: {  	s3 =	sld [smem:$0x3FFE];
	_ =	sdelay $0x1  }
0x8a: {  	s1 =	srdreg.scid  }
0x8b: {  	s0 =	sand.u32 $0x1, s1  }
0x8c: {  	s17 =	sshll.u32 s0, $0xA;
	s2 =	sadd.s32 s3, s2  }
0x8d: {  	s2 =	sadd.s32 s2, s17  }
0x8e: {  	[smem:$0x3FBD] =	sst s2  }
0x8f: {  	_ = 	snop  }
0x90: {  	(tm) =	ssettm $0x1  }
0x91: {  	s18 =	sld [smem:$0x3FFB];
	_ =	sdelay $0x3  }
0x92: {  	_ =	strace s18  }
0x93: {  	s2 =	sld [smem:$0x3FFC];
	_ =	sdelay $0x3  }
0x94: {  	_ =	strace s2  }
0x95: {  	s2 =	sld [smem:$0x3FFD];
	_ =	sdelay $0x3  }
0x96: {  	_ =	strace s2  }
0x97: {  	_ =	strace $0x8FFFFFFF  }
0x98: {  	s19 =	sld [smem:$0x3FDB];
	_ =	sdelay $0x1  }
0x99: {  	s20 =	simm.s32 $_scs_section_size  }
0x9a: {  	s4 =	simm.s32 $_size__tile_overlayer_lowered;
	s5 =	simm.s32 $_tile_overlayer_lowered  }
0x9b: {  	s6 =	simm.s32 $0x1BFF;
	s21 =	sshll.u32 s5, $0x1;
	s3 =	sadd.s32 s20, s19  }
0x9c: {  	s22 =	simm.s32 $0x0;
	s4 =	sshll.u32 s4, $0x1;
	s5 =	sadd.s32 s21, s3  }
0x9d: {  	[timem:s22], [sflag:s6] =	dma.local [hbm:s5], s4  }
0x9e: {  	_ =	swait.ge [sflag:s6], s4  }
0x9f: {  	s4 =	ssub.s32 $0x0, s4;
	[sflag:s6] =	ssyncset.done $0x0  }
0xa0: {  	[sflag:s6] =	ssyncadd.s32 s4;
	_ =	sdelay $0x1  }
0xa1: {  	s23 =	simm.s32 $0x1B8B  }
0xa2: {  	_ =	swait.ge [sflag:s23], $0x1  }
0xa3: {  	[sflag:s23] =	ssyncset.done $0x0  }
0xa4: {  	[sflag:s23] =	ssyncadd.s32 $0xFFFFFFFF  }
0xa5: {  	s4 =	sld [smem:$0x0]  }
0xa6: {  	s5 =	sand.u32 $0xFFFFFFFE, s1  }
0xa7: {  	p0 =	sne.s32 s1, s5  }
0xa8: {  	s5 =	sshll.u32 @p0 s5, $0xE  }
0xa9: {  	s5 =	sadd.s32 @p0 $0x11B8D, s5;
	s6 =	sshll.u32 @p0 s4, $0x11  }
0xaa: {  	s5 =	sor.u32 @p0 s6, s5  }
0xab: {  	[sflag:s5] =	ssyncadd.remote.s32 @p0 $0x1;
	_ =	sdelay $0x1  }
0xac: {  	s5 =	simm.s32 @p0 $0x1B8D  }
0xad: {  	_ =	swait.eq @p0 [sflag:s5], $0x1  }
0xae: {  	[sflag:s5] =	ssyncadd.s32 @p0 $0xFFFFFFFF  }
0xaf: {  	s6 =	sshll.u32 @!p0 s1, $0xE  }
0xb0: {  	s6 =	sor.u32 @!p0 $0x4000, s6;
	s5 =	simm.s32 @!p0 $0x1B8D  }
0xb1: {  	s4 =	sshll.u32 @!p0 s4, $0x11;
	s6 =	sadd.s32 @!p0 $0x11B8D, s6;
	_ =	swait.eq @!p0 [sflag:s5], $0x1  }
0xb2: {  	s4 =	sor.u32 @!p0 s4, s6;
	[sflag:s5] =	ssyncadd.s32 @!p0 $0xFFFFFFFF  }
0xb3: {  	s25 =	simm.s32 $0x1B8E;
	s24 =	sld [smem:$0x3FFE];
	[sflag:s4] =	ssyncadd.remote.s32 @!p0 $0x1  }
0xb4: {  	s26 =	simm.s32 $execute0_lowered;
	[smem:$0x3FD2] =	sst s25  }
0xb5: {  	s5 =	sshll.u32 s26, $0x1;
	_ =	strace $0x80000049;
	[dreg:$0x1] =	wrdreg $0xFFFFFFFF  }
0xb6: {  	s28 =	simm.s32 $_size_execute0_lowered;
	s3 =	sadd.s32 s3, s5;
	[dreg:$0x0] =	wrdreg $0x0  }
0xb7: {  	s5 =	sshll.u32 s28, $0x1;
	[dreg:$0x2] =	wrdreg s3  }
0xb8: {  	[dreg:$0x3] =	wrdreg s5  }
0xb9: {  	[dreg:$0x4] =	wrdreg $0xC0  }
0xba: {  	_ =	task [dreg:s22], $0x5FFFF  }
0xbb: {  	[dreg:$0x1] =	wrdreg $0xFFFFFFFF  }
0xbc: {  	[dreg:$0x0] =	wrdreg $0x60  }
0xbd: {  	[dreg:$0x2] =	wrdreg s24  }
0xbe: {  	[dreg:$0x3] =	wrdreg $0x41000  }
0xbf: {  	[dreg:$0x4] =	wrdreg $0x9  }
0xc0: {  	_ =	task.clear_ibuf [dreg:s22], $0x5FFFF;
	_ =	strace $0x90000049  }
0xc1: {  	s29 =	simm.s32 $0x9;
	_ =	strace $0x8000004B  }
0xc2: {  	_ =	swait.ge [sflag:s29], $0x1  }
0xc3: {  	[sflag:s29] =	ssyncadd.s32 $0xFFFFFFFF  }
0xc4: {  	_ =	strace $0x9000004B  }
0xc5: {  	_ =	sfence  }
0xc6: {  	s30 =	sld [smem:$0x0];
	_ =	sdelay $0x2  }
0xc7: {  	s31 =	sshll.u32 s1, $0xD;
	s1 =	sshrl.u32 s1, $0x2  }
0xc8: {  	s4 =	sand.u32 $0x4000, s31;
	s1 =	sadd.s32 s1, s30  }
0xc9: {  	s0 =	sor.u32 s4, s0;
	s1 =	sshll.u32 s1, $0x11  }
0xca: {  	s0 =	sor.u32 s1, s0  }
0xcb: {  	s0 =	sadd.s32 $0x8F2B, s0  }
0xcc: {  	[sflag:s0] =	ssyncadd.remote.s32 $0x1  }
0xcd: {  	_ =	sfence.sel $0xFFFF  }
0xce: {  	[dreg:$0x0] =	wrdreg $0xFFFFFFFF;
	(pc) =	sbr.abs _section_cstart, $3  }
0xcf: {  	[dreg:$0x1] =	wrdreg $0xFFFFFFFF  }
0xd0: {  	_ =	task.clear_ibuf [dreg:s22], $0x2FFFF;
	_ =	strace $0x9FFFFFFF  }
0xd1: {  	(tm) =	ssettm $0x7FFFFFFF  }
tec
execute0_lowered:
.L_overlay_start_1:
0x0: {  	(tag) =	ssettag $0x1  }
0x1: {  	s6 =	rddreg [dreg:$0x0]  }
0x2: {  	s1 =	rddreg [dreg:$0x1]  }
0x3: {  	s0 =	rddreg [dreg:$0x2];
	s2 =	simm.s32 $0x0;
	s3 =	srdreg.scid  }
0x4: {  	s14 =	stileid.u32;
	s17 =	simm.s32 $0x80;
	s18 =	simm.s32 $0x1  }
0x5: {  	s19 =	simm.s32 $0x2;
	s20 =	simm.s32 $0x3;
	s21 =	simm.s32 $0x4  }
0x6: {  	s22 =	simm.s32 $0x0;
	[smem:$0x7FF] =	sst s2;
	s7 =	sand.u32 $0x1, s3  }
0x7: {  	s3 =	sadd.s32 $0x4600, s6;
	s4 =	sadd.s32 $0x18600, s6;
	s9 =	smul.u32 $0x4E000, s14  }
0x8: {  	s11 =	sadd.s32 $0x69800, s6;
	s28 =	smul.u32 $0x13800, s14;
	s16 =	sadd.s32 $0x138000, s1  }
0x9: {  	s13 =	smul.u32 $0x500, s14;
	p0 =	sne.s32 s14, $0x0;
	_ =	strace $0x8000004A  }
0xa: {  	s5 =	sshll.u32 s7, $0x4;
	s10 =	ssub.s32 $0x2, s7;
	s12 =	smul.u32 $0x138800, s7  }
0xb: {  	s31 =	smul.u32 $0x5000, s7;
	s16 =	sshrl.u32 @!p0 s16, $0x3;
	s8 =	sor.u32 s14, s5  }
0xc: {  	s5 =	sadd.s32 $0x69000, s6;
	s25 =	sshrl.u32 s10, $0x1;
	s26 =	sshrl.u32 s9, $0x2  }
0xd: {  	s14 =	sshll.u32 s14, $0x6;
	s8 =	smul.u32 $0x500, s8;
	s10 =	ssub.s32 s10, s25  }
0xe: {  	s15 =	sadd.s32 s26, s1;
	s29 =	sadd.s32 s28, s12;
	s30 =	sshrl.u32 s12, $0x3  }
0xf: {  	s12 =	simm.s32 $0x100;
	s14 =	sor.u32 $0x1C05, s14;
	s9 =	sadd.s32 s11, s30  }
0x10: {  	s10 =	smax.u32 s10, $0x1;
	s15 =	sshrl.u32 s15, $0x3;
	s6 =	sadd.s32 s3, s8  }
0x11: {  	s8 =	sshrl.u32 s29, $0x3;
	s9 =	sadd.s32 $0x27000, s9;
	s7 =	sadd.s32 $0x10, s6  }
0x12: {  	s8 =	sadd.s32 s11, s8;
	s11 =	sadd.s32 s13, s31;
	s13 =	simm.s32 $0x5  }
.LBB2_1:
0x13: {  	[tilespmem:s12], [sflag:$0x5] =	stream.linear.gather [hbm4b:s5+s2], $0x4000, $0x38;
	[tilespmem:$0x17A00] =	vst v63  }
0x14: {  	_ =	swait.ge [sflag:s13], $0x4000  }
0x15: {  	[sflag:s13] =	ssyncset.done $0x0  }
0x16: {  	[sflag:s13] =	ssyncadd.s32 $0xFFFFC000  }
0x17: {  	[spmem:s15], [sflag:s14] =	dma.local [hbm:s4], $0x2700  }
0x18: {  	_ =	swait.ge [sflag:s13], $0x2700  }
0x19: {  	[sflag:s13] =	ssyncset.done $0x0  }
0x1a: {  	s23 =	simm.s32 @!p0 $0x5;
	[sflag:s13] =	ssyncadd.s32 $0xFFFFD900  }
0x1b: {  	[spmem:s16], [sflag:s14] =	dma.local @!p0 [hbm:s4], $0x200  }
0x1c: {  	_ =	swait.ge @!p0 [sflag:s23], $0x200  }
0x1d: {  	[sflag:s23] =	ssyncset.done @!p0 $0x0  }
0x1e: {  	[sflag:s23] =	ssyncadd.s32 @!p0 $0xFFFFFE00  }
0x1f: {  	[bflag:$0x0] =	sbarrier.arrive $0xFFFF  }
0x20: {  	[tilespmem:s2], [sflag:$0x1] =	stream.linear.gather [hbm4b:s6+s2], $0x80, $0x38;
	[tilespmem:$0x17A00] =	vst v63  }
0x21: {  	_ = 	snop  }
0x22: {  	[tilespmem:s17], [sflag:$0x2] =	stream.linear.gather [hbm4b:s7+s2], $0x80, $0x38;
	[tilespmem:$0x17A00] =	vst v63  }
0x23: {  	_ =	swait.ge [sflag:s18], $0x80  }
0x24: {  	[sflag:s18] =	ssyncset.done $0x0  }
0x25: {  	[sflag:s18] =	ssyncadd.s32 $0xFFFFFF80  }
0x26: {  	[spmem:s1] =	stream.indirect.scatter.add.f32 [tilespmem:s12], [sflag:$0x3], $0x80, s2, s17, $0xb8;
	[tilespmem:$0x17A00] =	vst v63  }
0x27: {  	_ =	swait.ge [sflag:s19], $0x80  }
0x28: {  	[sflag:s19] =	ssyncset.done $0x0  }
0x29: {  	s29 =	sadd.s32 $0x30, s11;
	s24 =	simm.s32 $0x20;
	[sflag:s19] =	ssyncadd.s32 $0xFFFFFF80  }
0x2a: {  	[spmem:s1] =	stream.indirect.scatter.add.f32 [tilespmem:s12], [sflag:$0x4], $0x80, s17, s17, $0xb8;
	[tilespmem:$0x17A00] =	vst v63  }
0x2b: {  	s25 =	sadd.s32 $0xFFFFFFF0, s29;
	s24 =	sand.u32 $0x60, s24;
	_ =	swait.ge [sflag:s20], $0x4000  }
0x2c: {  	s25 =	sand.u32 $0xFFFFF80, s25;
	s24 =	sadd.s32 s3, s24;
	[sflag:s20] =	ssyncset.done $0x0  }
0x2d: {  	s26 =	simm.s32 $0x30;
	s24 =	sadd.s32 s25, s24;
	[sflag:s20] =	ssyncadd.s32 $0xFFFFC000  }
0x2e: {  	[tilespmem:s2], [sflag:$0x1] =	stream.linear.gather [hbm4b:s24+s2], $0x80, $0x38;
	[tilespmem:$0x17A00] =	vst v63  }
0x2f: {  	s30 =	sand.u32 $0x70, s26;
	_ =	swait.ge [sflag:s21], $0x4000  }
0x30: {  	s31 =	sand.u32 $0xFFFFF80, s29;
	s24 =	sadd.s32 s3, s30;
	[sflag:s21] =	ssyncset.done $0x0  }
0x31: {  	s23 =	simm.s32 $0x50;
	s24 =	sadd.s32 s31, s24;
	[sflag:s21] =	ssyncadd.s32 $0xFFFFC000  }
.LBB2_2:
0x32: {  	[tilespmem:s17], [sflag:$0x2] =	stream.linear.gather [hbm4b:s24+s2], $0x80, $0x38;
	[tilespmem:$0x17A00] =	vst v63  }
0x33: {  	s24 =	smov.u32 s23  }
0x34: {  	p1 =	sne.s32 s23, $0x4F0;
	s23 =	sadd.s32 $0x20, s23;
	_ =	swait.ge [sflag:s18], $0x80  }
0x35: {  	[sflag:s18] =	ssyncset.done $0x0  }
0x36: {  	[sflag:s18] =	ssyncadd.s32 $0xFFFFFF80  }
0x37: {  	[spmem:s1] =	stream.indirect.scatter.add.f32 [tilespmem:s12], [sflag:$0x3], $0x80, s2, s17, $0xb8;
	[tilespmem:$0x17A00] =	vst v63  }
0x38: {  	_ =	swait.ge [sflag:s19], $0x80  }
0x39: {  	[sflag:s19] =	ssyncset.done $0x0  }
0x3a: {  	s25 =	sadd.s32 s24, s11;
	s26 =	sadd.s32 $0xFFFFFFF0, s24;
	[sflag:s19] =	ssyncadd.s32 $0xFFFFFF80  }
0x3b: {  	[spmem:s1] =	stream.indirect.scatter.add.f32 [tilespmem:s12], [sflag:$0x4], $0x80, s17, s17, $0xb8;
	[tilespmem:$0x17A00] =	vst v63  }
0x3c: {  	s28 =	sadd.s32 $0xFFFFFFF0, s25;
	s26 =	sand.u32 $0x60, s26;
	_ =	swait.ge [sflag:s20], $0x4000  }
0x3d: {  	s28 =	sand.u32 $0xFFFFF80, s28;
	s26 =	sadd.s32 s3, s26;
	[sflag:s20] =	ssyncset.done $0x0  }
.Ltmp0:
0x3e: {  	s26 =	sadd.s32 s28, s26;
	[sflag:s20] =	ssyncadd.s32 $0xFFFFC000;
	(pc) =	sbr.rel @p1 .LBB2_2-.Ltmp0, $4  }
0x3f: {  	[tilespmem:s2], [sflag:$0x1] =	stream.linear.gather [hbm4b:s26+s2], $0x80, $0x38;
	[tilespmem:$0x17A00] =	vst v63  }
0x40: {  	s24 =	sand.u32 $0x70, s24;
	s25 =	sand.u32 $0xFFFFF80, s25;
	_ =	swait.ge [sflag:s21], $0x4000  }
0x41: {  	s24 =	sadd.s32 s3, s24;
	[sflag:s21] =	ssyncset.done $0x0  }
0x42: {  	s24 =	sadd.s32 s25, s24;
	[sflag:s21] =	ssyncadd.s32 $0xFFFFC000  }
0x43: {  	[tilespmem:s17], [sflag:$0x2] =	stream.linear.gather [hbm4b:s24+s2], $0x80, $0x38;
	[tilespmem:$0x17A00] =	vst v63  }
0x44: {  	_ =	swait.ge [sflag:s18], $0x80  }
0x45: {  	[sflag:s18] =	ssyncset.done $0x0  }
0x46: {  	[sflag:s18] =	ssyncadd.s32 $0xFFFFFF80  }
0x47: {  	[spmem:s1] =	stream.indirect.scatter.add.f32 [tilespmem:s12], [sflag:$0x3], $0x80, s2, s17, $0xb8;
	[tilespmem:$0x17A00] =	vst v63  }
0x48: {  	_ =	swait.ge [sflag:s19], $0x80  }
0x49: {  	[sflag:s19] =	ssyncset.done $0x0  }
0x4a: {  	[sflag:s19] =	ssyncadd.s32 $0xFFFFFF80  }
0x4b: {  	[spmem:s1] =	stream.indirect.scatter.add.f32 [tilespmem:s12], [sflag:$0x4], $0x80, s17, s17, $0xb8;
	[tilespmem:$0x17A00] =	vst v63  }
0x4c: {  	_ =	swait.ge [sflag:s20], $0x4000  }
0x4d: {  	[sflag:s20] =	ssyncset.done $0x0  }
0x4e: {  	[sflag:s20] =	ssyncadd.s32 $0xFFFFC000  }
0x4f: {  	_ =	swait.ge [sflag:s21], $0x4000  }
0x50: {  	[sflag:s21] =	ssyncset.done $0x0  }
0x51: {  	[sflag:s21] =	ssyncadd.s32 $0xFFFFC000  }
0x52: {  	[bflag:$0x0] =	sbarrier.arrive $0xFFFF  }
0x53: {  	[hbm:s8], [sflag:s14] =	dma.local [spmem:s15], $0x2700  }
0x54: {  	s22 =	sadd.s32 $0x1, s22;
	_ =	swait.ge [sflag:s13], $0x2700  }
0x55: {  	p1 =	sne.s32 s22, s10;
	[sflag:s13] =	ssyncset.done $0x0  }
.Ltmp1:
0x56: {  	s23 =	simm.s32 @!p0 $0x5;
	[sflag:s13] =	ssyncadd.s32 $0xFFFFD900;
	(pc) =	sbr.rel @p1 .LBB2_1-.Ltmp1, $4  }
0x57: {  	[hbm:s9], [sflag:s14] =	dma.local @!p0 [spmem:s16], $0x100  }
0x58: {  	_ =	swait.ge @!p0 [sflag:s23], $0x100  }
0x59: {  	[sflag:s23] =	ssyncset.done @!p0 $0x0  }
0x5a: {  	[sflag:s23] =	ssyncadd.s32 @!p0 $0xFFFFFF00  }
0x5b: {  	_ =	sfence.sel $0x180000  }
0x5c: {  	[bflag:$0x0] =	sbarrier.arrive $0xFFFF  }
0x5d: {  	_ =	strace $0x9000004A  }
0x5e: {  	s0 =	sadd.s32 @!p0 $0x100000, s0;
	[bflag:$0x2] =	sbarrier.arrive $0xFFFF  }
0x5f: {  	[sflag:s0] =	ssyncadd.tile.s32 @!p0 $0x1;
	_ =	shalt  }
.Lfunc_end2:
_tile_overlayer_lowered:
.L_overlay_start_2:
0x60: {  	(tag) =	ssettag $0x2  }
0x61: {  	s0 =	rddreg [dreg:$0x0];
	s2 =	stileid.u32  }
0x62: {  	s1 =	rddreg [dreg:$0x1];
	p0 =	sne.s32 s2, $0x0  }
0x63: {  	s3 =	rddreg [dreg:$0x2];
	[bflag:$0x3] =	sbarrier.arrive $0xFFFF;
	s2 =	simm.s32 @!p0 $0x1C05  }
0x64: {  	[timem:s3], [sflag:s2] =	dma.local @!p0 [hbm:s0], s1  }
0x65: {  	s0 =	simm.s32 @!p0 $0x5  }
0x66: {  	_ =	swait.ge @!p0 [sflag:s0], s1  }
0x67: {  	s1 =	ssub.s32 @!p0 $0x0, s1;
	[sflag:s0] =	ssyncset.done @!p0 $0x0  }
0x68: {  	[sflag:s0] =	ssyncadd.s32 @!p0 s1  }
0x69: {  	[bflag:$0x3] =	sbarrier.arrive $0xFFFF  }
0x6a: {  	_ =	shalt  }

</sc_bundles>
